<compile_context>
chip_gen: v7x
topology: tpu7x:2x2x1
jax: 0.10.2.dev20260603
libtpu: 0.0.44.dev20260713+nightly
codegen_flags: <defaults>
</compile_context>

<pallas_src>
import functools

import jax
import jax.numpy as jnp
from jax import lax
from jax.experimental import pallas as pl
from jax.experimental.pallas import tpu as pltpu
from jax.experimental.pallas import tpu_sc as plsc

N = 10000
NPAD = 10240
E = 320000
D = 128
DH = 64
K = 1280
NCHUNK = E // K
B = 128
NT = 16
NPT = NPAD // NT
NPT2 = NPT + 8
PEND = K + B
NEG = -3.0e38

_GD = lax.GatherDimensionNumbers(
    offset_dims=(), collapsed_slice_dims=(0,), start_index_map=(0,))


def _splat(x, i):
    idx = jnp.full((16,), i, jnp.int32)
    return lax.gather(x, idx[:, None], _GD, slice_sizes=(1,),
                      mode=lax.GatherScatterMode.PROMISE_IN_BOUNDS)



def _pre_body(v_ref, proj_ref, wa_ref, al_ref, ar_ref, wg_ref, gl_ref, gr_ref,
              a0_ref, a1_ref, s_ref):
    v = v_ref[...]
    vwg = jnp.dot(v, wg_ref[...], preferred_element_type=jnp.float32)
    proj = proj_ref[...]
    a0_ref[...] = jnp.concatenate([proj[:, :DH], vwg[:, :DH]], axis=1)
    a1_ref[...] = jnp.concatenate([proj[:, DH:], vwg[:, DH:]], axis=1)
    c = jnp.concatenate(
        [jnp.dot(wa_ref[...], al_ref[...], preferred_element_type=jnp.float32),
         jnp.dot(wa_ref[...], ar_ref[...], preferred_element_type=jnp.float32),
         gl_ref[...], gr_ref[...]], axis=1)
    s_ref[...] = jnp.dot(v, c, preferred_element_type=jnp.float32)


def _precompute(vp, pp, Wa, att_l, att_r, Wg, gate_l, gate_r):
    rb = 2048
    row = pl.BlockSpec((rb, D), lambda i: (i, 0))
    full = pl.BlockSpec((D, 1), lambda i: (0, 0))
    fullm = pl.BlockSpec((D, D), lambda i: (0, 0))
    return pl.pallas_call(
        _pre_body,
        grid=(NPAD // rb,),
        in_specs=[row, row, fullm, full, full, fullm, full, full],
        out_specs=(row, row, pl.BlockSpec((rb, 4), lambda i: (i, 0))),
        out_shape=(
            jax.ShapeDtypeStruct((NPAD, D), jnp.float32),
            jax.ShapeDtypeStruct((NPAD, D), jnp.float32),
            jax.ShapeDtypeStruct((NPAD, 4), jnp.float32),
        ),
    )(vp, pp, Wa, att_l, att_r, Wg, gate_l, gate_r)



def _edge_body(src_h, dst_h, pw_h, a0_h, a1_h, zl_h, zr_h, vgr_h,
               h0_h, h1_h, mf0_h, mf1_h, den_h, ms_h, dg_h,
               ebuf_src, ebuf_dst, ebuf_pw,
               pend_src, pend_dl, pend_pw,
               tbuf, pwbuf, pwvbuf, dlbuf, grow,
               acc_h, acc_mf, acc_sc,
               zl_t, vgr_t, zr_o,
               sem_e, sem_g):
    c = lax.axis_index("c")
    s = lax.axis_index("s")
    lo = s * NPT
    hi = lo + NPT

    iota = lax.iota(jnp.int32, 16)
    zero16 = jnp.zeros((16,), jnp.float32)
    neg16 = jnp.full((16,), NEG, jnp.float32)
    zero16i = jnp.zeros((16,), jnp.int32)
    m3 = iota < 3
    off3 = jnp.where(iota == 1, NPT2, 0) + jnp.where(iota == 2, 2 * NPT2, 0)
    oh0 = jnp.where(iota == 0, 1.0, 0.0)
    oh1 = jnp.where(iota == 1, 1.0, 0.0)
    oh2 = jnp.where(iota == 2, 1.0, 0.0)

    pltpu.sync_copy(zl_h, zl_t)
    pltpu.sync_copy(vgr_h, vgr_t)
    pltpu.sync_copy(zr_h.at[pl.ds(lo, NPT)], zr_o)

    def init_acc(i, _):
        acc_h[pl.ds(i * 16, 16)] = zero16
        acc_mf[pl.ds(i * 16, 16)] = neg16
        return 0
    lax.fori_loop(0, (NPT + 1) * DH // 16, init_acc, 0)

    def init_sc(i, _):
        acc_sc[pl.ds(i * 16, 16)] = zero16
        return 0
    lax.fori_loop(0, (3 * NPT2 + 8) // 16, init_sc, 0)

    def init_pend(i, _):
        pend_src[pl.ds(i * 16, 16)] = zero16i
        pend_dl[pl.ds(i * 16, 16)] = zero16i
        return 0
    lax.fori_loop(0, PEND // 16, init_pend, 0)

    def fire_gather():
        idxs = pend_src.at[pl.ds(0, B)]

        @pl.when(c == 0)
        def _():
            pltpu.async_copy(a0_h.at[idxs], grow, sem_g)

        @pl.when(c != 0)
        def _():
            pltpu.async_copy(a1_h.at[idxs], grow, sem_g)

    def wait_gather():
        pltpu.make_async_copy(a0_h.at[pend_src.at[pl.ds(0, B)]], grow, sem_g).wait()

    trash16 = jnp.full((16,), NPT, jnp.int32)

    def compute_batch_scalars(nvalid):
        nv = jnp.full((16,), nvalid, jnp.int32)
        for g in range(B // 16):
            sl = pl.ds(g * 16, 16)
            valid = (iota + (g * 16)) < nv
            sv = pend_src[sl]
            dlv = pend_dl[sl]
            pv = pend_pw[sl]
            zlv = plsc.load_gather(zl_t, [sv])
            zrv = plsc.load_gather(zr_o, [dlv])
            vgv = plsc.load_gather(vgr_t, [sv])
            e = pv * zlv + zrv
            e = jnp.where(e >= 0.0, e, 0.01 * e)
            t = jnp.exp(e)
            tbuf[sl] = jnp.where(valid, t, zero16)
            pwbuf[sl] = jnp.where(valid, pv, zero16)
            pwvbuf[sl] = jnp.where(valid, pv * vgv, zero16)
            dlbuf[sl] = jnp.where(valid, dlv, trash16)

    def edge_rmw(i, _):
        spl = jnp.full((16,), i, jnp.int32)
        tb = plsc.load_gather(tbuf, [spl])
        pwb = plsc.load_gather(pwbuf, [spl])
        pwv = plsc.load_gather(pwvbuf, [spl])
        dlb = plsc.load_gather(dlbuf, [spl])
        base = dlb * DH + iota
        for k in range(DH // 16):
            idx = base + (k * 16)
            fp = grow[i, pl.ds(k * 16, 16)]
            fw = grow[i, pl.ds(DH + k * 16, 16)]
            plsc.addupdate_scatter(acc_h, [idx], tb * fp)
            mv = plsc.load_gather(acc_mf, [idx])
            plsc.store_scatter(acc_mf, [idx], jnp.maximum(mv, pwb * fw))
        sidx = dlb + off3
        addv = tb * oh0 + pwv * oh1 + oh2
        plsc.addupdate_scatter(acc_sc, [sidx], addv, mask=m3)
        return 0

    def process_batch(nvalid):
        fire_gather()
        compute_batch_scalars(nvalid)
        wait_gather()
        lax.fori_loop(0, B, edge_rmw, 0, unroll=2)

    def drain_body(np_):
        process_batch(jnp.int32(B))
        rem = np_ - B
        nmv = (rem + 15) // 16

        def mv_body(mi, _):
            sl_src = pl.ds(B + mi * 16, 16)
            sl_dst = pl.ds(mi * 16, 16)
            v0 = pend_src[sl_src]
            v1 = pend_dl[sl_src]
            v2 = pend_pw[sl_src]
            pend_src[sl_dst] = v0
            pend_dl[sl_dst] = v1
            pend_pw[sl_dst] = v2
            return 0
        lax.fori_loop(0, nmv, mv_body, 0)
        return rem

    def chunk_body(ci, np_vec):
        off = ci * K
        d1 = pltpu.async_copy(src_h.at[pl.ds(off, K)], ebuf_src, sem_e)
        d2 = pltpu.async_copy(dst_h.at[pl.ds(off, K)], ebuf_dst, sem_e)
        d3 = pltpu.async_copy(pw_h.at[pl.ds(off, K)], ebuf_pw, sem_e)
        d1.wait()
        d2.wait()
        d3.wait()

        lov = jnp.full((16,), lo, jnp.int32)
        hiv = jnp.full((16,), hi, jnp.int32)
        one16i = jnp.full((16,), 1, jnp.int32)

        def scan_body(j, np_vec):
            sl = pl.ds(j * 16, 16)
            sv = ebuf_src[sl]
            dv = ebuf_dst[sl]
            pv = ebuf_pw[sl]
            m = (dv >= lov) & (dv < hiv)
            mi = jnp.where(m, one16i, zero16i)
            pref = plsc.cumsum(mi)
            pos = np_vec + pref - one16i
            plsc.store_scatter(pend_src, [pos], sv, mask=m)
            plsc.store_scatter(pend_dl, [pos], dv - lov, mask=m)
            plsc.store_scatter(pend_pw, [pos], pv, mask=m)
            return np_vec + _splat(pref, 15)

        np_vec = lax.fori_loop(0, K // 16, scan_body, np_vec, unroll=4)
        np_ = jnp.max(np_vec)
        np_ = lax.while_loop(lambda n: n >= B, drain_body, np_)
        return jnp.full((16,), np_, jnp.int32)

    np_vec_f = lax.fori_loop(0, NCHUNK, chunk_body, jnp.zeros((16,), jnp.int32))
    np_f = jnp.max(np_vec_f)

    @pl.when(np_f > 0)
    def _():
        process_batch(np_f)

    @pl.when(c == 0)
    def _():
        pltpu.sync_copy(acc_h.at[pl.ds(0, NPT * DH)], h0_h.at[pl.ds(lo * DH, NPT * DH)])
        pltpu.sync_copy(acc_mf.at[pl.ds(0, NPT * DH)], mf0_h.at[pl.ds(lo * DH, NPT * DH)])
        pltpu.sync_copy(acc_sc.at[pl.ds(0, NPT)], den_h.at[pl.ds(lo, NPT)])
        pltpu.sync_copy(acc_sc.at[pl.ds(NPT2, NPT)], ms_h.at[pl.ds(lo, NPT)])
        pltpu.sync_copy(acc_sc.at[pl.ds(2 * NPT2, NPT)], dg_h.at[pl.ds(lo, NPT)])

    @pl.when(c != 0)
    def _():
        pltpu.sync_copy(acc_h.at[pl.ds(0, NPT * DH)], h1_h.at[pl.ds(lo * DH, NPT * DH)])
        pltpu.sync_copy(acc_mf.at[pl.ds(0, NPT * DH)], mf1_h.at[pl.ds(lo * DH, NPT * DH)])


def _edge_call(src, dst, pw, a0, a1, zl, zr, vgr):
    mesh = plsc.VectorSubcoreMesh(core_axis_name="c", subcore_axis_name="s")
    f = functools.partial(
        pl.kernel,
        out_type=(
            jax.ShapeDtypeStruct((NPAD * DH,), jnp.float32),
            jax.ShapeDtypeStruct((NPAD * DH,), jnp.float32),
            jax.ShapeDtypeStruct((NPAD * DH,), jnp.float32),
            jax.ShapeDtypeStruct((NPAD * DH,), jnp.float32),
            jax.ShapeDtypeStruct((NPAD,), jnp.float32),
            jax.ShapeDtypeStruct((NPAD,), jnp.float32),
            jax.ShapeDtypeStruct((NPAD,), jnp.float32),
        ),
        mesh=mesh,
        compiler_params=pltpu.CompilerParams(needs_layout_passes=False),
        scratch_types=[
            pltpu.VMEM((K,), jnp.int32),
            pltpu.VMEM((K,), jnp.int32),
            pltpu.VMEM((K,), jnp.float32),
            pltpu.VMEM((PEND,), jnp.int32),
            pltpu.VMEM((PEND,), jnp.int32),
            pltpu.VMEM((PEND,), jnp.float32),
            pltpu.VMEM((B,), jnp.float32),
            pltpu.VMEM((B,), jnp.float32),
            pltpu.VMEM((B,), jnp.float32),
            pltpu.VMEM((B,), jnp.int32),
            pltpu.VMEM((B, D), jnp.float32),
            pltpu.VMEM(((NPT + 1) * DH,), jnp.float32),
            pltpu.VMEM(((NPT + 1) * DH,), jnp.float32),
            pltpu.VMEM((3 * NPT2 + 8,), jnp.float32),
            pltpu.VMEM((NPAD,), jnp.float32),
            pltpu.VMEM((NPAD,), jnp.float32),
            pltpu.VMEM((NPT,), jnp.float32),
            pltpu.SemaphoreType.DMA,
            pltpu.SemaphoreType.DMA,
        ],
    )(_edge_body)
    return f(src, dst, pw, a0, a1, zl, zr, vgr)



def _comb_body(proj_ref, h0_ref, h1_ref, mf0_ref, mf1_ref, den_ref, ms_ref,
               dg_ref, vgl_ref, gm_ref, out_ref):
    h = jnp.concatenate([h0_ref[...], h1_ref[...]], axis=1)
    mf = jnp.concatenate([mf0_ref[...], mf1_ref[...]], axis=1)
    mf = jnp.where(mf > -1.0e38, mf, 0.0)
    den = den_ref[...]
    ms = ms_ref[...]
    dg = dg_ref[...]
    vgl = vgl_ref[...]
    hd = h / jnp.maximum(den, 1e-16)
    dotm = jnp.dot(mf, gm_ref[...], preferred_element_type=jnp.float32)
    gv = jax.nn.sigmoid(vgl + dotm + ms / jnp.maximum(dg, 1.0))
    out_ref[...] = proj_ref[...] + gv * hd


def _combine(proj_z, h0, h1, mf0, mf1, den, ms, dg, vgl, gate_m):
    rb = 2000
    rowd = pl.BlockSpec((rb, D), lambda i: (i, 0))
    rowh = pl.BlockSpec((rb, DH), lambda i: (i, 0))
    row1 = pl.BlockSpec((rb, 1), lambda i: (i, 0))
    full = pl.BlockSpec((D, 1), lambda i: (0, 0))
    return pl.pallas_call(
        _comb_body,
        grid=(N // rb,),
        in_specs=[rowd, rowh, rowh, rowh, rowh, row1, row1, row1, row1, full],
        out_specs=rowd,
        out_shape=jax.ShapeDtypeStruct((N, D), jnp.float32),
    )(proj_z, h0, h1, mf0, mf1, den, ms, dg, vgl, gate_m)


def kernel(v, proj_z, pre_w, edge_index, Wa, att_l, att_r, Wg, gate_l, gate_m, gate_r):
    src = edge_index[0]
    dst = edge_index[1]
    pw = pre_w[:, 0]
    vp = jnp.pad(v, ((0, NPAD - N), (0, 0)))
    pp = jnp.pad(proj_z, ((0, NPAD - N), (0, 0)))
    a0, a1, svec = _precompute(vp, pp, Wa, att_l, att_r, Wg, gate_l, gate_r)
    zl = svec[:, 0]
    zr = svec[:, 1]
    vgl = svec[:, 2]
    vgr = svec[:, 3]
    h0, h1, mf0, mf1, den, ms, dg = _edge_call(src, dst, pw, a0, a1, zl, zr, vgr)
    out = _combine(
        proj_z,
        h0.reshape(NPAD, DH), h1.reshape(NPAD, DH),
        mf0.reshape(NPAD, DH), mf1.reshape(NPAD, DH),
        den.reshape(NPAD, 1), ms.reshape(NPAD, 1), dg.reshape(NPAD, 1),
        vgl.reshape(NPAD, 1), gate_m)
    return out.reshape(1, 1, N, D)

# --- scband reference (transcript-rebuilt; emitter-appended) ---
"""Pipeline reference for scband-pw-ga-anlayer-54228257080050 (READ-ONLY COPY).

The authoritative reference and input builder live on the scoring server;
editing this copy changes nothing except your own understanding.
"""

import jax, jax.numpy as jnp
import numpy as np

N = 10000
E = 320000
IN_DIM = 128
OUT_DIM = 128


def setup_inputs(seed: int = 0) -> dict:
    key = jax.random.key(seed)
    ks = jax.random.split(key, 12)
    v = jax.random.normal(ks[0], (N, IN_DIM), dtype=jnp.float32)
    proj_z = jax.random.normal(ks[1], (N, OUT_DIM), dtype=jnp.float32)
    edge_index = jax.random.randint(ks[2], (2, E), 0, N, dtype=jnp.int32)
    pre_w = jax.random.uniform(ks[3], (E, 1), dtype=jnp.float32)
    # learned parameters (stored as [in, out] so application is x @ W)
    Wa = 0.1 * jax.random.normal(ks[4], (IN_DIM, OUT_DIM), dtype=jnp.float32)
    att_l = 0.1 * jax.random.normal(ks[5], (OUT_DIM, 1), dtype=jnp.float32)
    att_r = 0.1 * jax.random.normal(ks[6], (OUT_DIM, 1), dtype=jnp.float32)
    Wg = 0.1 * jax.random.normal(ks[7], (IN_DIM, OUT_DIM), dtype=jnp.float32)
    gate_l = 0.1 * jax.random.normal(ks[8], (IN_DIM, 1), dtype=jnp.float32)
    gate_m = 0.1 * jax.random.normal(ks[9], (OUT_DIM, 1), dtype=jnp.float32)
    gate_r = 0.1 * jax.random.normal(ks[10], (IN_DIM, 1), dtype=jnp.float32)
    return {"v": v, "proj_z": proj_z, "pre_w": pre_w, "edge_index": edge_index,
            "Wa": Wa, "att_l": att_l, "att_r": att_r, "Wg": Wg,
            "gate_l": gate_l, "gate_m": gate_m, "gate_r": gate_r}


def reference(v, proj_z, pre_w, edge_index, Wa, att_l, att_r, Wg, gate_l, gate_m, gate_r):
    src = edge_index[0]
    dst = edge_index[1]
    # z = Wa(v)
    z = v @ Wa
    # edge attention: e = leaky_relu(att_l(pre_w * z_src) + att_r(z_dst))
    e = jax.nn.leaky_relu((pre_w * z[src]) @ att_l + z[dst] @ att_r, negative_slope=0.01)
    # segment softmax over incoming edges of each dst node (equivalent to DGL mailbox softmax)
    e_max = jax.ops.segment_max(e, dst, num_segments=N)
    e_max = jnp.where(jnp.isfinite(e_max), e_max, 0.0)
    ealpha = jnp.exp(e - e_max[dst])
    denom = jax.ops.segment_sum(ealpha, dst, num_segments=N)
    alpha = ealpha / jnp.maximum(denom[dst], 1e-16)
    # (dropout p=0.1 on alpha omitted for determinism / eval mode)
    h = jax.ops.segment_sum(alpha * proj_z[src], dst, num_segments=N)
    # gate branch
    pwFeat = pre_w * v[src]
    gateProj = pwFeat @ Wg
    maxFeat = jax.ops.segment_max(gateProj, dst, num_segments=N)
    maxFeat = jnp.where(jnp.isfinite(maxFeat), maxFeat, 0.0)
    deg = jax.ops.segment_sum(jnp.ones((E, 1), jnp.float32), dst, num_segments=N)
    meanFeat = jax.ops.segment_sum(pwFeat, dst, num_segments=N) / jnp.maximum(deg, 1.0)
    gVal = jax.nn.sigmoid(v @ gate_l + maxFeat @ gate_m + meanFeat @ gate_r)
    h = gVal * h
    # num_heads=1, batch_size=1 -> reshape(1, 1, N, out_dim)
    res = (proj_z + h).reshape(1, 1, N, OUT_DIM)
    return res

if __name__ == "__main__":
    import jax
    _d = setup_inputs()
    print(jax.jit(kernel)(*tuple(_d.values())))

</pallas_src>

<mosaic_0001>
#map = affine_map<(d0, d1) -> (0)>
#map1 = affine_map<(d0, d1) -> (0, 0)>
module attributes {stable_mosaic.version = 14 : i64} {
  func.func @_edge_body(%arg0: i32, %arg1: i32, %arg2: memref<320000xi32, #tpu.memory_space<hbm>>, %arg3: memref<320000xi32, #tpu.memory_space<hbm>>, %arg4: memref<320000xf32, #tpu.memory_space<hbm>>, %arg5: memref<10240x128xf32, #tpu.memory_space<hbm>>, %arg6: memref<10240x128xf32, #tpu.memory_space<hbm>>, %arg7: memref<10240xf32, #tpu.memory_space<hbm>>, %arg8: memref<10240xf32, #tpu.memory_space<hbm>>, %arg9: memref<10240xf32, #tpu.memory_space<hbm>>, %arg10: memref<655360xf32, #tpu.memory_space<hbm>>, %arg11: memref<655360xf32, #tpu.memory_space<hbm>>, %arg12: memref<655360xf32, #tpu.memory_space<hbm>>, %arg13: memref<655360xf32, #tpu.memory_space<hbm>>, %arg14: memref<10240xf32, #tpu.memory_space<hbm>>, %arg15: memref<10240xf32, #tpu.memory_space<hbm>>, %arg16: memref<10240xf32, #tpu.memory_space<hbm>>, %arg17: memref<1280xi32, #tpu.memory_space<vmem>>, %arg18: memref<1280xi32, #tpu.memory_space<vmem>>, %arg19: memref<1280xf32, #tpu.memory_space<vmem>>, %arg20: memref<1408xi32, #tpu.memory_space<vmem>>, %arg21: memref<1408xi32, #tpu.memory_space<vmem>>, %arg22: memref<1408xf32, #tpu.memory_space<vmem>>, %arg23: memref<128xf32, #tpu.memory_space<vmem>>, %arg24: memref<128xf32, #tpu.memory_space<vmem>>, %arg25: memref<128xf32, #tpu.memory_space<vmem>>, %arg26: memref<128xi32, #tpu.memory_space<vmem>>, %arg27: memref<128x128xf32, #tpu.memory_space<vmem>>, %arg28: memref<41024xf32, #tpu.memory_space<vmem>>, %arg29: memref<41024xf32, #tpu.memory_space<vmem>>, %arg30: memref<1952xf32, #tpu.memory_space<vmem>>, %arg31: memref<10240xf32, #tpu.memory_space<vmem>>, %arg32: memref<10240xf32, #tpu.memory_space<vmem>>, %arg33: memref<640xf32, #tpu.memory_space<vmem>>, %arg34: memref<!tpu.dma_semaphore, #tpu.memory_space<semaphore_mem>>, %arg35: memref<!tpu.dma_semaphore, #tpu.memory_space<semaphore_mem>>) attributes {dimension_semantics = [#tpu.dimension_semantics<core_parallel>, #tpu.dimension_semantics<subcore_parallel>], iteration_bounds = array<i64: 2, 16>, scalar_prefetch = 0 : i64, scratch_operands = 19 : i64, tpu.core_type = #tpu.core_type<sc_vector_subcore>, window_params = [{transform_indices = #map}, {transform_indices = #map}, {transform_indices = #map}, {transform_indices = #map1}, {transform_indices = #map1}, {transform_indices = #map}, {transform_indices = #map}, {transform_indices = #map}, {transform_indices = #map}, {transform_indices = #map}, {transform_indices = #map}, {transform_indices = #map}, {transform_indices = #map}, {transform_indices = #map}, {transform_indices = #map}]} {
    %mul3A = arith.constant 640 : i32
    %mul3A_0 = arith.muli %arg1, %mul3A : i32
    %add3A = arith.constant 640 : i32
    %add3A_1 = arith.addi %mul3A_0, %add3A : i32
    %iota3A = tpu.iota {dimensions = array<i32: 0>} : vector<16xi32>
    %broadcast_in_dim3A = arith.constant 0.000000e+00 : f32
    %broadcast_in_dim3A_2 = vector.broadcast %broadcast_in_dim3A : f32 to vector<16xf32>
    %broadcast_in_dim3A_3 = arith.constant -3.000000e+38 : f32
    %broadcast_in_dim3A_4 = vector.broadcast %broadcast_in_dim3A_3 : f32 to vector<16xf32>
    %broadcast_in_dim3A_5 = arith.constant 0 : i32
    %broadcast_in_dim3A_6 = vector.broadcast %broadcast_in_dim3A_5 : i32 to vector<16xi32>
    %lt3A = arith.constant 3 : i32
    %lt3A_7 = vector.broadcast %lt3A : i32 to vector<16xi32>
    %lt3A_8 = arith.cmpi slt, %iota3A, %lt3A_7 : vector<16xi32>
    %eq3A = arith.constant 1 : i32
    %eq3A_9 = vector.broadcast %eq3A : i32 to vector<16xi32>
    %eq3A_10 = arith.cmpi eq, %iota3A, %eq3A_9 : vector<16xi32>
    %jit3A = arith.constant 648 : i32
    %jit3A_11 = arith.constant 0 : i32
    %broadcast_in_dim3A_12 = vector.broadcast %jit3A : i32 to vector<16xi32>
    %broadcast_in_dim3A_13 = vector.broadcast %jit3A_11 : i32 to vector<16xi32>
    %select_n3A = arith.select %eq3A_10, %broadcast_in_dim3A_12, %broadcast_in_dim3A_13 : vector<16xi1>, vector<16xi32>
    %eq3A_14 = arith.constant 2 : i32
    %eq3A_15 = vector.broadcast %eq3A_14 : i32 to vector<16xi32>
    %eq3A_16 = arith.cmpi eq, %iota3A, %eq3A_15 : vector<16xi32>
    %jit3A_17 = arith.constant 1296 : i32
    %jit3A_18 = arith.constant 0 : i32
    %broadcast_in_dim3A_19 = vector.broadcast %jit3A_17 : i32 to vector<16xi32>
    %broadcast_in_dim3A_20 = vector.broadcast %jit3A_18 : i32 to vector<16xi32>
    %select_n3A_21 = arith.select %eq3A_16, %broadcast_in_dim3A_19, %broadcast_in_dim3A_20 : vector<16xi1>, vector<16xi32>
    %add3A_22 = arith.addi %select_n3A, %select_n3A_21 : vector<16xi32>
    %eq3A_23 = arith.constant 0 : i32
    %eq3A_24 = vector.broadcast %eq3A_23 : i32 to vector<16xi32>
    %eq3A_25 = arith.cmpi eq, %iota3A, %eq3A_24 : vector<16xi32>
    %jit3A_26 = arith.constant 1.000000e+00 : f32
    %jit3A_27 = arith.constant 0.000000e+00 : f32
    %broadcast_in_dim3A_28 = vector.broadcast %jit3A_26 : f32 to vector<16xf32>
    %broadcast_in_dim3A_29 = vector.broadcast %jit3A_27 : f32 to vector<16xf32>
    %select_n3A_30 = arith.select %eq3A_25, %broadcast_in_dim3A_28, %broadcast_in_dim3A_29 : vector<16xi1>, vector<16xf32>
    %eq3A_31 = arith.constant 1 : i32
    %eq3A_32 = vector.broadcast %eq3A_31 : i32 to vector<16xi32>
    %eq3A_33 = arith.cmpi eq, %iota3A, %eq3A_32 : vector<16xi32>
    %jit3A_34 = arith.constant 1.000000e+00 : f32
    %jit3A_35 = arith.constant 0.000000e+00 : f32
    %broadcast_in_dim3A_36 = vector.broadcast %jit3A_34 : f32 to vector<16xf32>
    %broadcast_in_dim3A_37 = vector.broadcast %jit3A_35 : f32 to vector<16xf32>
    %select_n3A_38 = arith.select %eq3A_33, %broadcast_in_dim3A_36, %broadcast_in_dim3A_37 : vector<16xi1>, vector<16xf32>
    %eq3A_39 = arith.constant 2 : i32
    %eq3A_40 = vector.broadcast %eq3A_39 : i32 to vector<16xi32>
    %eq3A_41 = arith.cmpi eq, %iota3A, %eq3A_40 : vector<16xi32>
    %jit3A_42 = arith.constant 1.000000e+00 : f32
    %jit3A_43 = arith.constant 0.000000e+00 : f32
    %broadcast_in_dim3A_44 = vector.broadcast %jit3A_42 : f32 to vector<16xf32>
    %broadcast_in_dim3A_45 = vector.broadcast %jit3A_43 : f32 to vector<16xf32>
    %select_n3A_46 = arith.select %eq3A_41, %broadcast_in_dim3A_44, %broadcast_in_dim3A_45 : vector<16xi1>, vector<16xf32>
    "tpu.region"() ({
      %run_scoped3A = tpu.sem_alloc : memref<!tpu.dma_semaphore, #tpu.memory_space<semaphore_mem>>
      tpu.enqueue_dma source(%arg7 : memref<10240xf32, #tpu.memory_space<hbm>>) target(%arg31 : memref<10240xf32, #tpu.memory_space<vmem>>) target_semaphore(%run_scoped3A : memref<!tpu.dma_semaphore, #tpu.memory_space<semaphore_mem>>)
      tpu.wait_dma2 semaphore(%run_scoped3A : memref<!tpu.dma_semaphore, #tpu.memory_space<semaphore_mem>>) src(%arg7 : memref<10240xf32, #tpu.memory_space<hbm>>) dst(%arg31 : memref<10240xf32, #tpu.memory_space<vmem>>)
      tpu.yield
    }) : () -> ()
    "tpu.region"() ({
      %run_scoped3A = tpu.sem_alloc : memref<!tpu.dma_semaphore, #tpu.memory_space<semaphore_mem>>
      tpu.enqueue_dma source(%arg9 : memref<10240xf32, #tpu.memory_space<hbm>>) target(%arg32 : memref<10240xf32, #tpu.memory_space<vmem>>) target_semaphore(%run_scoped3A : memref<!tpu.dma_semaphore, #tpu.memory_space<semaphore_mem>>)
      tpu.wait_dma2 semaphore(%run_scoped3A : memref<!tpu.dma_semaphore, #tpu.memory_space<semaphore_mem>>) src(%arg9 : memref<10240xf32, #tpu.memory_space<hbm>>) dst(%arg32 : memref<10240xf32, #tpu.memory_space<vmem>>)
      tpu.yield
    }) : () -> ()
    "tpu.region"() ({
      %run_scoped3A = tpu.sem_alloc : memref<!tpu.dma_semaphore, #tpu.memory_space<semaphore_mem>>
      %dma_start3A = tpu.memref_slice %arg8[%mul3A_0] : memref<10240xf32, #tpu.memory_space<hbm>> -> memref<640xf32, #tpu.memory_space<hbm>>
      %dma_start3A_95 = tpu.memref_slice %arg8[%mul3A_0] : memref<10240xf32, #tpu.memory_space<hbm>> -> memref<640xf32, #tpu.memory_space<hbm>>
      tpu.enqueue_dma source(%dma_start3A_95 : memref<640xf32, #tpu.memory_space<hbm>>) target(%arg33 : memref<640xf32, #tpu.memory_space<vmem>>) target_semaphore(%run_scoped3A : memref<!tpu.dma_semaphore, #tpu.memory_space<semaphore_mem>>)
      %dma_wait3A = tpu.memref_slice %arg8[%mul3A_0] : memref<10240xf32, #tpu.memory_space<hbm>> -> memref<640xf32, #tpu.memory_space<hbm>>
      %dma_wait3A_96 = tpu.memref_slice %arg8[%mul3A_0] : memref<10240xf32, #tpu.memory_space<hbm>> -> memref<640xf32, #tpu.memory_space<hbm>>
      tpu.wait_dma2 semaphore(%run_scoped3A : memref<!tpu.dma_semaphore, #tpu.memory_space<semaphore_mem>>) src(%dma_wait3A_96 : memref<640xf32, #tpu.memory_space<hbm>>) dst(%arg33 : memref<640xf32, #tpu.memory_space<vmem>>)
      tpu.yield
    }) : () -> ()
    %scan3A = arith.constant 0 : i32
    %scan3A_47 = arith.constant 0 : i32
    %scan3A_48 = arith.constant 2564 : i32
    %scan3A_49 = arith.addi %scan3A_47, %scan3A_48 : i32
    %scan3A_50 = arith.constant 1 : i32
    %scan3A_51 = scf.for %scan3A_95 = %scan3A_47 to %scan3A_49 step %scan3A_50 iter_args(%scan3A_96 = %scan3A) -> (i32)  : i32 {
      %mul3A_97 = arith.constant 16 : i32
      %mul3A_98 = arith.muli %scan3A_95, %mul3A_97 : i32
      %swap3A = arith.index_cast %mul3A_98 : i32 to index
      %swap3A_99 = tpu.vector_load %arg28[%swap3A] {strides = array<i32>} : memref<41024xf32, #tpu.memory_space<vmem>>, vector<16xf32>,
      tpu.vector_store %arg28[%swap3A], %broadcast_in_dim3A_2 {strides = array<i32>} : memref<41024xf32, #tpu.memory_space<vmem>>, vector<16xf32>,
      %mul3A_100 = arith.constant 16 : i32
      %mul3A_101 = arith.muli %scan3A_95, %mul3A_100 : i32
      %swap3A_102 = arith.index_cast %mul3A_101 : i32 to index
      %swap3A_103 = tpu.vector_load %arg29[%swap3A_102] {strides = array<i32>} : memref<41024xf32, #tpu.memory_space<vmem>>, vector<16xf32>,
      tpu.vector_store %arg29[%swap3A_102], %broadcast_in_dim3A_4 {strides = array<i32>} : memref<41024xf32, #tpu.memory_space<vmem>>, vector<16xf32>,
      %scan3A_104 = arith.constant 0 : i32
      scf.yield %scan3A_104 : i32
    }
    %scan3A_52 = arith.constant 2564 : i32
    %scan3A_53 = arith.constant 0 : i32
    %scan3A_54 = arith.constant 0 : i32
    %scan3A_55 = arith.constant 122 : i32
    %scan3A_56 = arith.addi %scan3A_54, %scan3A_55 : i32
    %scan3A_57 = arith.constant 1 : i32
    %scan3A_58 = scf.for %scan3A_95 = %scan3A_54 to %scan3A_56 step %scan3A_57 iter_args(%scan3A_96 = %scan3A_53) -> (i32)  : i32 {
      %mul3A_97 = arith.constant 16 : i32
      %mul3A_98 = arith.muli %scan3A_95, %mul3A_97 : i32
      %swap3A = arith.index_cast %mul3A_98 : i32 to index
      %swap3A_99 = tpu.vector_load %arg30[%swap3A] {strides = array<i32>} : memref<1952xf32, #tpu.memory_space<vmem>>, vector<16xf32>,
      tpu.vector_store %arg30[%swap3A], %broadcast_in_dim3A_2 {strides = array<i32>} : memref<1952xf32, #tpu.memory_space<vmem>>, vector<16xf32>,
      %scan3A_100 = arith.constant 0 : i32
      scf.yield %scan3A_100 : i32
    }
    %scan3A_59 = arith.constant 122 : i32
    %scan3A_60 = arith.constant 0 : i32
    %scan3A_61 = arith.constant 0 : i32
    %scan3A_62 = arith.constant 88 : i32
    %scan3A_63 = arith.addi %scan3A_61, %scan3A_62 : i32
    %scan3A_64 = arith.constant 1 : i32
    %scan3A_65 = scf.for %scan3A_95 = %scan3A_61 to %scan3A_63 step %scan3A_64 iter_args(%scan3A_96 = %scan3A_60) -> (i32)  : i32 {
      %mul3A_97 = arith.constant 16 : i32
      %mul3A_98 = arith.muli %scan3A_95, %mul3A_97 : i32
      %swap3A = arith.index_cast %mul3A_98 : i32 to index
      %swap3A_99 = tpu.vector_load %arg20[%swap3A] {strides = array<i32>} : memref<1408xi32, #tpu.memory_space<vmem>>, vector<16xi32>,
      tpu.vector_store %arg20[%swap3A], %broadcast_in_dim3A_6 {strides = array<i32>} : memref<1408xi32, #tpu.memory_space<vmem>>, vector<16xi32>,
      %mul3A_100 = arith.constant 16 : i32
      %mul3A_101 = arith.muli %scan3A_95, %mul3A_100 : i32
      %swap3A_102 = arith.index_cast %mul3A_101 : i32 to index
      %swap3A_103 = tpu.vector_load %arg21[%swap3A_102] {strides = array<i32>} : memref<1408xi32, #tpu.memory_space<vmem>>, vector<16xi32>,
      tpu.vector_store %arg21[%swap3A_102], %broadcast_in_dim3A_6 {strides = array<i32>} : memref<1408xi32, #tpu.memory_space<vmem>>, vector<16xi32>,
      %scan3A_104 = arith.constant 0 : i32
      scf.yield %scan3A_104 : i32
    }
    %scan3A_66 = arith.constant 88 : i32
    %broadcast_in_dim3A_67 = arith.constant 640 : i32
    %broadcast_in_dim3A_68 = vector.broadcast %broadcast_in_dim3A_67 : i32 to vector<16xi32>
    %broadcast_in_dim3A_69 = arith.constant 0 : i32
    %broadcast_in_dim3A_70 = vector.broadcast %broadcast_in_dim3A_69 : i32 to vector<16xi32>
    %scan3A_71 = arith.constant 0 : i32
    %scan3A_72 = arith.constant 250 : i32
    %scan3A_73 = arith.addi %scan3A_71, %scan3A_72 : i32
    %scan3A_74 = arith.constant 1 : i32
    %scan3A_75 = scf.for %scan3A_95 = %scan3A_71 to %scan3A_73 step %scan3A_74 iter_args(%scan3A_96 = %broadcast_in_dim3A_70) -> (vector<16xi32>)  : i32 {
      %mul3A_97 = arith.constant 1280 : i32
      %mul3A_98 = arith.muli %scan3A_95, %mul3A_97 : i32
      %dma_start3A = tpu.memref_slice %arg2[%mul3A_98] : memref<320000xi32, #tpu.memory_space<hbm>> -> memref<1280xi32, #tpu.memory_space<hbm>>
      %dma_start3A_99 = tpu.memref_slice %arg2[%mul3A_98] : memref<320000xi32, #tpu.memory_space<hbm>> -> memref<1280xi32, #tpu.memory_space<hbm>>
      tpu.enqueue_dma source(%dma_start3A_99 : memref<1280xi32, #tpu.memory_space<hbm>>) target(%arg17 : memref<1280xi32, #tpu.memory_space<vmem>>) target_semaphore(%arg34 : memref<!tpu.dma_semaphore, #tpu.memory_space<semaphore_mem>>)
      %dma_start3A_100 = tpu.memref_slice %arg3[%mul3A_98] : memref<320000xi32, #tpu.memory_space<hbm>> -> memref<1280xi32, #tpu.memory_space<hbm>>
      %dma_start3A_101 = tpu.memref_slice %arg3[%mul3A_98] : memref<320000xi32, #tpu.memory_space<hbm>> -> memref<1280xi32, #tpu.memory_space<hbm>>
      tpu.enqueue_dma source(%dma_start3A_101 : memref<1280xi32, #tpu.memory_space<hbm>>) target(%arg18 : memref<1280xi32, #tpu.memory_space<vmem>>) target_semaphore(%arg34 : memref<!tpu.dma_semaphore, #tpu.memory_space<semaphore_mem>>)
      %dma_start3A_102 = tpu.memref_slice %arg4[%mul3A_98] : memref<320000xf32, #tpu.memory_space<hbm>> -> memref<1280xf32, #tpu.memory_space<hbm>>
      %dma_start3A_103 = tpu.memref_slice %arg4[%mul3A_98] : memref<320000xf32, #tpu.memory_space<hbm>> -> memref<1280xf32, #tpu.memory_space<hbm>>
      tpu.enqueue_dma source(%dma_start3A_103 : memref<1280xf32, #tpu.memory_space<hbm>>) target(%arg19 : memref<1280xf32, #tpu.memory_space<vmem>>) target_semaphore(%arg34 : memref<!tpu.dma_semaphore, #tpu.memory_space<semaphore_mem>>)
      %dma_wait3A = tpu.memref_slice %arg2[%mul3A_98] : memref<320000xi32, #tpu.memory_space<hbm>> -> memref<1280xi32, #tpu.memory_space<hbm>>
      %dma_wait3A_104 = tpu.memref_slice %arg2[%mul3A_98] : memref<320000xi32, #tpu.memory_space<hbm>> -> memref<1280xi32, #tpu.memory_space<hbm>>
      tpu.wait_dma2 semaphore(%arg34 : memref<!tpu.dma_semaphore, #tpu.memory_space<semaphore_mem>>) src(%dma_wait3A_104 : memref<1280xi32, #tpu.memory_space<hbm>>) dst(%arg17 : memref<1280xi32, #tpu.memory_space<vmem>>)
      %dma_wait3A_105 = tpu.memref_slice %arg3[%mul3A_98] : memref<320000xi32, #tpu.memory_space<hbm>> -> memref<1280xi32, #tpu.memory_space<hbm>>
      %dma_wait3A_106 = tpu.memref_slice %arg3[%mul3A_98] : memref<320000xi32, #tpu.memory_space<hbm>> -> memref<1280xi32, #tpu.memory_space<hbm>>
      tpu.wait_dma2 semaphore(%arg34 : memref<!tpu.dma_semaphore, #tpu.memory_space<semaphore_mem>>) src(%dma_wait3A_106 : memref<1280xi32, #tpu.memory_space<hbm>>) dst(%arg18 : memref<1280xi32, #tpu.memory_space<vmem>>)
      %dma_wait3A_107 = tpu.memref_slice %arg4[%mul3A_98] : memref<320000xf32, #tpu.memory_space<hbm>> -> memref<1280xf32, #tpu.memory_space<hbm>>
      %dma_wait3A_108 = tpu.memref_slice %arg4[%mul3A_98] : memref<320000xf32, #tpu.memory_space<hbm>> -> memref<1280xf32, #tpu.memory_space<hbm>>
      tpu.wait_dma2 semaphore(%arg34 : memref<!tpu.dma_semaphore, #tpu.memory_space<semaphore_mem>>) src(%dma_wait3A_108 : memref<1280xf32, #tpu.memory_space<hbm>>) dst(%arg19 : memref<1280xf32, #tpu.memory_space<vmem>>)
      %broadcast_in_dim3A_109 = vector.broadcast %mul3A_0 : i32 to vector<16xi32>
      %broadcast_in_dim3A_110 = vector.broadcast %add3A_1 : i32 to vector<16xi32>
      %broadcast_in_dim3A_111 = arith.constant 1 : i32
      %broadcast_in_dim3A_112 = vector.broadcast %broadcast_in_dim3A_111 : i32 to vector<16xi32>
      %scan3A_113 = arith.constant 0 : i32
      %scan3A_114 = arith.constant 80 : i32
      %scan3A_115 = arith.addi %scan3A_113, %scan3A_114 : i32
      %scan3A_116 = arith.constant 4 : i32
      %scan3A_117 = scf.for %scan3A_128 = %scan3A_113 to %scan3A_115 step %scan3A_116 iter_args(%scan3A_129 = %scan3A_96) -> (vector<16xi32>)  : i32 {
        %mul3A_130 = arith.constant 16 : i32
        %mul3A_131 = arith.muli %scan3A_128, %mul3A_130 : i32
        %get3A = arith.index_cast %mul3A_131 : i32 to index
        %get3A_132 = tpu.vector_load %arg17[%get3A] {strides = array<i32>} : memref<1280xi32, #tpu.memory_space<vmem>>, vector<16xi32>,
        %get3A_133 = arith.index_cast %mul3A_131 : i32 to index
        %get3A_134 = tpu.vector_load %arg18[%get3A_133] {strides = array<i32>} : memref<1280xi32, #tpu.memory_space<vmem>>, vector<16xi32>,
        %get3A_135 = arith.index_cast %mul3A_131 : i32 to index
        %get3A_136 = tpu.vector_load %arg19[%get3A_135] {strides = array<i32>} : memref<1280xf32, #tpu.memory_space<vmem>>, vector<16xf32>,
        %ge3A = arith.cmpi sge, %get3A_134, %broadcast_in_dim3A_109 : vector<16xi32>
        %lt3A_137 = arith.cmpi slt, %get3A_134, %broadcast_in_dim3A_110 : vector<16xi32>
        %and3A = arith.andi %ge3A, %lt3A_137 : vector<16xi1>
        %select_n3A_138 = arith.select %and3A, %broadcast_in_dim3A_112, %broadcast_in_dim3A_6 : vector<16xi1>, vector<16xi32>
        %broadcast_in_dim3A_139 = arith.constant true
        %broadcast_in_dim3A_140 = vector.broadcast %broadcast_in_dim3A_139 : i1 to vector<16xi1>
        %masked_cumsum3A = tpu.scan <sum>, %select_n3A_138 masked %broadcast_in_dim3A_140 : vector<16xi32>, vector<16xi1> -> vector<16xi32>
        %add3A_141 = arith.addi %scan3A_129, %masked_cumsum3A : vector<16xi32>
        %sub3A = arith.subi %add3A_141, %broadcast_in_dim3A_112 : vector<16xi32>
        tpu.vector_store_idx %arg20[%sub3A], %get3A_132 masked %and3A : memref<1408xi32, #tpu.memory_space<vmem>>[vector<16xi32>], vector<16xi32>, vector<16xi1>
        %sub3A_142 = arith.subi %get3A_134, %broadcast_in_dim3A_109 : vector<16xi32>
        tpu.vector_store_idx %arg21[%sub3A], %sub3A_142 masked %and3A : memref<1408xi32, #tpu.memory_space<vmem>>[vector<16xi32>], vector<16xi32>, vector<16xi1>
        tpu.vector_store_idx %arg22[%sub3A], %get3A_136 masked %and3A : memref<1408xf32, #tpu.memory_space<vmem>>[vector<16xi32>], vector<16xf32>, vector<16xi1>
        %broadcast_in_dim3A_143 = arith.constant 15 : i32
        %broadcast_in_dim3A_144 = vector.broadcast %broadcast_in_dim3A_143 : i32 to vector<16xi32>
        %broadcast_in_dim3A_145 = vector.shape_cast %broadcast_in_dim3A_144 : vector<16xi32> to vector<16x1xi32>
        %gather3A = vector.shape_cast %broadcast_in_dim3A_145 : vector<16x1xi32> to vector<16xi32>
        %gather3A_146 = tpu.dynamic_gather %masked_cumsum3A[%gather3A] in [0] : vector<16xi32>, vector<16xi32> -> vector<16xi32>
        %add3A_147 = arith.addi %scan3A_129, %gather3A_146 : vector<16xi32>
        %scan3A_148 = arith.constant 1 : i32
        %scan3A_149 = arith.addi %scan3A_128, %scan3A_148 : i32
        %mul3A_150 = arith.constant 16 : i32
        %mul3A_151 = arith.muli %scan3A_149, %mul3A_150 : i32
        %get3A_152 = arith.index_cast %mul3A_151 : i32 to index
        %get3A_153 = tpu.vector_load %arg17[%get3A_152] {strides = array<i32>} : memref<1280xi32, #tpu.memory_space<vmem>>, vector<16xi32>,
        %get3A_154 = arith.index_cast %mul3A_151 : i32 to index
        %get3A_155 = tpu.vector_load %arg18[%get3A_154] {strides = array<i32>} : memref<1280xi32, #tpu.memory_space<vmem>>, vector<16xi32>,
        %get3A_156 = arith.index_cast %mul3A_151 : i32 to index
        %get3A_157 = tpu.vector_load %arg19[%get3A_156] {strides = array<i32>} : memref<1280xf32, #tpu.memory_space<vmem>>, vector<16xf32>,
        %ge3A_158 = arith.cmpi sge, %get3A_155, %broadcast_in_dim3A_109 : vector<16xi32>
        %lt3A_159 = arith.cmpi slt, %get3A_155, %broadcast_in_dim3A_110 : vector<16xi32>
        %and3A_160 = arith.andi %ge3A_158, %lt3A_159 : vector<16xi1>
        %select_n3A_161 = arith.select %and3A_160, %broadcast_in_dim3A_112, %broadcast_in_dim3A_6 : vector<16xi1>, vector<16xi32>
        %broadcast_in_dim3A_162 = arith.constant true
        %broadcast_in_dim3A_163 = vector.broadcast %broadcast_in_dim3A_162 : i1 to vector<16xi1>
        %masked_cumsum3A_164 = tpu.scan <sum>, %select_n3A_161 masked %broadcast_in_dim3A_163 : vector<16xi32>, vector<16xi1> -> vector<16xi32>
        %add3A_165 = arith.addi %add3A_147, %masked_cumsum3A_164 : vector<16xi32>
        %sub3A_166 = arith.subi %add3A_165, %broadcast_in_dim3A_112 : vector<16xi32>
        tpu.vector_store_idx %arg20[%sub3A_166], %get3A_153 masked %and3A_160 : memref<1408xi32, #tpu.memory_space<vmem>>[vector<16xi32>], vector<16xi32>, vector<16xi1>
        %sub3A_167 = arith.subi %get3A_155, %broadcast_in_dim3A_109 : vector<16xi32>
        tpu.vector_store_idx %arg21[%sub3A_166], %sub3A_167 masked %and3A_160 : memref<1408xi32, #tpu.memory_space<vmem>>[vector<16xi32>], vector<16xi32>, vector<16xi1>
        tpu.vector_store_idx %arg22[%sub3A_166], %get3A_157 masked %and3A_160 : memref<1408xf32, #tpu.memory_space<vmem>>[vector<16xi32>], vector<16xf32>, vector<16xi1>
        %broadcast_in_dim3A_168 = arith.constant 15 : i32
        %broadcast_in_dim3A_169 = vector.broadcast %broadcast_in_dim3A_168 : i32 to vector<16xi32>
        %broadcast_in_dim3A_170 = vector.shape_cast %broadcast_in_dim3A_169 : vector<16xi32> to vector<16x1xi32>
        %gather3A_171 = vector.shape_cast %broadcast_in_dim3A_170 : vector<16x1xi32> to vector<16xi32>
        %gather3A_172 = tpu.dynamic_gather %masked_cumsum3A_164[%gather3A_171] in [0] : vector<16xi32>, vector<16xi32> -> vector<16xi32>
        %add3A_173 = arith.addi %add3A_147, %gather3A_172 : vector<16xi32>
        %scan3A_174 = arith.constant 2 : i32
        %scan3A_175 = arith.addi %scan3A_128, %scan3A_174 : i32
        %mul3A_176 = arith.constant 16 : i32
        %mul3A_177 = arith.muli %scan3A_175, %mul3A_176 : i32
        %get3A_178 = arith.index_cast %mul3A_177 : i32 to index
        %get3A_179 = tpu.vector_load %arg17[%get3A_178] {strides = array<i32>} : memref<1280xi32, #tpu.memory_space<vmem>>, vector<16xi32>,
        %get3A_180 = arith.index_cast %mul3A_177 : i32 to index
        %get3A_181 = tpu.vector_load %arg18[%get3A_180] {strides = array<i32>} : memref<1280xi32, #tpu.memory_space<vmem>>, vector<16xi32>,
        %get3A_182 = arith.index_cast %mul3A_177 : i32 to index
        %get3A_183 = tpu.vector_load %arg19[%get3A_182] {strides = array<i32>} : memref<1280xf32, #tpu.memory_space<vmem>>, vector<16xf32>,
        %ge3A_184 = arith.cmpi sge, %get3A_181, %broadcast_in_dim3A_109 : vector<16xi32>
        %lt3A_185 = arith.cmpi slt, %get3A_181, %broadcast_in_dim3A_110 : vector<16xi32>
        %and3A_186 = arith.andi %ge3A_184, %lt3A_185 : vector<16xi1>
        %select_n3A_187 = arith.select %and3A_186, %broadcast_in_dim3A_112, %broadcast_in_dim3A_6 : vector<16xi1>, vector<16xi32>
        %broadcast_in_dim3A_188 = arith.constant true
        %broadcast_in_dim3A_189 = vector.broadcast %broadcast_in_dim3A_188 : i1 to vector<16xi1>
        %masked_cumsum3A_190 = tpu.scan <sum>, %select_n3A_187 masked %broadcast_in_dim3A_189 : vector<16xi32>, vector<16xi1> -> vector<16xi32>
        %add3A_191 = arith.addi %add3A_173, %masked_cumsum3A_190 : vector<16xi32>
        %sub3A_192 = arith.subi %add3A_191, %broadcast_in_dim3A_112 : vector<16xi32>
        tpu.vector_store_idx %arg20[%sub3A_192], %get3A_179 masked %and3A_186 : memref<1408xi32, #tpu.memory_space<vmem>>[vector<16xi32>], vector<16xi32>, vector<16xi1>
        %sub3A_193 = arith.subi %get3A_181, %broadcast_in_dim3A_109 : vector<16xi32>
        tpu.vector_store_idx %arg21[%sub3A_192], %sub3A_193 masked %and3A_186 : memref<1408xi32, #tpu.memory_space<vmem>>[vector<16xi32>], vector<16xi32>, vector<16xi1>
        tpu.vector_store_idx %arg22[%sub3A_192], %get3A_183 masked %and3A_186 : memref<1408xf32, #tpu.memory_space<vmem>>[vector<16xi32>], vector<16xf32>, vector<16xi1>
        %broadcast_in_dim3A_194 = arith.constant 15 : i32
        %broadcast_in_dim3A_195 = vector.broadcast %broadcast_in_dim3A_194 : i32 to vector<16xi32>
        %broadcast_in_dim3A_196 = vector.shape_cast %broadcast_in_dim3A_195 : vector<16xi32> to vector<16x1xi32>
        %gather3A_197 = vector.shape_cast %broadcast_in_dim3A_196 : vector<16x1xi32> to vector<16xi32>
        %gather3A_198 = tpu.dynamic_gather %masked_cumsum3A_190[%gather3A_197] in [0] : vector<16xi32>, vector<16xi32> -> vector<16xi32>
        %add3A_199 = arith.addi %add3A_173, %gather3A_198 : vector<16xi32>
        %scan3A_200 = arith.constant 3 : i32
        %scan3A_201 = arith.addi %scan3A_128, %scan3A_200 : i32
        %mul3A_202 = arith.constant 16 : i32
        %mul3A_203 = arith.muli %scan3A_201, %mul3A_202 : i32
        %get3A_204 = arith.index_cast %mul3A_203 : i32 to index
        %get3A_205 = tpu.vector_load %arg17[%get3A_204] {strides = array<i32>} : memref<1280xi32, #tpu.memory_space<vmem>>, vector<16xi32>,
        %get3A_206 = arith.index_cast %mul3A_203 : i32 to index
        %get3A_207 = tpu.vector_load %arg18[%get3A_206] {strides = array<i32>} : memref<1280xi32, #tpu.memory_space<vmem>>, vector<16xi32>,
        %get3A_208 = arith.index_cast %mul3A_203 : i32 to index
        %get3A_209 = tpu.vector_load %arg19[%get3A_208] {strides = array<i32>} : memref<1280xf32, #tpu.memory_space<vmem>>, vector<16xf32>,
        %ge3A_210 = arith.cmpi sge, %get3A_207, %broadcast_in_dim3A_109 : vector<16xi32>
        %lt3A_211 = arith.cmpi slt, %get3A_207, %broadcast_in_dim3A_110 : vector<16xi32>
        %and3A_212 = arith.andi %ge3A_210, %lt3A_211 : vector<16xi1>
        %select_n3A_213 = arith.select %and3A_212, %broadcast_in_dim3A_112, %broadcast_in_dim3A_6 : vector<16xi1>, vector<16xi32>
        %broadcast_in_dim3A_214 = arith.constant true
        %broadcast_in_dim3A_215 = vector.broadcast %broadcast_in_dim3A_214 : i1 to vector<16xi1>
        %masked_cumsum3A_216 = tpu.scan <sum>, %select_n3A_213 masked %broadcast_in_dim3A_215 : vector<16xi32>, vector<16xi1> -> vector<16xi32>
        %add3A_217 = arith.addi %add3A_199, %masked_cumsum3A_216 : vector<16xi32>
        %sub3A_218 = arith.subi %add3A_217, %broadcast_in_dim3A_112 : vector<16xi32>
        tpu.vector_store_idx %arg20[%sub3A_218], %get3A_205 masked %and3A_212 : memref<1408xi32, #tpu.memory_space<vmem>>[vector<16xi32>], vector<16xi32>, vector<16xi1>
        %sub3A_219 = arith.subi %get3A_207, %broadcast_in_dim3A_109 : vector<16xi32>
        tpu.vector_store_idx %arg21[%sub3A_218], %sub3A_219 masked %and3A_212 : memref<1408xi32, #tpu.memory_space<vmem>>[vector<16xi32>], vector<16xi32>, vector<16xi1>
        tpu.vector_store_idx %arg22[%sub3A_218], %get3A_209 masked %and3A_212 : memref<1408xf32, #tpu.memory_space<vmem>>[vector<16xi32>], vector<16xf32>, vector<16xi1>
        %broadcast_in_dim3A_220 = arith.constant 15 : i32
        %broadcast_in_dim3A_221 = vector.broadcast %broadcast_in_dim3A_220 : i32 to vector<16xi32>
        %broadcast_in_dim3A_222 = vector.shape_cast %broadcast_in_dim3A_221 : vector<16xi32> to vector<16x1xi32>
        %gather3A_223 = vector.shape_cast %broadcast_in_dim3A_222 : vector<16x1xi32> to vector<16xi32>
        %gather3A_224 = tpu.dynamic_gather %masked_cumsum3A_216[%gather3A_223] in [0] : vector<16xi32>, vector<16xi32> -> vector<16xi32>
        %add3A_225 = arith.addi %add3A_199, %gather3A_224 : vector<16xi32>
        scf.yield %add3A_225 : vector<16xi32>
      }
      %scan3A_118 = arith.constant 80 : i32
      %reduce_max3A_119 = arith.constant true
      %reduce_max3A_120 = vector.broadcast %reduce_max3A_119 : i1 to vector<16xi1>
      %reduce_max3A_121 = arith.constant -2147483648 : i32
      %reduce_max3A_122 = vector.broadcast %reduce_max3A_121 : i32 to vector<16xi32>
      %reduce_max3A_123 = arith.xori %scan3A_117, %reduce_max3A_122 : vector<16xi32>
      %reduce_max3A_124 = tpu.scan <max>, %reduce_max3A_123 masked %reduce_max3A_120 : vector<16xi32>, vector<16xi1> -> vector<16xi32>
      %reduce_max3A_125 = arith.xori %reduce_max3A_124, %reduce_max3A_122 : vector<16xi32>
      %reduce_max3A_126 = vector.extract %reduce_max3A_125[15] : i32 from vector<16xi32>
      %while3A = scf.while (%while3A_128 = %reduce_max3A_126) : (i32) -> i32 {
        %ge3A = arith.constant 128 : i32
        %ge3A_129 = arith.cmpi sge, %while3A_128, %ge3A : i32
        scf.condition(%ge3A_129) %while3A_128 : i32
      } do {
      ^bb0(%while3A_128: i32):
        %eq3A_129 = arith.constant 0 : i32
        %eq3A_130 = arith.cmpi eq, %arg0, %eq3A_129 : i32
        %convert_element_type3A_131 = arith.extui %eq3A_130 : i1 to i32
        %cond3A_132 = arith.constant 0 : i32
        %cond3A_133 = arith.cmpi ne, %convert_element_type3A_131, %cond3A_132 : i32
        scf.if %cond3A_133 {
          %dma_start3A_471 = arith.constant 0 : i32
          %dma_start3A_472 = tpu.memref_slice %arg20[%dma_start3A_471] : memref<1408xi32, #tpu.memory_space<vmem>> -> memref<128xi32, #tpu.memory_space<vmem>>
          %dma_start3A_473 = arith.constant 0 : i32
          %dma_start3A_474 = arith.constant 0 : i32
          %dma_start3A_475 = tpu.memref_slice %arg5[%dma_start3A_473, %dma_start3A_474] : memref<10240x128xf32, #tpu.memory_space<hbm>> -> memref<10240x128xf32, #tpu.memory_space<hbm>>
          tpu.enqueue_indirect_dma source(%dma_start3A_475 : memref<10240x128xf32, #tpu.memory_space<hbm>>) target(%arg27 : memref<128x128xf32, #tpu.memory_space<vmem>>) offsets(%dma_start3A_472 : memref<128xi32, #tpu.memory_space<vmem>>) semaphore(%arg35 : memref<!tpu.dma_semaphore, #tpu.memory_space<semaphore_mem>>)
        } else {
        }
        %ne3A_134 = arith.constant 0 : i32
        %ne3A_135 = arith.cmpi ne, %arg0, %ne3A_134 : i32
        %convert_element_type3A_136 = arith.extui %ne3A_135 : i1 to i32
        %cond3A_137 = arith.constant 0 : i32
        %cond3A_138 = arith.cmpi ne, %convert_element_type3A_136, %cond3A_137 : i32
        scf.if %cond3A_138 {
          %dma_start3A_471 = arith.constant 0 : i32
          %dma_start3A_472 = tpu.memref_slice %arg20[%dma_start3A_471] : memref<1408xi32, #tpu.memory_space<vmem>> -> memref<128xi32, #tpu.memory_space<vmem>>
          %dma_start3A_473 = arith.constant 0 : i32
          %dma_start3A_474 = arith.constant 0 : i32
          %dma_start3A_475 = tpu.memref_slice %arg6[%dma_start3A_473, %dma_start3A_474] : memref<10240x128xf32, #tpu.memory_space<hbm>> -> memref<10240x128xf32, #tpu.memory_space<hbm>>
          tpu.enqueue_indirect_dma source(%dma_start3A_475 : memref<10240x128xf32, #tpu.memory_space<hbm>>) target(%arg27 : memref<128x128xf32, #tpu.memory_space<vmem>>) offsets(%dma_start3A_472 : memref<128xi32, #tpu.memory_space<vmem>>) semaphore(%arg35 : memref<!tpu.dma_semaphore, #tpu.memory_space<semaphore_mem>>)
        } else {
        }
        %broadcast_in_dim3A_139 = arith.constant 128 : i32
        %broadcast_in_dim3A_140 = vector.broadcast %broadcast_in_dim3A_139 : i32 to vector<16xi32>
        %add3A_141 = arith.constant 0 : i32
        %add3A_142 = vector.broadcast %add3A_141 : i32 to vector<16xi32>
        %add3A_143 = arith.addi %iota3A, %add3A_142 : vector<16xi32>
        %lt3A_144 = arith.cmpi slt, %add3A_143, %broadcast_in_dim3A_140 : vector<16xi32>
        %get3A = arith.constant 0 : index
        %get3A_145 = tpu.vector_load %arg20[%get3A] {strides = array<i32>} : memref<1408xi32, #tpu.memory_space<vmem>>, vector<16xi32>,
        %get3A_146 = arith.constant 0 : index
        %get3A_147 = tpu.vector_load %arg21[%get3A_146] {strides = array<i32>} : memref<1408xi32, #tpu.memory_space<vmem>>, vector<16xi32>,
        %get3A_148 = arith.constant 0 : index
        %get3A_149 = tpu.vector_load %arg22[%get3A_148] {strides = array<i32>} : memref<1408xf32, #tpu.memory_space<vmem>>, vector<16xf32>,
        %gather3A = tpu.vector_load_idx %arg31[%get3A_145] : memref<10240xf32, #tpu.memory_space<vmem>>[vector<16xi32>], vector<16xf32>,
        %gather3A_150 = tpu.vector_load_idx %arg33[%get3A_147] : memref<640xf32, #tpu.memory_space<vmem>>[vector<16xi32>], vector<16xf32>,
        %gather3A_151 = tpu.vector_load_idx %arg32[%get3A_145] : memref<10240xf32, #tpu.memory_space<vmem>>[vector<16xi32>], vector<16xf32>,
        %mul3A_152 = arith.mulf %get3A_149, %gather3A : vector<16xf32>
        %add3A_153 = arith.addf %mul3A_152, %gather3A_150 : vector<16xf32>
        %ge3A = arith.constant 0.000000e+00 : f32
        %ge3A_154 = vector.broadcast %ge3A : f32 to vector<16xf32>
        %ge3A_155 = arith.cmpf oge, %add3A_153, %ge3A_154 : vector<16xf32>
        %mul3A_156 = arith.constant 0.00999999977 : f32
        %mul3A_157 = vector.broadcast %mul3A_156 : f32 to vector<16xf32>
        %mul3A_158 = arith.mulf %mul3A_157, %add3A_153 : vector<16xf32>
        %select_n3A_159 = arith.select %ge3A_155, %add3A_153, %mul3A_158 : vector<16xi1>, vector<16xf32>
        %exp3A = math.exp %select_n3A_159 : vector<16xf32>
        %select_n3A_160 = arith.select %lt3A_144, %exp3A, %broadcast_in_dim3A_2 : vector<16xi1>, vector<16xf32>
        %swap3A = arith.constant 0 : index
        %swap3A_161 = tpu.vector_load %arg23[%swap3A] {strides = array<i32>} : memref<128xf32, #tpu.memory_space<vmem>>, vector<16xf32>,
        tpu.vector_store %arg23[%swap3A], %select_n3A_160 {strides = array<i32>} : memref<128xf32, #tpu.memory_space<vmem>>, vector<16xf32>,
        %select_n3A_162 = arith.select %lt3A_144, %get3A_149, %broadcast_in_dim3A_2 : vector<16xi1>, vector<16xf32>
        %swap3A_163 = arith.constant 0 : index
        %swap3A_164 = tpu.vector_load %arg24[%swap3A_163] {strides = array<i32>} : memref<128xf32, #tpu.memory_space<vmem>>, vector<16xf32>,
        tpu.vector_store %arg24[%swap3A_163], %select_n3A_162 {strides = array<i32>} : memref<128xf32, #tpu.memory_space<vmem>>, vector<16xf32>,
        %mul3A_165 = arith.mulf %get3A_149, %gather3A_151 : vector<16xf32>
        %select_n3A_166 = arith.select %lt3A_144, %mul3A_165, %broadcast_in_dim3A_2 : vector<16xi1>, vector<16xf32>
        %swap3A_167 = arith.constant 0 : index
        %swap3A_168 = tpu.vector_load %arg25[%swap3A_167] {strides = array<i32>} : memref<128xf32, #tpu.memory_space<vmem>>, vector<16xf32>,
        tpu.vector_store %arg25[%swap3A_167], %select_n3A_166 {strides = array<i32>} : memref<128xf32, #tpu.memory_space<vmem>>, vector<16xf32>,
        %select_n3A_169 = arith.select %lt3A_144, %get3A_147, %broadcast_in_dim3A_68 : vector<16xi1>, vector<16xi32>
        %swap3A_170 = arith.constant 0 : index
        %swap3A_171 = tpu.vector_load %arg26[%swap3A_170] {strides = array<i32>} : memref<128xi32, #tpu.memory_space<vmem>>, vector<16xi32>,
        tpu.vector_store %arg26[%swap3A_170], %select_n3A_169 {strides = array<i32>} : memref<128xi32, #tpu.memory_space<vmem>>, vector<16xi32>,
        %add3A_172 = arith.constant 16 : i32
        %add3A_173 = vector.broadcast %add3A_172 : i32 to vector<16xi32>
        %add3A_174 = arith.addi %iota3A, %add3A_173 : vector<16xi32>
        %lt3A_175 = arith.cmpi slt, %add3A_174, %broadcast_in_dim3A_140 : vector<16xi32>
        %get3A_176 = arith.constant 16 : index
        %get3A_177 = tpu.vector_load %arg20[%get3A_176] {strides = array<i32>} : memref<1408xi32, #tpu.memory_space<vmem>>, vector<16xi32>,
        %get3A_178 = arith.constant 16 : index
        %get3A_179 = tpu.vector_load %arg21[%get3A_178] {strides = array<i32>} : memref<1408xi32, #tpu.memory_space<vmem>>, vector<16xi32>,
        %get3A_180 = arith.constant 16 : index
        %get3A_181 = tpu.vector_load %arg22[%get3A_180] {strides = array<i32>} : memref<1408xf32, #tpu.memory_space<vmem>>, vector<16xf32>,
        %gather3A_182 = tpu.vector_load_idx %arg31[%get3A_177] : memref<10240xf32, #tpu.memory_space<vmem>>[vector<16xi32>], vector<16xf32>,
        %gather3A_183 = tpu.vector_load_idx %arg33[%get3A_179] : memref<640xf32, #tpu.memory_space<vmem>>[vector<16xi32>], vector<16xf32>,
        %gather3A_184 = tpu.vector_load_idx %arg32[%get3A_177] : memref<10240xf32, #tpu.memory_space<vmem>>[vector<16xi32>], vector<16xf32>,
        %mul3A_185 = arith.mulf %get3A_181, %gather3A_182 : vector<16xf32>
        %add3A_186 = arith.addf %mul3A_185, %gather3A_183 : vector<16xf32>
        %ge3A_187 = arith.constant 0.000000e+00 : f32
        %ge3A_188 = vector.broadcast %ge3A_187 : f32 to vector<16xf32>
        %ge3A_189 = arith.cmpf oge, %add3A_186, %ge3A_188 : vector<16xf32>
        %mul3A_190 = arith.constant 0.00999999977 : f32
        %mul3A_191 = vector.broadcast %mul3A_190 : f32 to vector<16xf32>
        %mul3A_192 = arith.mulf %mul3A_191, %add3A_186 : vector<16xf32>
        %select_n3A_193 = arith.select %ge3A_189, %add3A_186, %mul3A_192 : vector<16xi1>, vector<16xf32>
        %exp3A_194 = math.exp %select_n3A_193 : vector<16xf32>
        %select_n3A_195 = arith.select %lt3A_175, %exp3A_194, %broadcast_in_dim3A_2 : vector<16xi1>, vector<16xf32>
        %swap3A_196 = arith.constant 16 : index
        %swap3A_197 = tpu.vector_load %arg23[%swap3A_196] {strides = array<i32>} : memref<128xf32, #tpu.memory_space<vmem>>, vector<16xf32>,
        tpu.vector_store %arg23[%swap3A_196], %select_n3A_195 {strides = array<i32>} : memref<128xf32, #tpu.memory_space<vmem>>, vector<16xf32>,
        %select_n3A_198 = arith.select %lt3A_175, %get3A_181, %broadcast_in_dim3A_2 : vector<16xi1>, vector<16xf32>
        %swap3A_199 = arith.constant 16 : index
        %swap3A_200 = tpu.vector_load %arg24[%swap3A_199] {strides = array<i32>} : memref<128xf32, #tpu.memory_space<vmem>>, vector<16xf32>,
        tpu.vector_store %arg24[%swap3A_199], %select_n3A_198 {strides = array<i32>} : memref<128xf32, #tpu.memory_space<vmem>>, vector<16xf32>,
        %mul3A_201 = arith.mulf %get3A_181, %gather3A_184 : vector<16xf32>
        %select_n3A_202 = arith.select %lt3A_175, %mul3A_201, %broadcast_in_dim3A_2 : vector<16xi1>, vector<16xf32>
        %swap3A_203 = arith.constant 16 : index
        %swap3A_204 = tpu.vector_load %arg25[%swap3A_203] {strides = array<i32>} : memref<128xf32, #tpu.memory_space<vmem>>, vector<16xf32>,
        tpu.vector_store %arg25[%swap3A_203], %select_n3A_202 {strides = array<i32>} : memref<128xf32, #tpu.memory_space<vmem>>, vector<16xf32>,
        %select_n3A_205 = arith.select %lt3A_175, %get3A_179, %broadcast_in_dim3A_68 : vector<16xi1>, vector<16xi32>
        %swap3A_206 = arith.constant 16 : index
        %swap3A_207 = tpu.vector_load %arg26[%swap3A_206] {strides = array<i32>} : memref<128xi32, #tpu.memory_space<vmem>>, vector<16xi32>,
        tpu.vector_store %arg26[%swap3A_206], %select_n3A_205 {strides = array<i32>} : memref<128xi32, #tpu.memory_space<vmem>>, vector<16xi32>,
        %add3A_208 = arith.constant 32 : i32
        %add3A_209 = vector.broadcast %add3A_208 : i32 to vector<16xi32>
        %add3A_210 = arith.addi %iota3A, %add3A_209 : vector<16xi32>
        %lt3A_211 = arith.cmpi slt, %add3A_210, %broadcast_in_dim3A_140 : vector<16xi32>
        %get3A_212 = arith.constant 32 : index
        %get3A_213 = tpu.vector_load %arg20[%get3A_212] {strides = array<i32>} : memref<1408xi32, #tpu.memory_space<vmem>>, vector<16xi32>,
        %get3A_214 = arith.constant 32 : index
        %get3A_215 = tpu.vector_load %arg21[%get3A_214] {strides = array<i32>} : memref<1408xi32, #tpu.memory_space<vmem>>, vector<16xi32>,
        %get3A_216 = arith.constant 32 : index
        %get3A_217 = tpu.vector_load %arg22[%get3A_216] {strides = array<i32>} : memref<1408xf32, #tpu.memory_space<vmem>>, vector<16xf32>,
        %gather3A_218 = tpu.vector_load_idx %arg31[%get3A_213] : memref<10240xf32, #tpu.memory_space<vmem>>[vector<16xi32>], vector<16xf32>,
        %gather3A_219 = tpu.vector_load_idx %arg33[%get3A_215] : memref<640xf32, #tpu.memory_space<vmem>>[vector<16xi32>], vector<16xf32>,
        %gather3A_220 = tpu.vector_load_idx %arg32[%get3A_213] : memref<10240xf32, #tpu.memory_space<vmem>>[vector<16xi32>], vector<16xf32>,
        %mul3A_221 = arith.mulf %get3A_217, %gather3A_218 : vector<16xf32>
        %add3A_222 = arith.addf %mul3A_221, %gather3A_219 : vector<16xf32>
        %ge3A_223 = arith.constant 0.000000e+00 : f32
        %ge3A_224 = vector.broadcast %ge3A_223 : f32 to vector<16xf32>
        %ge3A_225 = arith.cmpf oge, %add3A_222, %ge3A_224 : vector<16xf32>
        %mul3A_226 = arith.constant 0.00999999977 : f32
        %mul3A_227 = vector.broadcast %mul3A_226 : f32 to vector<16xf32>
        %mul3A_228 = arith.mulf %mul3A_227, %add3A_222 : vector<16xf32>
        %select_n3A_229 = arith.select %ge3A_225, %add3A_222, %mul3A_228 : vector<16xi1>, vector<16xf32>
        %exp3A_230 = math.exp %select_n3A_229 : vector<16xf32>
        %select_n3A_231 = arith.select %lt3A_211, %exp3A_230, %broadcast_in_dim3A_2 : vector<16xi1>, vector<16xf32>
        %swap3A_232 = arith.constant 32 : index
        %swap3A_233 = tpu.vector_load %arg23[%swap3A_232] {strides = array<i32>} : memref<128xf32, #tpu.memory_space<vmem>>, vector<16xf32>,
        tpu.vector_store %arg23[%swap3A_232], %select_n3A_231 {strides = array<i32>} : memref<128xf32, #tpu.memory_space<vmem>>, vector<16xf32>,
        %select_n3A_234 = arith.select %lt3A_211, %get3A_217, %broadcast_in_dim3A_2 : vector<16xi1>, vector<16xf32>
        %swap3A_235 = arith.constant 32 : index
        %swap3A_236 = tpu.vector_load %arg24[%swap3A_235] {strides = array<i32>} : memref<128xf32, #tpu.memory_space<vmem>>, vector<16xf32>,
        tpu.vector_store %arg24[%swap3A_235], %select_n3A_234 {strides = array<i32>} : memref<128xf32, #tpu.memory_space<vmem>>, vector<16xf32>,
        %mul3A_237 = arith.mulf %get3A_217, %gather3A_220 : vector<16xf32>
        %select_n3A_238 = arith.select %lt3A_211, %mul3A_237, %broadcast_in_dim3A_2 : vector<16xi1>, vector<16xf32>
        %swap3A_239 = arith.constant 32 : index
        %swap3A_240 = tpu.vector_load %arg25[%swap3A_239] {strides = array<i32>} : memref<128xf32, #tpu.memory_space<vmem>>, vector<16xf32>,
        tpu.vector_store %arg25[%swap3A_239], %select_n3A_238 {strides = array<i32>} : memref<128xf32, #tpu.memory_space<vmem>>, vector<16xf32>,
        %select_n3A_241 = arith.select %lt3A_211, %get3A_215, %broadcast_in_dim3A_68 : vector<16xi1>, vector<16xi32>
        %swap3A_242 = arith.constant 32 : index
        %swap3A_243 = tpu.vector_load %arg26[%swap3A_242] {strides = array<i32>} : memref<128xi32, #tpu.memory_space<vmem>>, vector<16xi32>,
        tpu.vector_store %arg26[%swap3A_242], %select_n3A_241 {strides = array<i32>} : memref<128xi32, #tpu.memory_space<vmem>>, vector<16xi32>,
        %add3A_244 = arith.constant 48 : i32
        %add3A_245 = vector.broadcast %add3A_244 : i32 to vector<16xi32>
        %add3A_246 = arith.addi %iota3A, %add3A_245 : vector<16xi32>
        %lt3A_247 = arith.cmpi slt, %add3A_246, %broadcast_in_dim3A_140 : vector<16xi32>
        %get3A_248 = arith.constant 48 : index
        %get3A_249 = tpu.vector_load %arg20[%get3A_248] {strides = array<i32>} : memref<1408xi32, #tpu.memory_space<vmem>>, vector<16xi32>,
        %get3A_250 = arith.constant 48 : index
        %get3A_251 = tpu.vector_load %arg21[%get3A_250] {strides = array<i32>} : memref<1408xi32, #tpu.memory_space<vmem>>, vector<16xi32>,
        %get3A_252 = arith.constant 48 : index
        %get3A_253 = tpu.vector_load %arg22[%get3A_252] {strides = array<i32>} : memref<1408xf32, #tpu.memory_space<vmem>>, vector<16xf32>,
        %gather3A_254 = tpu.vector_load_idx %arg31[%get3A_249] : memref<10240xf32, #tpu.memory_space<vmem>>[vector<16xi32>], vector<16xf32>,
        %gather3A_255 = tpu.vector_load_idx %arg33[%get3A_251] : memref<640xf32, #tpu.memory_space<vmem>>[vector<16xi32>], vector<16xf32>,
        %gather3A_256 = tpu.vector_load_idx %arg32[%get3A_249] : memref<10240xf32, #tpu.memory_space<vmem>>[vector<16xi32>], vector<16xf32>,
        %mul3A_257 = arith.mulf %get3A_253, %gather3A_254 : vector<16xf32>
        %add3A_258 = arith.addf %mul3A_257, %gather3A_255 : vector<16xf32>
        %ge3A_259 = arith.constant 0.000000e+00 : f32
        %ge3A_260 = vector.broadcast %ge3A_259 : f32 to vector<16xf32>
        %ge3A_261 = arith.cmpf oge, %add3A_258, %ge3A_260 : vector<16xf32>
        %mul3A_262 = arith.constant 0.00999999977 : f32
        %mul3A_263 = vector.broadcast %mul3A_262 : f32 to vector<16xf32>
        %mul3A_264 = arith.mulf %mul3A_263, %add3A_258 : vector<16xf32>
        %select_n3A_265 = arith.select %ge3A_261, %add3A_258, %mul3A_264 : vector<16xi1>, vector<16xf32>
        %exp3A_266 = math.exp %select_n3A_265 : vector<16xf32>
        %select_n3A_267 = arith.select %lt3A_247, %exp3A_266, %broadcast_in_dim3A_2 : vector<16xi1>, vector<16xf32>
        %swap3A_268 = arith.constant 48 : index
        %swap3A_269 = tpu.vector_load %arg23[%swap3A_268] {strides = array<i32>} : memref<128xf32, #tpu.memory_space<vmem>>, vector<16xf32>,
        tpu.vector_store %arg23[%swap3A_268], %select_n3A_267 {strides = array<i32>} : memref<128xf32, #tpu.memory_space<vmem>>, vector<16xf32>,
        %select_n3A_270 = arith.select %lt3A_247, %get3A_253, %broadcast_in_dim3A_2 : vector<16xi1>, vector<16xf32>
        %swap3A_271 = arith.constant 48 : index
        %swap3A_272 = tpu.vector_load %arg24[%swap3A_271] {strides = array<i32>} : memref<128xf32, #tpu.memory_space<vmem>>, vector<16xf32>,
        tpu.vector_store %arg24[%swap3A_271], %select_n3A_270 {strides = array<i32>} : memref<128xf32, #tpu.memory_space<vmem>>, vector<16xf32>,
        %mul3A_273 = arith.mulf %get3A_253, %gather3A_256 : vector<16xf32>
        %select_n3A_274 = arith.select %lt3A_247, %mul3A_273, %broadcast_in_dim3A_2 : vector<16xi1>, vector<16xf32>
        %swap3A_275 = arith.constant 48 : index
        %swap3A_276 = tpu.vector_load %arg25[%swap3A_275] {strides = array<i32>} : memref<128xf32, #tpu.memory_space<vmem>>, vector<16xf32>,
        tpu.vector_store %arg25[%swap3A_275], %select_n3A_274 {strides = array<i32>} : memref<128xf32, #tpu.memory_space<vmem>>, vector<16xf32>,
        %select_n3A_277 = arith.select %lt3A_247, %get3A_251, %broadcast_in_dim3A_68 : vector<16xi1>, vector<16xi32>
        %swap3A_278 = arith.constant 48 : index
        %swap3A_279 = tpu.vector_load %arg26[%swap3A_278] {strides = array<i32>} : memref<128xi32, #tpu.memory_space<vmem>>, vector<16xi32>,
        tpu.vector_store %arg26[%swap3A_278], %select_n3A_277 {strides = array<i32>} : memref<128xi32, #tpu.memory_space<vmem>>, vector<16xi32>,
        %add3A_280 = arith.constant 64 : i32
        %add3A_281 = vector.broadcast %add3A_280 : i32 to vector<16xi32>
        %add3A_282 = arith.addi %iota3A, %add3A_281 : vector<16xi32>
        %lt3A_283 = arith.cmpi slt, %add3A_282, %broadcast_in_dim3A_140 : vector<16xi32>
        %get3A_284 = arith.constant 64 : index
        %get3A_285 = tpu.vector_load %arg20[%get3A_284] {strides = array<i32>} : memref<1408xi32, #tpu.memory_space<vmem>>, vector<16xi32>,
        %get3A_286 = arith.constant 64 : index
        %get3A_287 = tpu.vector_load %arg21[%get3A_286] {strides = array<i32>} : memref<1408xi32, #tpu.memory_space<vmem>>, vector<16xi32>,
        %get3A_288 = arith.constant 64 : index
        %get3A_289 = tpu.vector_load %arg22[%get3A_288] {strides = array<i32>} : memref<1408xf32, #tpu.memory_space<vmem>>, vector<16xf32>,
        %gather3A_290 = tpu.vector_load_idx %arg31[%get3A_285] : memref<10240xf32, #tpu.memory_space<vmem>>[vector<16xi32>], vector<16xf32>,
        %gather3A_291 = tpu.vector_load_idx %arg33[%get3A_287] : memref<640xf32, #tpu.memory_space<vmem>>[vector<16xi32>], vector<16xf32>,
        %gather3A_292 = tpu.vector_load_idx %arg32[%get3A_285] : memref<10240xf32, #tpu.memory_space<vmem>>[vector<16xi32>], vector<16xf32>,
        %mul3A_293 = arith.mulf %get3A_289, %gather3A_290 : vector<16xf32>
        %add3A_294 = arith.addf %mul3A_293, %gather3A_291 : vector<16xf32>
        %ge3A_295 = arith.constant 0.000000e+00 : f32
        %ge3A_296 = vector.broadcast %ge3A_295 : f32 to vector<16xf32>
        %ge3A_297 = arith.cmpf oge, %add3A_294, %ge3A_296 : vector<16xf32>
        %mul3A_298 = arith.constant 0.00999999977 : f32
        %mul3A_299 = vector.broadcast %mul3A_298 : f32 to vector<16xf32>
        %mul3A_300 = arith.mulf %mul3A_299, %add3A_294 : vector<16xf32>
        %select_n3A_301 = arith.select %ge3A_297, %add3A_294, %mul3A_300 : vector<16xi1>, vector<16xf32>
        %exp3A_302 = math.exp %select_n3A_301 : vector<16xf32>
        %select_n3A_303 = arith.select %lt3A_283, %exp3A_302, %broadcast_in_dim3A_2 : vector<16xi1>, vector<16xf32>
        %swap3A_304 = arith.constant 64 : index
        %swap3A_305 = tpu.vector_load %arg23[%swap3A_304] {strides = array<i32>} : memref<128xf32, #tpu.memory_space<vmem>>, vector<16xf32>,
        tpu.vector_store %arg23[%swap3A_304], %select_n3A_303 {strides = array<i32>} : memref<128xf32, #tpu.memory_space<vmem>>, vector<16xf32>,
        %select_n3A_306 = arith.select %lt3A_283, %get3A_289, %broadcast_in_dim3A_2 : vector<16xi1>, vector<16xf32>
        %swap3A_307 = arith.constant 64 : index
        %swap3A_308 = tpu.vector_load %arg24[%swap3A_307] {strides = array<i32>} : memref<128xf32, #tpu.memory_space<vmem>>, vector<16xf32>,
        tpu.vector_store %arg24[%swap3A_307], %select_n3A_306 {strides = array<i32>} : memref<128xf32, #tpu.memory_space<vmem>>, vector<16xf32>,
        %mul3A_309 = arith.mulf %get3A_289, %gather3A_292 : vector<16xf32>
        %select_n3A_310 = arith.select %lt3A_283, %mul3A_309, %broadcast_in_dim3A_2 : vector<16xi1>, vector<16xf32>
        %swap3A_311 = arith.constant 64 : index
        %swap3A_312 = tpu.vector_load %arg25[%swap3A_311] {strides = array<i32>} : memref<128xf32, #tpu.memory_space<vmem>>, vector<16xf32>,
        tpu.vector_store %arg25[%swap3A_311], %select_n3A_310 {strides = array<i32>} : memref<128xf32, #tpu.memory_space<vmem>>, vector<16xf32>,
        %select_n3A_313 = arith.select %lt3A_283, %get3A_287, %broadcast_in_dim3A_68 : vector<16xi1>, vector<16xi32>
        %swap3A_314 = arith.constant 64 : index
        %swap3A_315 = tpu.vector_load %arg26[%swap3A_314] {strides = array<i32>} : memref<128xi32, #tpu.memory_space<vmem>>, vector<16xi32>,
        tpu.vector_store %arg26[%swap3A_314], %select_n3A_313 {strides = array<i32>} : memref<128xi32, #tpu.memory_space<vmem>>, vector<16xi32>,
        %add3A_316 = arith.constant 80 : i32
        %add3A_317 = vector.broadcast %add3A_316 : i32 to vector<16xi32>
        %add3A_318 = arith.addi %iota3A, %add3A_317 : vector<16xi32>
        %lt3A_319 = arith.cmpi slt, %add3A_318, %broadcast_in_dim3A_140 : vector<16xi32>
        %get3A_320 = arith.constant 80 : index
        %get3A_321 = tpu.vector_load %arg20[%get3A_320] {strides = array<i32>} : memref<1408xi32, #tpu.memory_space<vmem>>, vector<16xi32>,
        %get3A_322 = arith.constant 80 : index
        %get3A_323 = tpu.vector_load %arg21[%get3A_322] {strides = array<i32>} : memref<1408xi32, #tpu.memory_space<vmem>>, vector<16xi32>,
        %get3A_324 = arith.constant 80 : index
        %get3A_325 = tpu.vector_load %arg22[%get3A_324] {strides = array<i32>} : memref<1408xf32, #tpu.memory_space<vmem>>, vector<16xf32>,
        %gather3A_326 = tpu.vector_load_idx %arg31[%get3A_321] : memref<10240xf32, #tpu.memory_space<vmem>>[vector<16xi32>], vector<16xf32>,
        %gather3A_327 = tpu.vector_load_idx %arg33[%get3A_323] : memref<640xf32, #tpu.memory_space<vmem>>[vector<16xi32>], vector<16xf32>,
        %gather3A_328 = tpu.vector_load_idx %arg32[%get3A_321] : memref<10240xf32, #tpu.memory_space<vmem>>[vector<16xi32>], vector<16xf32>,
        %mul3A_329 = arith.mulf %get3A_325, %gather3A_326 : vector<16xf32>
        %add3A_330 = arith.addf %mul3A_329, %gather3A_327 : vector<16xf32>
        %ge3A_331 = arith.constant 0.000000e+00 : f32
        %ge3A_332 = vector.broadcast %ge3A_331 : f32 to vector<16xf32>
        %ge3A_333 = arith.cmpf oge, %add3A_330, %ge3A_332 : vector<16xf32>
        %mul3A_334 = arith.constant 0.00999999977 : f32
        %mul3A_335 = vector.broadcast %mul3A_334 : f32 to vector<16xf32>
        %mul3A_336 = arith.mulf %mul3A_335, %add3A_330 : vector<16xf32>
        %select_n3A_337 = arith.select %ge3A_333, %add3A_330, %mul3A_336 : vector<16xi1>, vector<16xf32>
        %exp3A_338 = math.exp %select_n3A_337 : vector<16xf32>
        %select_n3A_339 = arith.select %lt3A_319, %exp3A_338, %broadcast_in_dim3A_2 : vector<16xi1>, vector<16xf32>
        %swap3A_340 = arith.constant 80 : index
        %swap3A_341 = tpu.vector_load %arg23[%swap3A_340] {strides = array<i32>} : memref<128xf32, #tpu.memory_space<vmem>>, vector<16xf32>,
        tpu.vector_store %arg23[%swap3A_340], %select_n3A_339 {strides = array<i32>} : memref<128xf32, #tpu.memory_space<vmem>>, vector<16xf32>,
        %select_n3A_342 = arith.select %lt3A_319, %get3A_325, %broadcast_in_dim3A_2 : vector<16xi1>, vector<16xf32>
        %swap3A_343 = arith.constant 80 : index
        %swap3A_344 = tpu.vector_load %arg24[%swap3A_343] {strides = array<i32>} : memref<128xf32, #tpu.memory_space<vmem>>, vector<16xf32>,
        tpu.vector_store %arg24[%swap3A_343], %select_n3A_342 {strides = array<i32>} : memref<128xf32, #tpu.memory_space<vmem>>, vector<16xf32>,
        %mul3A_345 = arith.mulf %get3A_325, %gather3A_328 : vector<16xf32>
        %select_n3A_346 = arith.select %lt3A_319, %mul3A_345, %broadcast_in_dim3A_2 : vector<16xi1>, vector<16xf32>
        %swap3A_347 = arith.constant 80 : index
        %swap3A_348 = tpu.vector_load %arg25[%swap3A_347] {strides = array<i32>} : memref<128xf32, #tpu.memory_space<vmem>>, vector<16xf32>,
        tpu.vector_store %arg25[%swap3A_347], %select_n3A_346 {strides = array<i32>} : memref<128xf32, #tpu.memory_space<vmem>>, vector<16xf32>,
        %select_n3A_349 = arith.select %lt3A_319, %get3A_323, %broadcast_in_dim3A_68 : vector<16xi1>, vector<16xi32>
        %swap3A_350 = arith.constant 80 : index
        %swap3A_351 = tpu.vector_load %arg26[%swap3A_350] {strides = array<i32>} : memref<128xi32, #tpu.memory_space<vmem>>, vector<16xi32>,
        tpu.vector_store %arg26[%swap3A_350], %select_n3A_349 {strides = array<i32>} : memref<128xi32, #tpu.memory_space<vmem>>, vector<16xi32>,
        %add3A_352 = arith.constant 96 : i32
        %add3A_353 = vector.broadcast %add3A_352 : i32 to vector<16xi32>
        %add3A_354 = arith.addi %iota3A, %add3A_353 : vector<16xi32>
        %lt3A_355 = arith.cmpi slt, %add3A_354, %broadcast_in_dim3A_140 : vector<16xi32>
        %get3A_356 = arith.constant 96 : index
        %get3A_357 = tpu.vector_load %arg20[%get3A_356] {strides = array<i32>} : memref<1408xi32, #tpu.memory_space<vmem>>, vector<16xi32>,
        %get3A_358 = arith.constant 96 : index
        %get3A_359 = tpu.vector_load %arg21[%get3A_358] {strides = array<i32>} : memref<1408xi32, #tpu.memory_space<vmem>>, vector<16xi32>,
        %get3A_360 = arith.constant 96 : index
        %get3A_361 = tpu.vector_load %arg22[%get3A_360] {strides = array<i32>} : memref<1408xf32, #tpu.memory_space<vmem>>, vector<16xf32>,
        %gather3A_362 = tpu.vector_load_idx %arg31[%get3A_357] : memref<10240xf32, #tpu.memory_space<vmem>>[vector<16xi32>], vector<16xf32>,
        %gather3A_363 = tpu.vector_load_idx %arg33[%get3A_359] : memref<640xf32, #tpu.memory_space<vmem>>[vector<16xi32>], vector<16xf32>,
        %gather3A_364 = tpu.vector_load_idx %arg32[%get3A_357] : memref<10240xf32, #tpu.memory_space<vmem>>[vector<16xi32>], vector<16xf32>,
        %mul3A_365 = arith.mulf %get3A_361, %gather3A_362 : vector<16xf32>
        %add3A_366 = arith.addf %mul3A_365, %gather3A_363 : vector<16xf32>
        %ge3A_367 = arith.constant 0.000000e+00 : f32
        %ge3A_368 = vector.broadcast %ge3A_367 : f32 to vector<16xf32>
        %ge3A_369 = arith.cmpf oge, %add3A_366, %ge3A_368 : vector<16xf32>
        %mul3A_370 = arith.constant 0.00999999977 : f32
        %mul3A_371 = vector.broadcast %mul3A_370 : f32 to vector<16xf32>
        %mul3A_372 = arith.mulf %mul3A_371, %add3A_366 : vector<16xf32>
        %select_n3A_373 = arith.select %ge3A_369, %add3A_366, %mul3A_372 : vector<16xi1>, vector<16xf32>
        %exp3A_374 = math.exp %select_n3A_373 : vector<16xf32>
        %select_n3A_375 = arith.select %lt3A_355, %exp3A_374, %broadcast_in_dim3A_2 : vector<16xi1>, vector<16xf32>
        %swap3A_376 = arith.constant 96 : index
        %swap3A_377 = tpu.vector_load %arg23[%swap3A_376] {strides = array<i32>} : memref<128xf32, #tpu.memory_space<vmem>>, vector<16xf32>,
        tpu.vector_store %arg23[%swap3A_376], %select_n3A_375 {strides = array<i32>} : memref<128xf32, #tpu.memory_space<vmem>>, vector<16xf32>,
        %select_n3A_378 = arith.select %lt3A_355, %get3A_361, %broadcast_in_dim3A_2 : vector<16xi1>, vector<16xf32>
        %swap3A_379 = arith.constant 96 : index
        %swap3A_380 = tpu.vector_load %arg24[%swap3A_379] {strides = array<i32>} : memref<128xf32, #tpu.memory_space<vmem>>, vector<16xf32>,
        tpu.vector_store %arg24[%swap3A_379], %select_n3A_378 {strides = array<i32>} : memref<128xf32, #tpu.memory_space<vmem>>, vector<16xf32>,
        %mul3A_381 = arith.mulf %get3A_361, %gather3A_364 : vector<16xf32>
        %select_n3A_382 = arith.select %lt3A_355, %mul3A_381, %broadcast_in_dim3A_2 : vector<16xi1>, vector<16xf32>
        %swap3A_383 = arith.constant 96 : index
        %swap3A_384 = tpu.vector_load %arg25[%swap3A_383] {strides = array<i32>} : memref<128xf32, #tpu.memory_space<vmem>>, vector<16xf32>,
        tpu.vector_store %arg25[%swap3A_383], %select_n3A_382 {strides = array<i32>} : memref<128xf32, #tpu.memory_space<vmem>>, vector<16xf32>,
        %select_n3A_385 = arith.select %lt3A_355, %get3A_359, %broadcast_in_dim3A_68 : vector<16xi1>, vector<16xi32>
        %swap3A_386 = arith.constant 96 : index
        %swap3A_387 = tpu.vector_load %arg26[%swap3A_386] {strides = array<i32>} : memref<128xi32, #tpu.memory_space<vmem>>, vector<16xi32>,
        tpu.vector_store %arg26[%swap3A_386], %select_n3A_385 {strides = array<i32>} : memref<128xi32, #tpu.memory_space<vmem>>, vector<16xi32>,
        %add3A_388 = arith.constant 112 : i32
        %add3A_389 = vector.broadcast %add3A_388 : i32 to vector<16xi32>
        %add3A_390 = arith.addi %iota3A, %add3A_389 : vector<16xi32>
        %lt3A_391 = arith.cmpi slt, %add3A_390, %broadcast_in_dim3A_140 : vector<16xi32>
        %get3A_392 = arith.constant 112 : index
        %get3A_393 = tpu.vector_load %arg20[%get3A_392] {strides = array<i32>} : memref<1408xi32, #tpu.memory_space<vmem>>, vector<16xi32>,
        %get3A_394 = arith.constant 112 : index
        %get3A_395 = tpu.vector_load %arg21[%get3A_394] {strides = array<i32>} : memref<1408xi32, #tpu.memory_space<vmem>>, vector<16xi32>,
        %get3A_396 = arith.constant 112 : index
        %get3A_397 = tpu.vector_load %arg22[%get3A_396] {strides = array<i32>} : memref<1408xf32, #tpu.memory_space<vmem>>, vector<16xf32>,
        %gather3A_398 = tpu.vector_load_idx %arg31[%get3A_393] : memref<10240xf32, #tpu.memory_space<vmem>>[vector<16xi32>], vector<16xf32>,
        %gather3A_399 = tpu.vector_load_idx %arg33[%get3A_395] : memref<640xf32, #tpu.memory_space<vmem>>[vector<16xi32>], vector<16xf32>,
        %gather3A_400 = tpu.vector_load_idx %arg32[%get3A_393] : memref<10240xf32, #tpu.memory_space<vmem>>[vector<16xi32>], vector<16xf32>,
        %mul3A_401 = arith.mulf %get3A_397, %gather3A_398 : vector<16xf32>
        %add3A_402 = arith.addf %mul3A_401, %gather3A_399 : vector<16xf32>
        %ge3A_403 = arith.constant 0.000000e+00 : f32
        %ge3A_404 = vector.broadcast %ge3A_403 : f32 to vector<16xf32>
        %ge3A_405 = arith.cmpf oge, %add3A_402, %ge3A_404 : vector<16xf32>
        %mul3A_406 = arith.constant 0.00999999977 : f32
        %mul3A_407 = vector.broadcast %mul3A_406 : f32 to vector<16xf32>
        %mul3A_408 = arith.mulf %mul3A_407, %add3A_402 : vector<16xf32>
        %select_n3A_409 = arith.select %ge3A_405, %add3A_402, %mul3A_408 : vector<16xi1>, vector<16xf32>
        %exp3A_410 = math.exp %select_n3A_409 : vector<16xf32>
        %select_n3A_411 = arith.select %lt3A_391, %exp3A_410, %broadcast_in_dim3A_2 : vector<16xi1>, vector<16xf32>
        %swap3A_412 = arith.constant 112 : index
        %swap3A_413 = tpu.vector_load %arg23[%swap3A_412] {strides = array<i32>} : memref<128xf32, #tpu.memory_space<vmem>>, vector<16xf32>,
        tpu.vector_store %arg23[%swap3A_412], %select_n3A_411 {strides = array<i32>} : memref<128xf32, #tpu.memory_space<vmem>>, vector<16xf32>,
        %select_n3A_414 = arith.select %lt3A_391, %get3A_397, %broadcast_in_dim3A_2 : vector<16xi1>, vector<16xf32>
        %swap3A_415 = arith.constant 112 : index
        %swap3A_416 = tpu.vector_load %arg24[%swap3A_415] {strides = array<i32>} : memref<128xf32, #tpu.memory_space<vmem>>, vector<16xf32>,
        tpu.vector_store %arg24[%swap3A_415], %select_n3A_414 {strides = array<i32>} : memref<128xf32, #tpu.memory_space<vmem>>, vector<16xf32>,
        %mul3A_417 = arith.mulf %get3A_397, %gather3A_400 : vector<16xf32>
        %select_n3A_418 = arith.select %lt3A_391, %mul3A_417, %broadcast_in_dim3A_2 : vector<16xi1>, vector<16xf32>
        %swap3A_419 = arith.constant 112 : index
        %swap3A_420 = tpu.vector_load %arg25[%swap3A_419] {strides = array<i32>} : memref<128xf32, #tpu.memory_space<vmem>>, vector<16xf32>,
        tpu.vector_store %arg25[%swap3A_419], %select_n3A_418 {strides = array<i32>} : memref<128xf32, #tpu.memory_space<vmem>>, vector<16xf32>,
        %select_n3A_421 = arith.select %lt3A_391, %get3A_395, %broadcast_in_dim3A_68 : vector<16xi1>, vector<16xi32>
        %swap3A_422 = arith.constant 112 : index
        %swap3A_423 = tpu.vector_load %arg26[%swap3A_422] {strides = array<i32>} : memref<128xi32, #tpu.memory_space<vmem>>, vector<16xi32>,
        tpu.vector_store %arg26[%swap3A_422], %select_n3A_421 {strides = array<i32>} : memref<128xi32, #tpu.memory_space<vmem>>, vector<16xi32>,
        %dma_wait3A_424 = arith.constant 0 : i32
        %dma_wait3A_425 = tpu.memref_slice %arg20[%dma_wait3A_424] : memref<1408xi32, #tpu.memory_space<vmem>> -> memref<128xi32, #tpu.memory_space<vmem>>
        %dma_wait3A_426 = arith.constant 0 : i32
        %dma_wait3A_427 = arith.constant 0 : i32
        %dma_wait3A_428 = tpu.memref_slice %arg5[%dma_wait3A_426, %dma_wait3A_427] : memref<10240x128xf32, #tpu.memory_space<hbm>> -> memref<10240x128xf32, #tpu.memory_space<hbm>>
        tpu.wait_indirect_dma semaphore(%arg35 : memref<!tpu.dma_semaphore, #tpu.memory_space<semaphore_mem>>) src(%dma_wait3A_428 : memref<10240x128xf32, #tpu.memory_space<hbm>>) dst(%arg27 : memref<128x128xf32, #tpu.memory_space<vmem>>)
        %scan3A_429 = arith.constant 0 : i32
        %scan3A_430 = arith.constant 0 : i32
        %scan3A_431 = arith.constant 128 : i32
        %scan3A_432 = arith.addi %scan3A_430, %scan3A_431 : i32
        %scan3A_433 = arith.constant 2 : i32
        %scan3A_434 = scf.for %scan3A_471 = %scan3A_430 to %scan3A_432 step %scan3A_433 iter_args(%scan3A_472 = %scan3A_429) -> (i32)  : i32 {
          %broadcast_in_dim3A_473 = vector.broadcast %scan3A_471 : i32 to vector<16xi32>
          %gather3A_474 = tpu.vector_load_idx %arg23[%broadcast_in_dim3A_473] : memref<128xf32, #tpu.memory_space<vmem>>[vector<16xi32>], vector<16xf32>,
          %gather3A_475 = tpu.vector_load_idx %arg24[%broadcast_in_dim3A_473] : memref<128xf32, #tpu.memory_space<vmem>>[vector<16xi32>], vector<16xf32>,
          %gather3A_476 = tpu.vector_load_idx %arg25[%broadcast_in_dim3A_473] : memref<128xf32, #tpu.memory_space<vmem>>[vector<16xi32>], vector<16xf32>,
          %gather3A_477 = tpu.vector_load_idx %arg26[%broadcast_in_dim3A_473] : memref<128xi32, #tpu.memory_space<vmem>>[vector<16xi32>], vector<16xi32>,
          %mul3A_478 = arith.constant 64 : i32
          %mul3A_479 = vector.broadcast %mul3A_478 : i32 to vector<16xi32>
          %mul3A_480 = arith.muli %gather3A_477, %mul3A_479 : vector<16xi32>
          %add3A_481 = arith.addi %mul3A_480, %iota3A : vector<16xi32>
          %add3A_482 = arith.constant 0 : i32
          %add3A_483 = vector.broadcast %add3A_482 : i32 to vector<16xi32>
          %add3A_484 = arith.addi %add3A_481, %add3A_483 : vector<16xi32>
          %get3A_485 = arith.index_cast %scan3A_471 : i32 to index
          %get3A_486 = arith.constant 0 : index
          %get3A_487 = tpu.vector_load %arg27[%get3A_485, %get3A_486] {strides = array<i32>} : memref<128x128xf32, #tpu.memory_space<vmem>>, vector<16xf32>,
          %get3A_488 = arith.index_cast %scan3A_471 : i32 to index
          %get3A_489 = arith.constant 64 : index
          %get3A_490 = tpu.vector_load %arg27[%get3A_488, %get3A_489] {strides = array<i32>} : memref<128x128xf32, #tpu.memory_space<vmem>>, vector<16xf32>,
          %mul3A_491 = arith.mulf %gather3A_474, %get3A_487 : vector<16xf32>
          tpu.vector_store_idx %arg28[%add3A_484], %mul3A_491 {add = true} : memref<41024xf32, #tpu.memory_space<vmem>>[vector<16xi32>], vector<16xf32>,
          %gather3A_492 = tpu.vector_load_idx %arg29[%add3A_484] : memref<41024xf32, #tpu.memory_space<vmem>>[vector<16xi32>], vector<16xf32>,
          %mul3A_493 = arith.mulf %gather3A_475, %get3A_490 : vector<16xf32>
          %max3A = arith.maximumf %gather3A_492, %mul3A_493 : vector<16xf32>
          tpu.vector_store_idx %arg29[%add3A_484], %max3A : memref<41024xf32, #tpu.memory_space<vmem>>[vector<16xi32>], vector<16xf32>,
          %add3A_494 = arith.constant 16 : i32
          %add3A_495 = vector.broadcast %add3A_494 : i32 to vector<16xi32>
          %add3A_496 = arith.addi %add3A_481, %add3A_495 : vector<16xi32>
          %get3A_497 = arith.index_cast %scan3A_471 : i32 to index
          %get3A_498 = arith.constant 16 : index
          %get3A_499 = tpu.vector_load %arg27[%get3A_497, %get3A_498] {strides = array<i32>} : memref<128x128xf32, #tpu.memory_space<vmem>>, vector<16xf32>,
          %get3A_500 = arith.index_cast %scan3A_471 : i32 to index
          %get3A_501 = arith.constant 80 : index
          %get3A_502 = tpu.vector_load %arg27[%get3A_500, %get3A_501] {strides = array<i32>} : memref<128x128xf32, #tpu.memory_space<vmem>>, vector<16xf32>,
          %mul3A_503 = arith.mulf %gather3A_474, %get3A_499 : vector<16xf32>
          tpu.vector_store_idx %arg28[%add3A_496], %mul3A_503 {add = true} : memref<41024xf32, #tpu.memory_space<vmem>>[vector<16xi32>], vector<16xf32>,
          %gather3A_504 = tpu.vector_load_idx %arg29[%add3A_496] : memref<41024xf32, #tpu.memory_space<vmem>>[vector<16xi32>], vector<16xf32>,
          %mul3A_505 = arith.mulf %gather3A_475, %get3A_502 : vector<16xf32>
          %max3A_506 = arith.maximumf %gather3A_504, %mul3A_505 : vector<16xf32>
          tpu.vector_store_idx %arg29[%add3A_496], %max3A_506 : memref<41024xf32, #tpu.memory_space<vmem>>[vector<16xi32>], vector<16xf32>,
          %add3A_507 = arith.constant 32 : i32
          %add3A_508 = vector.broadcast %add3A_507 : i32 to vector<16xi32>
          %add3A_509 = arith.addi %add3A_481, %add3A_508 : vector<16xi32>
          %get3A_510 = arith.index_cast %scan3A_471 : i32 to index
          %get3A_511 = arith.constant 32 : index
          %get3A_512 = tpu.vector_load %arg27[%get3A_510, %get3A_511] {strides = array<i32>} : memref<128x128xf32, #tpu.memory_space<vmem>>, vector<16xf32>,
          %get3A_513 = arith.index_cast %scan3A_471 : i32 to index
          %get3A_514 = arith.constant 96 : index
          %get3A_515 = tpu.vector_load %arg27[%get3A_513, %get3A_514] {strides = array<i32>} : memref<128x128xf32, #tpu.memory_space<vmem>>, vector<16xf32>,
          %mul3A_516 = arith.mulf %gather3A_474, %get3A_512 : vector<16xf32>
          tpu.vector_store_idx %arg28[%add3A_509], %mul3A_516 {add = true} : memref<41024xf32, #tpu.memory_space<vmem>>[vector<16xi32>], vector<16xf32>,
          %gather3A_517 = tpu.vector_load_idx %arg29[%add3A_509] : memref<41024xf32, #tpu.memory_space<vmem>>[vector<16xi32>], vector<16xf32>,
          %mul3A_518 = arith.mulf %gather3A_475, %get3A_515 : vector<16xf32>
          %max3A_519 = arith.maximumf %gather3A_517, %mul3A_518 : vector<16xf32>
          tpu.vector_store_idx %arg29[%add3A_509], %max3A_519 : memref<41024xf32, #tpu.memory_space<vmem>>[vector<16xi32>], vector<16xf32>,
          %add3A_520 = arith.constant 48 : i32
          %add3A_521 = vector.broadcast %add3A_520 : i32 to vector<16xi32>
          %add3A_522 = arith.addi %add3A_481, %add3A_521 : vector<16xi32>
          %get3A_523 = arith.index_cast %scan3A_471 : i32 to index
          %get3A_524 = arith.constant 48 : index
          %get3A_525 = tpu.vector_load %arg27[%get3A_523, %get3A_524] {strides = array<i32>} : memref<128x128xf32, #tpu.memory_space<vmem>>, vector<16xf32>,
          %get3A_526 = arith.index_cast %scan3A_471 : i32 to index
          %get3A_527 = arith.constant 112 : index
          %get3A_528 = tpu.vector_load %arg27[%get3A_526, %get3A_527] {strides = array<i32>} : memref<128x128xf32, #tpu.memory_space<vmem>>, vector<16xf32>,
          %mul3A_529 = arith.mulf %gather3A_474, %get3A_525 : vector<16xf32>
          tpu.vector_store_idx %arg28[%add3A_522], %mul3A_529 {add = true} : memref<41024xf32, #tpu.memory_space<vmem>>[vector<16xi32>], vector<16xf32>,
          %gather3A_530 = tpu.vector_load_idx %arg29[%add3A_522] : memref<41024xf32, #tpu.memory_space<vmem>>[vector<16xi32>], vector<16xf32>,
          %mul3A_531 = arith.mulf %gather3A_475, %get3A_528 : vector<16xf32>
          %max3A_532 = arith.maximumf %gather3A_530, %mul3A_531 : vector<16xf32>
          tpu.vector_store_idx %arg29[%add3A_522], %max3A_532 : memref<41024xf32, #tpu.memory_space<vmem>>[vector<16xi32>], vector<16xf32>,
          %add3A_533 = arith.addi %gather3A_477, %add3A_22 : vector<16xi32>
          %mul3A_534 = arith.mulf %gather3A_474, %select_n3A_30 : vector<16xf32>
          %mul3A_535 = arith.mulf %gather3A_476, %select_n3A_38 : vector<16xf32>
          %add3A_536 = arith.addf %mul3A_534, %mul3A_535 : vector<16xf32>
          %add3A_537 = arith.addf %add3A_536, %select_n3A_46 : vector<16xf32>
          tpu.vector_store_idx %arg30[%add3A_533], %add3A_537 masked %lt3A_8 {add = true} : memref<1952xf32, #tpu.memory_space<vmem>>[vector<16xi32>], vector<16xf32>, vector<16xi1>
          %scan3A_538 = arith.constant 0 : i32
          %scan3A_539 = arith.constant 1 : i32
          %scan3A_540 = arith.addi %scan3A_471, %scan3A_539 : i32
          %broadcast_in_dim3A_541 = vector.broadcast %scan3A_540 : i32 to vector<16xi32>
          %gather3A_542 = tpu.vector_load_idx %arg23[%broadcast_in_dim3A_541] : memref<128xf32, #tpu.memory_space<vmem>>[vector<16xi32>], vector<16xf32>,
          %gather3A_543 = tpu.vector_load_idx %arg24[%broadcast_in_dim3A_541] : memref<128xf32, #tpu.memory_space<vmem>>[vector<16xi32>], vector<16xf32>,
          %gather3A_544 = tpu.vector_load_idx %arg25[%broadcast_in_dim3A_541] : memref<128xf32, #tpu.memory_space<vmem>>[vector<16xi32>], vector<16xf32>,
          %gather3A_545 = tpu.vector_load_idx %arg26[%broadcast_in_dim3A_541] : memref<128xi32, #tpu.memory_space<vmem>>[vector<16xi32>], vector<16xi32>,
          %mul3A_546 = arith.constant 64 : i32
          %mul3A_547 = vector.broadcast %mul3A_546 : i32 to vector<16xi32>
          %mul3A_548 = arith.muli %gather3A_545, %mul3A_547 : vector<16xi32>
          %add3A_549 = arith.addi %mul3A_548, %iota3A : vector<16xi32>
          %add3A_550 = arith.constant 0 : i32
          %add3A_551 = vector.broadcast %add3A_550 : i32 to vector<16xi32>
          %add3A_552 = arith.addi %add3A_549, %add3A_551 : vector<16xi32>
          %get3A_553 = arith.index_cast %scan3A_540 : i32 to index
          %get3A_554 = arith.constant 0 : index
          %get3A_555 = tpu.vector_load %arg27[%get3A_553, %get3A_554] {strides = array<i32>} : memref<128x128xf32, #tpu.memory_space<vmem>>, vector<16xf32>,
          %get3A_556 = arith.index_cast %scan3A_540 : i32 to index
          %get3A_557 = arith.constant 64 : index
          %get3A_558 = tpu.vector_load %arg27[%get3A_556, %get3A_557] {strides = array<i32>} : memref<128x128xf32, #tpu.memory_space<vmem>>, vector<16xf32>,
          %mul3A_559 = arith.mulf %gather3A_542, %get3A_555 : vector<16xf32>
          tpu.vector_store_idx %arg28[%add3A_552], %mul3A_559 {add = true} : memref<41024xf32, #tpu.memory_space<vmem>>[vector<16xi32>], vector<16xf32>,
          %gather3A_560 = tpu.vector_load_idx %arg29[%add3A_552] : memref<41024xf32, #tpu.memory_space<vmem>>[vector<16xi32>], vector<16xf32>,
          %mul3A_561 = arith.mulf %gather3A_543, %get3A_558 : vector<16xf32>
          %max3A_562 = arith.maximumf %gather3A_560, %mul3A_561 : vector<16xf32>
          tpu.vector_store_idx %arg29[%add3A_552], %max3A_562 : memref<41024xf32, #tpu.memory_space<vmem>>[vector<16xi32>], vector<16xf32>,
          %add3A_563 = arith.constant 16 : i32
          %add3A_564 = vector.broadcast %add3A_563 : i32 to vector<16xi32>
          %add3A_565 = arith.addi %add3A_549, %add3A_564 : vector<16xi32>
          %get3A_566 = arith.index_cast %scan3A_540 : i32 to index
          %get3A_567 = arith.constant 16 : index
          %get3A_568 = tpu.vector_load %arg27[%get3A_566, %get3A_567] {strides = array<i32>} : memref<128x128xf32, #tpu.memory_space<vmem>>, vector<16xf32>,
          %get3A_569 = arith.index_cast %scan3A_540 : i32 to index
          %get3A_570 = arith.constant 80 : index
          %get3A_571 = tpu.vector_load %arg27[%get3A_569, %get3A_570] {strides = array<i32>} : memref<128x128xf32, #tpu.memory_space<vmem>>, vector<16xf32>,
          %mul3A_572 = arith.mulf %gather3A_542, %get3A_568 : vector<16xf32>
          tpu.vector_store_idx %arg28[%add3A_565], %mul3A_572 {add = true} : memref<41024xf32, #tpu.memory_space<vmem>>[vector<16xi32>], vector<16xf32>,
          %gather3A_573 = tpu.vector_load_idx %arg29[%add3A_565] : memref<41024xf32, #tpu.memory_space<vmem>>[vector<16xi32>], vector<16xf32>,
          %mul3A_574 = arith.mulf %gather3A_543, %get3A_571 : vector<16xf32>
          %max3A_575 = arith.maximumf %gather3A_573, %mul3A_574 : vector<16xf32>
          tpu.vector_store_idx %arg29[%add3A_565], %max3A_575 : memref<41024xf32, #tpu.memory_space<vmem>>[vector<16xi32>], vector<16xf32>,
          %add3A_576 = arith.constant 32 : i32
          %add3A_577 = vector.broadcast %add3A_576 : i32 to vector<16xi32>
          %add3A_578 = arith.addi %add3A_549, %add3A_577 : vector<16xi32>
          %get3A_579 = arith.index_cast %scan3A_540 : i32 to index
          %get3A_580 = arith.constant 32 : index
          %get3A_581 = tpu.vector_load %arg27[%get3A_579, %get3A_580] {strides = array<i32>} : memref<128x128xf32, #tpu.memory_space<vmem>>, vector<16xf32>,
          %get3A_582 = arith.index_cast %scan3A_540 : i32 to index
          %get3A_583 = arith.constant 96 : index
          %get3A_584 = tpu.vector_load %arg27[%get3A_582, %get3A_583] {strides = array<i32>} : memref<128x128xf32, #tpu.memory_space<vmem>>, vector<16xf32>,
          %mul3A_585 = arith.mulf %gather3A_542, %get3A_581 : vector<16xf32>
          tpu.vector_store_idx %arg28[%add3A_578], %mul3A_585 {add = true} : memref<41024xf32, #tpu.memory_space<vmem>>[vector<16xi32>], vector<16xf32>,
          %gather3A_586 = tpu.vector_load_idx %arg29[%add3A_578] : memref<41024xf32, #tpu.memory_space<vmem>>[vector<16xi32>], vector<16xf32>,
          %mul3A_587 = arith.mulf %gather3A_543, %get3A_584 : vector<16xf32>
          %max3A_588 = arith.maximumf %gather3A_586, %mul3A_587 : vector<16xf32>
          tpu.vector_store_idx %arg29[%add3A_578], %max3A_588 : memref<41024xf32, #tpu.memory_space<vmem>>[vector<16xi32>], vector<16xf32>,
          %add3A_589 = arith.constant 48 : i32
          %add3A_590 = vector.broadcast %add3A_589 : i32 to vector<16xi32>
          %add3A_591 = arith.addi %add3A_549, %add3A_590 : vector<16xi32>
          %get3A_592 = arith.index_cast %scan3A_540 : i32 to index
          %get3A_593 = arith.constant 48 : index
          %get3A_594 = tpu.vector_load %arg27[%get3A_592, %get3A_593] {strides = array<i32>} : memref<128x128xf32, #tpu.memory_space<vmem>>, vector<16xf32>,
          %get3A_595 = arith.index_cast %scan3A_540 : i32 to index
          %get3A_596 = arith.constant 112 : index
          %get3A_597 = tpu.vector_load %arg27[%get3A_595, %get3A_596] {strides = array<i32>} : memref<128x128xf32, #tpu.memory_space<vmem>>, vector<16xf32>,
          %mul3A_598 = arith.mulf %gather3A_542, %get3A_594 : vector<16xf32>
          tpu.vector_store_idx %arg28[%add3A_591], %mul3A_598 {add = true} : memref<41024xf32, #tpu.memory_space<vmem>>[vector<16xi32>], vector<16xf32>,
          %gather3A_599 = tpu.vector_load_idx %arg29[%add3A_591] : memref<41024xf32, #tpu.memory_space<vmem>>[vector<16xi32>], vector<16xf32>,
          %mul3A_600 = arith.mulf %gather3A_543, %get3A_597 : vector<16xf32>
          %max3A_601 = arith.maximumf %gather3A_599, %mul3A_600 : vector<16xf32>
          tpu.vector_store_idx %arg29[%add3A_591], %max3A_601 : memref<41024xf32, #tpu.memory_space<vmem>>[vector<16xi32>], vector<16xf32>,
          %add3A_602 = arith.addi %gather3A_545, %add3A_22 : vector<16xi32>
          %mul3A_603 = arith.mulf %gather3A_542, %select_n3A_30 : vector<16xf32>
          %mul3A_604 = arith.mulf %gather3A_544, %select_n3A_38 : vector<16xf32>
          %add3A_605 = arith.addf %mul3A_603, %mul3A_604 : vector<16xf32>
          %add3A_606 = arith.addf %add3A_605, %select_n3A_46 : vector<16xf32>
          tpu.vector_store_idx %arg30[%add3A_602], %add3A_606 masked %lt3A_8 {add = true} : memref<1952xf32, #tpu.memory_space<vmem>>[vector<16xi32>], vector<16xf32>, vector<16xi1>
          %scan3A_607 = arith.constant 0 : i32
          scf.yield %scan3A_607 : i32
        }
        %scan3A_435 = arith.constant 128 : i32
        %sub3A = arith.constant 128 : i32
        %sub3A_436 = arith.subi %while3A_128, %sub3A : i32
        %add3A_437 = arith.constant 15 : i32
        %add3A_438 = arith.addi %sub3A_436, %add3A_437 : i32
        %jit3A_439 = arith.constant 16 : i32
        %div3A = arith.divsi %add3A_438, %jit3A_439 : i32
        %sign3A = arith.constant 0 : i32
        %sign3A_440 = arith.cmpi sgt, %add3A_438, %sign3A : i32
        %sign3A_441 = arith.extui %sign3A_440 : i1 to i32
        %sign3A_442 = arith.constant 0 : i32
        %sign3A_443 = arith.cmpi slt, %add3A_438, %sign3A_442 : i32
        %sign3A_444 = arith.extui %sign3A_443 : i1 to i32
        %sign3A_445 = arith.subi %sign3A_441, %sign3A_444 : i32
        %sign3A_446 = arith.constant 0 : i32
        %sign3A_447 = arith.cmpi sgt, %jit3A_439, %sign3A_446 : i32
        %sign3A_448 = arith.extui %sign3A_447 : i1 to i32
        %sign3A_449 = arith.constant 0 : i32
        %sign3A_450 = arith.cmpi slt, %jit3A_439, %sign3A_449 : i32
        %sign3A_451 = arith.extui %sign3A_450 : i1 to i32
        %sign3A_452 = arith.subi %sign3A_448, %sign3A_451 : i32
        %ne3A_453 = arith.cmpi ne, %sign3A_445, %sign3A_452 : i32
        %rem3A = arith.remsi %add3A_438, %jit3A_439 : i32
        %ne3A_454 = arith.constant 0 : i32
        %ne3A_455 = arith.cmpi ne, %rem3A, %ne3A_454 : i32
        %and3A = arith.andi %ne3A_453, %ne3A_455 : i1
        %sub3A_456 = arith.constant 1 : i32
        %sub3A_457 = arith.subi %div3A, %sub3A_456 : i32
        %select_n3A_458 = arith.select %and3A, %sub3A_457, %div3A : i32
        %while3A_459 = arith.constant 0 : i32
        %while3A_460 = arith.constant 0 : i32
        %while3A_461 = arith.subi %select_n3A_458, %while3A_459 : i32
        %while3A_462 = arith.addi %while3A_459, %while3A_461 : i32
        %while3A_463 = arith.constant 1 : i32
        %while3A_464 = arith.divsi %while3A_461, %while3A_463 : i32
        %while3A_465 = arith.muli %while3A_464, %while3A_463 : i32
        %while3A_466 = arith.addi %while3A_459, %while3A_465 : i32
        %while3A_467 = arith.constant 1 : i32
        %while3A_468 = scf.for %while3A_471 = %while3A_459 to %while3A_466 step %while3A_467 iter_args(%while3A_472 = %while3A_460) -> (i32)  : i32 {
          %mul3A_473 = arith.constant 16 : i32
          %mul3A_474 = arith.muli %while3A_471, %mul3A_473 : i32
          %add3A_475 = arith.constant 128 : i32
          %add3A_476 = arith.addi %add3A_475, %mul3A_474 : i32
          %mul3A_477 = arith.constant 16 : i32
          %mul3A_478 = arith.muli %while3A_471, %mul3A_477 : i32
          %get3A_479 = arith.index_cast %add3A_476 : i32 to index
          %get3A_480 = tpu.vector_load %arg20[%get3A_479] {strides = array<i32>} : memref<1408xi32, #tpu.memory_space<vmem>>, vector<16xi32>,
          %get3A_481 = arith.index_cast %add3A_476 : i32 to index
          %get3A_482 = tpu.vector_load %arg21[%get3A_481] {strides = array<i32>} : memref<1408xi32, #tpu.memory_space<vmem>>, vector<16xi32>,
          %get3A_483 = arith.index_cast %add3A_476 : i32 to index
          %get3A_484 = tpu.vector_load %arg22[%get3A_483] {strides = array<i32>} : memref<1408xf32, #tpu.memory_space<vmem>>, vector<16xf32>,
          %swap3A_485 = arith.index_cast %mul3A_478 : i32 to index
          %swap3A_486 = tpu.vector_load %arg20[%swap3A_485] {strides = array<i32>} : memref<1408xi32, #tpu.memory_space<vmem>>, vector<16xi32>,
          tpu.vector_store %arg20[%swap3A_485], %get3A_480 {strides = array<i32>} : memref<1408xi32, #tpu.memory_space<vmem>>, vector<16xi32>,
          %swap3A_487 = arith.index_cast %mul3A_478 : i32 to index
          %swap3A_488 = tpu.vector_load %arg21[%swap3A_487] {strides = array<i32>} : memref<1408xi32, #tpu.memory_space<vmem>>, vector<16xi32>,
          tpu.vector_store %arg21[%swap3A_487], %get3A_482 {strides = array<i32>} : memref<1408xi32, #tpu.memory_space<vmem>>, vector<16xi32>,
          %swap3A_489 = arith.index_cast %mul3A_478 : i32 to index
          %swap3A_490 = tpu.vector_load %arg22[%swap3A_489] {strides = array<i32>} : memref<1408xf32, #tpu.memory_space<vmem>>, vector<16xf32>,
          tpu.vector_store %arg22[%swap3A_489], %get3A_484 {strides = array<i32>} : memref<1408xf32, #tpu.memory_space<vmem>>, vector<16xf32>,
          %while3A_491 = arith.constant 0 : i32
          scf.yield %while3A_491 : i32
        }
        %while3A_469 = arith.constant 1 : i32
        %while3A_470 = scf.for %while3A_471 = %while3A_466 to %while3A_462 step %while3A_469 iter_args(%while3A_472 = %while3A_468) -> (i32)  : i32 {
          %mul3A_473 = arith.constant 16 : i32
          %mul3A_474 = arith.muli %while3A_471, %mul3A_473 : i32
          %add3A_475 = arith.constant 128 : i32
          %add3A_476 = arith.addi %add3A_475, %mul3A_474 : i32
          %mul3A_477 = arith.constant 16 : i32
          %mul3A_478 = arith.muli %while3A_471, %mul3A_477 : i32
          %get3A_479 = arith.index_cast %add3A_476 : i32 to index
          %get3A_480 = tpu.vector_load %arg20[%get3A_479] {strides = array<i32>} : memref<1408xi32, #tpu.memory_space<vmem>>, vector<16xi32>,
          %get3A_481 = arith.index_cast %add3A_476 : i32 to index
          %get3A_482 = tpu.vector_load %arg21[%get3A_481] {strides = array<i32>} : memref<1408xi32, #tpu.memory_space<vmem>>, vector<16xi32>,
          %get3A_483 = arith.index_cast %add3A_476 : i32 to index
          %get3A_484 = tpu.vector_load %arg22[%get3A_483] {strides = array<i32>} : memref<1408xf32, #tpu.memory_space<vmem>>, vector<16xf32>,
          %swap3A_485 = arith.index_cast %mul3A_478 : i32 to index
          %swap3A_486 = tpu.vector_load %arg20[%swap3A_485] {strides = array<i32>} : memref<1408xi32, #tpu.memory_space<vmem>>, vector<16xi32>,
          tpu.vector_store %arg20[%swap3A_485], %get3A_480 {strides = array<i32>} : memref<1408xi32, #tpu.memory_space<vmem>>, vector<16xi32>,
          %swap3A_487 = arith.index_cast %mul3A_478 : i32 to index
          %swap3A_488 = tpu.vector_load %arg21[%swap3A_487] {strides = array<i32>} : memref<1408xi32, #tpu.memory_space<vmem>>, vector<16xi32>,
          tpu.vector_store %arg21[%swap3A_487], %get3A_482 {strides = array<i32>} : memref<1408xi32, #tpu.memory_space<vmem>>, vector<16xi32>,
          %swap3A_489 = arith.index_cast %mul3A_478 : i32 to index
          %swap3A_490 = tpu.vector_load %arg22[%swap3A_489] {strides = array<i32>} : memref<1408xf32, #tpu.memory_space<vmem>>, vector<16xf32>,
          tpu.vector_store %arg22[%swap3A_489], %get3A_484 {strides = array<i32>} : memref<1408xf32, #tpu.memory_space<vmem>>, vector<16xf32>,
          %while3A_491 = arith.constant 0 : i32
          scf.yield %while3A_491 : i32
        }
        scf.yield %sub3A_436 : i32
      }
      %broadcast_in_dim3A_127 = vector.broadcast %while3A : i32 to vector<16xi32>
      scf.yield %broadcast_in_dim3A_127 : vector<16xi32>
    }
    %scan3A_76 = arith.constant 250 : i32
    %reduce_max3A = arith.constant true
    %reduce_max3A_77 = vector.broadcast %reduce_max3A : i1 to vector<16xi1>
    %reduce_max3A_78 = arith.constant -2147483648 : i32
    %reduce_max3A_79 = vector.broadcast %reduce_max3A_78 : i32 to vector<16xi32>
    %reduce_max3A_80 = arith.xori %scan3A_75, %reduce_max3A_79 : vector<16xi32>
    %reduce_max3A_81 = tpu.scan <max>, %reduce_max3A_80 masked %reduce_max3A_77 : vector<16xi32>, vector<16xi1> -> vector<16xi32>
    %reduce_max3A_82 = arith.xori %reduce_max3A_81, %reduce_max3A_79 : vector<16xi32>
    %reduce_max3A_83 = vector.extract %reduce_max3A_82[15] : i32 from vector<16xi32>
    %gt3A = arith.constant 0 : i32
    %gt3A_84 = arith.cmpi sgt, %reduce_max3A_83, %gt3A : i32
    %convert_element_type3A = arith.extui %gt3A_84 : i1 to i32
    %cond3A = arith.constant 0 : i32
    %cond3A_85 = arith.cmpi ne, %convert_element_type3A, %cond3A : i32
    scf.if %cond3A_85 {
      %eq3A_95 = arith.constant 0 : i32
      %eq3A_96 = arith.cmpi eq, %arg0, %eq3A_95 : i32
      %convert_element_type3A_97 = arith.extui %eq3A_96 : i1 to i32
      %cond3A_98 = arith.constant 0 : i32
      %cond3A_99 = arith.cmpi ne, %convert_element_type3A_97, %cond3A_98 : i32
      scf.if %cond3A_99 {
        %dma_start3A = arith.constant 0 : i32
        %dma_start3A_400 = tpu.memref_slice %arg20[%dma_start3A] : memref<1408xi32, #tpu.memory_space<vmem>> -> memref<128xi32, #tpu.memory_space<vmem>>
        %dma_start3A_401 = arith.constant 0 : i32
        %dma_start3A_402 = arith.constant 0 : i32
        %dma_start3A_403 = tpu.memref_slice %arg5[%dma_start3A_401, %dma_start3A_402] : memref<10240x128xf32, #tpu.memory_space<hbm>> -> memref<10240x128xf32, #tpu.memory_space<hbm>>
        tpu.enqueue_indirect_dma source(%dma_start3A_403 : memref<10240x128xf32, #tpu.memory_space<hbm>>) target(%arg27 : memref<128x128xf32, #tpu.memory_space<vmem>>) offsets(%dma_start3A_400 : memref<128xi32, #tpu.memory_space<vmem>>) semaphore(%arg35 : memref<!tpu.dma_semaphore, #tpu.memory_space<semaphore_mem>>)
      } else {
      }
      %ne3A_100 = arith.constant 0 : i32
      %ne3A_101 = arith.cmpi ne, %arg0, %ne3A_100 : i32
      %convert_element_type3A_102 = arith.extui %ne3A_101 : i1 to i32
      %cond3A_103 = arith.constant 0 : i32
      %cond3A_104 = arith.cmpi ne, %convert_element_type3A_102, %cond3A_103 : i32
      scf.if %cond3A_104 {
        %dma_start3A = arith.constant 0 : i32
        %dma_start3A_400 = tpu.memref_slice %arg20[%dma_start3A] : memref<1408xi32, #tpu.memory_space<vmem>> -> memref<128xi32, #tpu.memory_space<vmem>>
        %dma_start3A_401 = arith.constant 0 : i32
        %dma_start3A_402 = arith.constant 0 : i32
        %dma_start3A_403 = tpu.memref_slice %arg6[%dma_start3A_401, %dma_start3A_402] : memref<10240x128xf32, #tpu.memory_space<hbm>> -> memref<10240x128xf32, #tpu.memory_space<hbm>>
        tpu.enqueue_indirect_dma source(%dma_start3A_403 : memref<10240x128xf32, #tpu.memory_space<hbm>>) target(%arg27 : memref<128x128xf32, #tpu.memory_space<vmem>>) offsets(%dma_start3A_400 : memref<128xi32, #tpu.memory_space<vmem>>) semaphore(%arg35 : memref<!tpu.dma_semaphore, #tpu.memory_space<semaphore_mem>>)
      } else {
      }
      %broadcast_in_dim3A_105 = vector.broadcast %reduce_max3A_83 : i32 to vector<16xi32>
      %add3A_106 = arith.constant 0 : i32
      %add3A_107 = vector.broadcast %add3A_106 : i32 to vector<16xi32>
      %add3A_108 = arith.addi %iota3A, %add3A_107 : vector<16xi32>
      %lt3A_109 = arith.cmpi slt, %add3A_108, %broadcast_in_dim3A_105 : vector<16xi32>
      %get3A = arith.constant 0 : index
      %get3A_110 = tpu.vector_load %arg20[%get3A] {strides = array<i32>} : memref<1408xi32, #tpu.memory_space<vmem>>, vector<16xi32>,
      %get3A_111 = arith.constant 0 : index
      %get3A_112 = tpu.vector_load %arg21[%get3A_111] {strides = array<i32>} : memref<1408xi32, #tpu.memory_space<vmem>>, vector<16xi32>,
      %get3A_113 = arith.constant 0 : index
      %get3A_114 = tpu.vector_load %arg22[%get3A_113] {strides = array<i32>} : memref<1408xf32, #tpu.memory_space<vmem>>, vector<16xf32>,
      %gather3A = tpu.vector_load_idx %arg31[%get3A_110] : memref<10240xf32, #tpu.memory_space<vmem>>[vector<16xi32>], vector<16xf32>,
      %gather3A_115 = tpu.vector_load_idx %arg33[%get3A_112] : memref<640xf32, #tpu.memory_space<vmem>>[vector<16xi32>], vector<16xf32>,
      %gather3A_116 = tpu.vector_load_idx %arg32[%get3A_110] : memref<10240xf32, #tpu.memory_space<vmem>>[vector<16xi32>], vector<16xf32>,
      %mul3A_117 = arith.mulf %get3A_114, %gather3A : vector<16xf32>
      %add3A_118 = arith.addf %mul3A_117, %gather3A_115 : vector<16xf32>
      %ge3A = arith.constant 0.000000e+00 : f32
      %ge3A_119 = vector.broadcast %ge3A : f32 to vector<16xf32>
      %ge3A_120 = arith.cmpf oge, %add3A_118, %ge3A_119 : vector<16xf32>
      %mul3A_121 = arith.constant 0.00999999977 : f32
      %mul3A_122 = vector.broadcast %mul3A_121 : f32 to vector<16xf32>
      %mul3A_123 = arith.mulf %mul3A_122, %add3A_118 : vector<16xf32>
      %select_n3A_124 = arith.select %ge3A_120, %add3A_118, %mul3A_123 : vector<16xi1>, vector<16xf32>
      %exp3A = math.exp %select_n3A_124 : vector<16xf32>
      %select_n3A_125 = arith.select %lt3A_109, %exp3A, %broadcast_in_dim3A_2 : vector<16xi1>, vector<16xf32>
      %swap3A = arith.constant 0 : index
      %swap3A_126 = tpu.vector_load %arg23[%swap3A] {strides = array<i32>} : memref<128xf32, #tpu.memory_space<vmem>>, vector<16xf32>,
      tpu.vector_store %arg23[%swap3A], %select_n3A_125 {strides = array<i32>} : memref<128xf32, #tpu.memory_space<vmem>>, vector<16xf32>,
      %select_n3A_127 = arith.select %lt3A_109, %get3A_114, %broadcast_in_dim3A_2 : vector<16xi1>, vector<16xf32>
      %swap3A_128 = arith.constant 0 : index
      %swap3A_129 = tpu.vector_load %arg24[%swap3A_128] {strides = array<i32>} : memref<128xf32, #tpu.memory_space<vmem>>, vector<16xf32>,
      tpu.vector_store %arg24[%swap3A_128], %select_n3A_127 {strides = array<i32>} : memref<128xf32, #tpu.memory_space<vmem>>, vector<16xf32>,
      %mul3A_130 = arith.mulf %get3A_114, %gather3A_116 : vector<16xf32>
      %select_n3A_131 = arith.select %lt3A_109, %mul3A_130, %broadcast_in_dim3A_2 : vector<16xi1>, vector<16xf32>
      %swap3A_132 = arith.constant 0 : index
      %swap3A_133 = tpu.vector_load %arg25[%swap3A_132] {strides = array<i32>} : memref<128xf32, #tpu.memory_space<vmem>>, vector<16xf32>,
      tpu.vector_store %arg25[%swap3A_132], %select_n3A_131 {strides = array<i32>} : memref<128xf32, #tpu.memory_space<vmem>>, vector<16xf32>,
      %select_n3A_134 = arith.select %lt3A_109, %get3A_112, %broadcast_in_dim3A_68 : vector<16xi1>, vector<16xi32>
      %swap3A_135 = arith.constant 0 : index
      %swap3A_136 = tpu.vector_load %arg26[%swap3A_135] {strides = array<i32>} : memref<128xi32, #tpu.memory_space<vmem>>, vector<16xi32>,
      tpu.vector_store %arg26[%swap3A_135], %select_n3A_134 {strides = array<i32>} : memref<128xi32, #tpu.memory_space<vmem>>, vector<16xi32>,
      %add3A_137 = arith.constant 16 : i32
      %add3A_138 = vector.broadcast %add3A_137 : i32 to vector<16xi32>
      %add3A_139 = arith.addi %iota3A, %add3A_138 : vector<16xi32>
      %lt3A_140 = arith.cmpi slt, %add3A_139, %broadcast_in_dim3A_105 : vector<16xi32>
      %get3A_141 = arith.constant 16 : index
      %get3A_142 = tpu.vector_load %arg20[%get3A_141] {strides = array<i32>} : memref<1408xi32, #tpu.memory_space<vmem>>, vector<16xi32>,
      %get3A_143 = arith.constant 16 : index
      %get3A_144 = tpu.vector_load %arg21[%get3A_143] {strides = array<i32>} : memref<1408xi32, #tpu.memory_space<vmem>>, vector<16xi32>,
      %get3A_145 = arith.constant 16 : index
      %get3A_146 = tpu.vector_load %arg22[%get3A_145] {strides = array<i32>} : memref<1408xf32, #tpu.memory_space<vmem>>, vector<16xf32>,
      %gather3A_147 = tpu.vector_load_idx %arg31[%get3A_142] : memref<10240xf32, #tpu.memory_space<vmem>>[vector<16xi32>], vector<16xf32>,
      %gather3A_148 = tpu.vector_load_idx %arg33[%get3A_144] : memref<640xf32, #tpu.memory_space<vmem>>[vector<16xi32>], vector<16xf32>,
      %gather3A_149 = tpu.vector_load_idx %arg32[%get3A_142] : memref<10240xf32, #tpu.memory_space<vmem>>[vector<16xi32>], vector<16xf32>,
      %mul3A_150 = arith.mulf %get3A_146, %gather3A_147 : vector<16xf32>
      %add3A_151 = arith.addf %mul3A_150, %gather3A_148 : vector<16xf32>
      %ge3A_152 = arith.constant 0.000000e+00 : f32
      %ge3A_153 = vector.broadcast %ge3A_152 : f32 to vector<16xf32>
      %ge3A_154 = arith.cmpf oge, %add3A_151, %ge3A_153 : vector<16xf32>
      %mul3A_155 = arith.constant 0.00999999977 : f32
      %mul3A_156 = vector.broadcast %mul3A_155 : f32 to vector<16xf32>
      %mul3A_157 = arith.mulf %mul3A_156, %add3A_151 : vector<16xf32>
      %select_n3A_158 = arith.select %ge3A_154, %add3A_151, %mul3A_157 : vector<16xi1>, vector<16xf32>
      %exp3A_159 = math.exp %select_n3A_158 : vector<16xf32>
      %select_n3A_160 = arith.select %lt3A_140, %exp3A_159, %broadcast_in_dim3A_2 : vector<16xi1>, vector<16xf32>
      %swap3A_161 = arith.constant 16 : index
      %swap3A_162 = tpu.vector_load %arg23[%swap3A_161] {strides = array<i32>} : memref<128xf32, #tpu.memory_space<vmem>>, vector<16xf32>,
      tpu.vector_store %arg23[%swap3A_161], %select_n3A_160 {strides = array<i32>} : memref<128xf32, #tpu.memory_space<vmem>>, vector<16xf32>,
      %select_n3A_163 = arith.select %lt3A_140, %get3A_146, %broadcast_in_dim3A_2 : vector<16xi1>, vector<16xf32>
      %swap3A_164 = arith.constant 16 : index
      %swap3A_165 = tpu.vector_load %arg24[%swap3A_164] {strides = array<i32>} : memref<128xf32, #tpu.memory_space<vmem>>, vector<16xf32>,
      tpu.vector_store %arg24[%swap3A_164], %select_n3A_163 {strides = array<i32>} : memref<128xf32, #tpu.memory_space<vmem>>, vector<16xf32>,
      %mul3A_166 = arith.mulf %get3A_146, %gather3A_149 : vector<16xf32>
      %select_n3A_167 = arith.select %lt3A_140, %mul3A_166, %broadcast_in_dim3A_2 : vector<16xi1>, vector<16xf32>
      %swap3A_168 = arith.constant 16 : index
      %swap3A_169 = tpu.vector_load %arg25[%swap3A_168] {strides = array<i32>} : memref<128xf32, #tpu.memory_space<vmem>>, vector<16xf32>,
      tpu.vector_store %arg25[%swap3A_168], %select_n3A_167 {strides = array<i32>} : memref<128xf32, #tpu.memory_space<vmem>>, vector<16xf32>,
      %select_n3A_170 = arith.select %lt3A_140, %get3A_144, %broadcast_in_dim3A_68 : vector<16xi1>, vector<16xi32>
      %swap3A_171 = arith.constant 16 : index
      %swap3A_172 = tpu.vector_load %arg26[%swap3A_171] {strides = array<i32>} : memref<128xi32, #tpu.memory_space<vmem>>, vector<16xi32>,
      tpu.vector_store %arg26[%swap3A_171], %select_n3A_170 {strides = array<i32>} : memref<128xi32, #tpu.memory_space<vmem>>, vector<16xi32>,
      %add3A_173 = arith.constant 32 : i32
      %add3A_174 = vector.broadcast %add3A_173 : i32 to vector<16xi32>
      %add3A_175 = arith.addi %iota3A, %add3A_174 : vector<16xi32>
      %lt3A_176 = arith.cmpi slt, %add3A_175, %broadcast_in_dim3A_105 : vector<16xi32>
      %get3A_177 = arith.constant 32 : index
      %get3A_178 = tpu.vector_load %arg20[%get3A_177] {strides = array<i32>} : memref<1408xi32, #tpu.memory_space<vmem>>, vector<16xi32>,
      %get3A_179 = arith.constant 32 : index
      %get3A_180 = tpu.vector_load %arg21[%get3A_179] {strides = array<i32>} : memref<1408xi32, #tpu.memory_space<vmem>>, vector<16xi32>,
      %get3A_181 = arith.constant 32 : index
      %get3A_182 = tpu.vector_load %arg22[%get3A_181] {strides = array<i32>} : memref<1408xf32, #tpu.memory_space<vmem>>, vector<16xf32>,
      %gather3A_183 = tpu.vector_load_idx %arg31[%get3A_178] : memref<10240xf32, #tpu.memory_space<vmem>>[vector<16xi32>], vector<16xf32>,
      %gather3A_184 = tpu.vector_load_idx %arg33[%get3A_180] : memref<640xf32, #tpu.memory_space<vmem>>[vector<16xi32>], vector<16xf32>,
      %gather3A_185 = tpu.vector_load_idx %arg32[%get3A_178] : memref<10240xf32, #tpu.memory_space<vmem>>[vector<16xi32>], vector<16xf32>,
      %mul3A_186 = arith.mulf %get3A_182, %gather3A_183 : vector<16xf32>
      %add3A_187 = arith.addf %mul3A_186, %gather3A_184 : vector<16xf32>
      %ge3A_188 = arith.constant 0.000000e+00 : f32
      %ge3A_189 = vector.broadcast %ge3A_188 : f32 to vector<16xf32>
      %ge3A_190 = arith.cmpf oge, %add3A_187, %ge3A_189 : vector<16xf32>
      %mul3A_191 = arith.constant 0.00999999977 : f32
      %mul3A_192 = vector.broadcast %mul3A_191 : f32 to vector<16xf32>
      %mul3A_193 = arith.mulf %mul3A_192, %add3A_187 : vector<16xf32>
      %select_n3A_194 = arith.select %ge3A_190, %add3A_187, %mul3A_193 : vector<16xi1>, vector<16xf32>
      %exp3A_195 = math.exp %select_n3A_194 : vector<16xf32>
      %select_n3A_196 = arith.select %lt3A_176, %exp3A_195, %broadcast_in_dim3A_2 : vector<16xi1>, vector<16xf32>
      %swap3A_197 = arith.constant 32 : index
      %swap3A_198 = tpu.vector_load %arg23[%swap3A_197] {strides = array<i32>} : memref<128xf32, #tpu.memory_space<vmem>>, vector<16xf32>,
      tpu.vector_store %arg23[%swap3A_197], %select_n3A_196 {strides = array<i32>} : memref<128xf32, #tpu.memory_space<vmem>>, vector<16xf32>,
      %select_n3A_199 = arith.select %lt3A_176, %get3A_182, %broadcast_in_dim3A_2 : vector<16xi1>, vector<16xf32>
      %swap3A_200 = arith.constant 32 : index
      %swap3A_201 = tpu.vector_load %arg24[%swap3A_200] {strides = array<i32>} : memref<128xf32, #tpu.memory_space<vmem>>, vector<16xf32>,
      tpu.vector_store %arg24[%swap3A_200], %select_n3A_199 {strides = array<i32>} : memref<128xf32, #tpu.memory_space<vmem>>, vector<16xf32>,
      %mul3A_202 = arith.mulf %get3A_182, %gather3A_185 : vector<16xf32>
      %select_n3A_203 = arith.select %lt3A_176, %mul3A_202, %broadcast_in_dim3A_2 : vector<16xi1>, vector<16xf32>
      %swap3A_204 = arith.constant 32 : index
      %swap3A_205 = tpu.vector_load %arg25[%swap3A_204] {strides = array<i32>} : memref<128xf32, #tpu.memory_space<vmem>>, vector<16xf32>,
      tpu.vector_store %arg25[%swap3A_204], %select_n3A_203 {strides = array<i32>} : memref<128xf32, #tpu.memory_space<vmem>>, vector<16xf32>,
      %select_n3A_206 = arith.select %lt3A_176, %get3A_180, %broadcast_in_dim3A_68 : vector<16xi1>, vector<16xi32>
      %swap3A_207 = arith.constant 32 : index
      %swap3A_208 = tpu.vector_load %arg26[%swap3A_207] {strides = array<i32>} : memref<128xi32, #tpu.memory_space<vmem>>, vector<16xi32>,
      tpu.vector_store %arg26[%swap3A_207], %select_n3A_206 {strides = array<i32>} : memref<128xi32, #tpu.memory_space<vmem>>, vector<16xi32>,
      %add3A_209 = arith.constant 48 : i32
      %add3A_210 = vector.broadcast %add3A_209 : i32 to vector<16xi32>
      %add3A_211 = arith.addi %iota3A, %add3A_210 : vector<16xi32>
      %lt3A_212 = arith.cmpi slt, %add3A_211, %broadcast_in_dim3A_105 : vector<16xi32>
      %get3A_213 = arith.constant 48 : index
      %get3A_214 = tpu.vector_load %arg20[%get3A_213] {strides = array<i32>} : memref<1408xi32, #tpu.memory_space<vmem>>, vector<16xi32>,
      %get3A_215 = arith.constant 48 : index
      %get3A_216 = tpu.vector_load %arg21[%get3A_215] {strides = array<i32>} : memref<1408xi32, #tpu.memory_space<vmem>>, vector<16xi32>,
      %get3A_217 = arith.constant 48 : index
      %get3A_218 = tpu.vector_load %arg22[%get3A_217] {strides = array<i32>} : memref<1408xf32, #tpu.memory_space<vmem>>, vector<16xf32>,
      %gather3A_219 = tpu.vector_load_idx %arg31[%get3A_214] : memref<10240xf32, #tpu.memory_space<vmem>>[vector<16xi32>], vector<16xf32>,
      %gather3A_220 = tpu.vector_load_idx %arg33[%get3A_216] : memref<640xf32, #tpu.memory_space<vmem>>[vector<16xi32>], vector<16xf32>,
      %gather3A_221 = tpu.vector_load_idx %arg32[%get3A_214] : memref<10240xf32, #tpu.memory_space<vmem>>[vector<16xi32>], vector<16xf32>,
      %mul3A_222 = arith.mulf %get3A_218, %gather3A_219 : vector<16xf32>
      %add3A_223 = arith.addf %mul3A_222, %gather3A_220 : vector<16xf32>
      %ge3A_224 = arith.constant 0.000000e+00 : f32
      %ge3A_225 = vector.broadcast %ge3A_224 : f32 to vector<16xf32>
      %ge3A_226 = arith.cmpf oge, %add3A_223, %ge3A_225 : vector<16xf32>
      %mul3A_227 = arith.constant 0.00999999977 : f32
      %mul3A_228 = vector.broadcast %mul3A_227 : f32 to vector<16xf32>
      %mul3A_229 = arith.mulf %mul3A_228, %add3A_223 : vector<16xf32>
      %select_n3A_230 = arith.select %ge3A_226, %add3A_223, %mul3A_229 : vector<16xi1>, vector<16xf32>
      %exp3A_231 = math.exp %select_n3A_230 : vector<16xf32>
      %select_n3A_232 = arith.select %lt3A_212, %exp3A_231, %broadcast_in_dim3A_2 : vector<16xi1>, vector<16xf32>
      %swap3A_233 = arith.constant 48 : index
      %swap3A_234 = tpu.vector_load %arg23[%swap3A_233] {strides = array<i32>} : memref<128xf32, #tpu.memory_space<vmem>>, vector<16xf32>,
      tpu.vector_store %arg23[%swap3A_233], %select_n3A_232 {strides = array<i32>} : memref<128xf32, #tpu.memory_space<vmem>>, vector<16xf32>,
      %select_n3A_235 = arith.select %lt3A_212, %get3A_218, %broadcast_in_dim3A_2 : vector<16xi1>, vector<16xf32>
      %swap3A_236 = arith.constant 48 : index
      %swap3A_237 = tpu.vector_load %arg24[%swap3A_236] {strides = array<i32>} : memref<128xf32, #tpu.memory_space<vmem>>, vector<16xf32>,
      tpu.vector_store %arg24[%swap3A_236], %select_n3A_235 {strides = array<i32>} : memref<128xf32, #tpu.memory_space<vmem>>, vector<16xf32>,
      %mul3A_238 = arith.mulf %get3A_218, %gather3A_221 : vector<16xf32>
      %select_n3A_239 = arith.select %lt3A_212, %mul3A_238, %broadcast_in_dim3A_2 : vector<16xi1>, vector<16xf32>
      %swap3A_240 = arith.constant 48 : index
      %swap3A_241 = tpu.vector_load %arg25[%swap3A_240] {strides = array<i32>} : memref<128xf32, #tpu.memory_space<vmem>>, vector<16xf32>,
      tpu.vector_store %arg25[%swap3A_240], %select_n3A_239 {strides = array<i32>} : memref<128xf32, #tpu.memory_space<vmem>>, vector<16xf32>,
      %select_n3A_242 = arith.select %lt3A_212, %get3A_216, %broadcast_in_dim3A_68 : vector<16xi1>, vector<16xi32>
      %swap3A_243 = arith.constant 48 : index
      %swap3A_244 = tpu.vector_load %arg26[%swap3A_243] {strides = array<i32>} : memref<128xi32, #tpu.memory_space<vmem>>, vector<16xi32>,
      tpu.vector_store %arg26[%swap3A_243], %select_n3A_242 {strides = array<i32>} : memref<128xi32, #tpu.memory_space<vmem>>, vector<16xi32>,
      %add3A_245 = arith.constant 64 : i32
      %add3A_246 = vector.broadcast %add3A_245 : i32 to vector<16xi32>
      %add3A_247 = arith.addi %iota3A, %add3A_246 : vector<16xi32>
      %lt3A_248 = arith.cmpi slt, %add3A_247, %broadcast_in_dim3A_105 : vector<16xi32>
      %get3A_249 = arith.constant 64 : index
      %get3A_250 = tpu.vector_load %arg20[%get3A_249] {strides = array<i32>} : memref<1408xi32, #tpu.memory_space<vmem>>, vector<16xi32>,
      %get3A_251 = arith.constant 64 : index
      %get3A_252 = tpu.vector_load %arg21[%get3A_251] {strides = array<i32>} : memref<1408xi32, #tpu.memory_space<vmem>>, vector<16xi32>,
      %get3A_253 = arith.constant 64 : index
      %get3A_254 = tpu.vector_load %arg22[%get3A_253] {strides = array<i32>} : memref<1408xf32, #tpu.memory_space<vmem>>, vector<16xf32>,
      %gather3A_255 = tpu.vector_load_idx %arg31[%get3A_250] : memref<10240xf32, #tpu.memory_space<vmem>>[vector<16xi32>], vector<16xf32>,
      %gather3A_256 = tpu.vector_load_idx %arg33[%get3A_252] : memref<640xf32, #tpu.memory_space<vmem>>[vector<16xi32>], vector<16xf32>,
      %gather3A_257 = tpu.vector_load_idx %arg32[%get3A_250] : memref<10240xf32, #tpu.memory_space<vmem>>[vector<16xi32>], vector<16xf32>,
      %mul3A_258 = arith.mulf %get3A_254, %gather3A_255 : vector<16xf32>
      %add3A_259 = arith.addf %mul3A_258, %gather3A_256 : vector<16xf32>
      %ge3A_260 = arith.constant 0.000000e+00 : f32
      %ge3A_261 = vector.broadcast %ge3A_260 : f32 to vector<16xf32>
      %ge3A_262 = arith.cmpf oge, %add3A_259, %ge3A_261 : vector<16xf32>
      %mul3A_263 = arith.constant 0.00999999977 : f32
      %mul3A_264 = vector.broadcast %mul3A_263 : f32 to vector<16xf32>
      %mul3A_265 = arith.mulf %mul3A_264, %add3A_259 : vector<16xf32>
      %select_n3A_266 = arith.select %ge3A_262, %add3A_259, %mul3A_265 : vector<16xi1>, vector<16xf32>
      %exp3A_267 = math.exp %select_n3A_266 : vector<16xf32>
      %select_n3A_268 = arith.select %lt3A_248, %exp3A_267, %broadcast_in_dim3A_2 : vector<16xi1>, vector<16xf32>
      %swap3A_269 = arith.constant 64 : index
      %swap3A_270 = tpu.vector_load %arg23[%swap3A_269] {strides = array<i32>} : memref<128xf32, #tpu.memory_space<vmem>>, vector<16xf32>,
      tpu.vector_store %arg23[%swap3A_269], %select_n3A_268 {strides = array<i32>} : memref<128xf32, #tpu.memory_space<vmem>>, vector<16xf32>,
      %select_n3A_271 = arith.select %lt3A_248, %get3A_254, %broadcast_in_dim3A_2 : vector<16xi1>, vector<16xf32>
      %swap3A_272 = arith.constant 64 : index
      %swap3A_273 = tpu.vector_load %arg24[%swap3A_272] {strides = array<i32>} : memref<128xf32, #tpu.memory_space<vmem>>, vector<16xf32>,
      tpu.vector_store %arg24[%swap3A_272], %select_n3A_271 {strides = array<i32>} : memref<128xf32, #tpu.memory_space<vmem>>, vector<16xf32>,
      %mul3A_274 = arith.mulf %get3A_254, %gather3A_257 : vector<16xf32>
      %select_n3A_275 = arith.select %lt3A_248, %mul3A_274, %broadcast_in_dim3A_2 : vector<16xi1>, vector<16xf32>
      %swap3A_276 = arith.constant 64 : index
      %swap3A_277 = tpu.vector_load %arg25[%swap3A_276] {strides = array<i32>} : memref<128xf32, #tpu.memory_space<vmem>>, vector<16xf32>,
      tpu.vector_store %arg25[%swap3A_276], %select_n3A_275 {strides = array<i32>} : memref<128xf32, #tpu.memory_space<vmem>>, vector<16xf32>,
      %select_n3A_278 = arith.select %lt3A_248, %get3A_252, %broadcast_in_dim3A_68 : vector<16xi1>, vector<16xi32>
      %swap3A_279 = arith.constant 64 : index
      %swap3A_280 = tpu.vector_load %arg26[%swap3A_279] {strides = array<i32>} : memref<128xi32, #tpu.memory_space<vmem>>, vector<16xi32>,
      tpu.vector_store %arg26[%swap3A_279], %select_n3A_278 {strides = array<i32>} : memref<128xi32, #tpu.memory_space<vmem>>, vector<16xi32>,
      %add3A_281 = arith.constant 80 : i32
      %add3A_282 = vector.broadcast %add3A_281 : i32 to vector<16xi32>
      %add3A_283 = arith.addi %iota3A, %add3A_282 : vector<16xi32>
      %lt3A_284 = arith.cmpi slt, %add3A_283, %broadcast_in_dim3A_105 : vector<16xi32>
      %get3A_285 = arith.constant 80 : index
      %get3A_286 = tpu.vector_load %arg20[%get3A_285] {strides = array<i32>} : memref<1408xi32, #tpu.memory_space<vmem>>, vector<16xi32>,
      %get3A_287 = arith.constant 80 : index
      %get3A_288 = tpu.vector_load %arg21[%get3A_287] {strides = array<i32>} : memref<1408xi32, #tpu.memory_space<vmem>>, vector<16xi32>,
      %get3A_289 = arith.constant 80 : index
      %get3A_290 = tpu.vector_load %arg22[%get3A_289] {strides = array<i32>} : memref<1408xf32, #tpu.memory_space<vmem>>, vector<16xf32>,
      %gather3A_291 = tpu.vector_load_idx %arg31[%get3A_286] : memref<10240xf32, #tpu.memory_space<vmem>>[vector<16xi32>], vector<16xf32>,
      %gather3A_292 = tpu.vector_load_idx %arg33[%get3A_288] : memref<640xf32, #tpu.memory_space<vmem>>[vector<16xi32>], vector<16xf32>,
      %gather3A_293 = tpu.vector_load_idx %arg32[%get3A_286] : memref<10240xf32, #tpu.memory_space<vmem>>[vector<16xi32>], vector<16xf32>,
      %mul3A_294 = arith.mulf %get3A_290, %gather3A_291 : vector<16xf32>
      %add3A_295 = arith.addf %mul3A_294, %gather3A_292 : vector<16xf32>
      %ge3A_296 = arith.constant 0.000000e+00 : f32
      %ge3A_297 = vector.broadcast %ge3A_296 : f32 to vector<16xf32>
      %ge3A_298 = arith.cmpf oge, %add3A_295, %ge3A_297 : vector<16xf32>
      %mul3A_299 = arith.constant 0.00999999977 : f32
      %mul3A_300 = vector.broadcast %mul3A_299 : f32 to vector<16xf32>
      %mul3A_301 = arith.mulf %mul3A_300, %add3A_295 : vector<16xf32>
      %select_n3A_302 = arith.select %ge3A_298, %add3A_295, %mul3A_301 : vector<16xi1>, vector<16xf32>
      %exp3A_303 = math.exp %select_n3A_302 : vector<16xf32>
      %select_n3A_304 = arith.select %lt3A_284, %exp3A_303, %broadcast_in_dim3A_2 : vector<16xi1>, vector<16xf32>
      %swap3A_305 = arith.constant 80 : index
      %swap3A_306 = tpu.vector_load %arg23[%swap3A_305] {strides = array<i32>} : memref<128xf32, #tpu.memory_space<vmem>>, vector<16xf32>,
      tpu.vector_store %arg23[%swap3A_305], %select_n3A_304 {strides = array<i32>} : memref<128xf32, #tpu.memory_space<vmem>>, vector<16xf32>,
      %select_n3A_307 = arith.select %lt3A_284, %get3A_290, %broadcast_in_dim3A_2 : vector<16xi1>, vector<16xf32>
      %swap3A_308 = arith.constant 80 : index
      %swap3A_309 = tpu.vector_load %arg24[%swap3A_308] {strides = array<i32>} : memref<128xf32, #tpu.memory_space<vmem>>, vector<16xf32>,
      tpu.vector_store %arg24[%swap3A_308], %select_n3A_307 {strides = array<i32>} : memref<128xf32, #tpu.memory_space<vmem>>, vector<16xf32>,
      %mul3A_310 = arith.mulf %get3A_290, %gather3A_293 : vector<16xf32>
      %select_n3A_311 = arith.select %lt3A_284, %mul3A_310, %broadcast_in_dim3A_2 : vector<16xi1>, vector<16xf32>
      %swap3A_312 = arith.constant 80 : index
      %swap3A_313 = tpu.vector_load %arg25[%swap3A_312] {strides = array<i32>} : memref<128xf32, #tpu.memory_space<vmem>>, vector<16xf32>,
      tpu.vector_store %arg25[%swap3A_312], %select_n3A_311 {strides = array<i32>} : memref<128xf32, #tpu.memory_space<vmem>>, vector<16xf32>,
      %select_n3A_314 = arith.select %lt3A_284, %get3A_288, %broadcast_in_dim3A_68 : vector<16xi1>, vector<16xi32>
      %swap3A_315 = arith.constant 80 : index
      %swap3A_316 = tpu.vector_load %arg26[%swap3A_315] {strides = array<i32>} : memref<128xi32, #tpu.memory_space<vmem>>, vector<16xi32>,
      tpu.vector_store %arg26[%swap3A_315], %select_n3A_314 {strides = array<i32>} : memref<128xi32, #tpu.memory_space<vmem>>, vector<16xi32>,
      %add3A_317 = arith.constant 96 : i32
      %add3A_318 = vector.broadcast %add3A_317 : i32 to vector<16xi32>
      %add3A_319 = arith.addi %iota3A, %add3A_318 : vector<16xi32>
      %lt3A_320 = arith.cmpi slt, %add3A_319, %broadcast_in_dim3A_105 : vector<16xi32>
      %get3A_321 = arith.constant 96 : index
      %get3A_322 = tpu.vector_load %arg20[%get3A_321] {strides = array<i32>} : memref<1408xi32, #tpu.memory_space<vmem>>, vector<16xi32>,
      %get3A_323 = arith.constant 96 : index
      %get3A_324 = tpu.vector_load %arg21[%get3A_323] {strides = array<i32>} : memref<1408xi32, #tpu.memory_space<vmem>>, vector<16xi32>,
      %get3A_325 = arith.constant 96 : index
      %get3A_326 = tpu.vector_load %arg22[%get3A_325] {strides = array<i32>} : memref<1408xf32, #tpu.memory_space<vmem>>, vector<16xf32>,
      %gather3A_327 = tpu.vector_load_idx %arg31[%get3A_322] : memref<10240xf32, #tpu.memory_space<vmem>>[vector<16xi32>], vector<16xf32>,
      %gather3A_328 = tpu.vector_load_idx %arg33[%get3A_324] : memref<640xf32, #tpu.memory_space<vmem>>[vector<16xi32>], vector<16xf32>,
      %gather3A_329 = tpu.vector_load_idx %arg32[%get3A_322] : memref<10240xf32, #tpu.memory_space<vmem>>[vector<16xi32>], vector<16xf32>,
      %mul3A_330 = arith.mulf %get3A_326, %gather3A_327 : vector<16xf32>
      %add3A_331 = arith.addf %mul3A_330, %gather3A_328 : vector<16xf32>
      %ge3A_332 = arith.constant 0.000000e+00 : f32
      %ge3A_333 = vector.broadcast %ge3A_332 : f32 to vector<16xf32>
      %ge3A_334 = arith.cmpf oge, %add3A_331, %ge3A_333 : vector<16xf32>
      %mul3A_335 = arith.constant 0.00999999977 : f32
      %mul3A_336 = vector.broadcast %mul3A_335 : f32 to vector<16xf32>
      %mul3A_337 = arith.mulf %mul3A_336, %add3A_331 : vector<16xf32>
      %select_n3A_338 = arith.select %ge3A_334, %add3A_331, %mul3A_337 : vector<16xi1>, vector<16xf32>
      %exp3A_339 = math.exp %select_n3A_338 : vector<16xf32>
      %select_n3A_340 = arith.select %lt3A_320, %exp3A_339, %broadcast_in_dim3A_2 : vector<16xi1>, vector<16xf32>
      %swap3A_341 = arith.constant 96 : index
      %swap3A_342 = tpu.vector_load %arg23[%swap3A_341] {strides = array<i32>} : memref<128xf32, #tpu.memory_space<vmem>>, vector<16xf32>,
      tpu.vector_store %arg23[%swap3A_341], %select_n3A_340 {strides = array<i32>} : memref<128xf32, #tpu.memory_space<vmem>>, vector<16xf32>,
      %select_n3A_343 = arith.select %lt3A_320, %get3A_326, %broadcast_in_dim3A_2 : vector<16xi1>, vector<16xf32>
      %swap3A_344 = arith.constant 96 : index
      %swap3A_345 = tpu.vector_load %arg24[%swap3A_344] {strides = array<i32>} : memref<128xf32, #tpu.memory_space<vmem>>, vector<16xf32>,
      tpu.vector_store %arg24[%swap3A_344], %select_n3A_343 {strides = array<i32>} : memref<128xf32, #tpu.memory_space<vmem>>, vector<16xf32>,
      %mul3A_346 = arith.mulf %get3A_326, %gather3A_329 : vector<16xf32>
      %select_n3A_347 = arith.select %lt3A_320, %mul3A_346, %broadcast_in_dim3A_2 : vector<16xi1>, vector<16xf32>
      %swap3A_348 = arith.constant 96 : index
      %swap3A_349 = tpu.vector_load %arg25[%swap3A_348] {strides = array<i32>} : memref<128xf32, #tpu.memory_space<vmem>>, vector<16xf32>,
      tpu.vector_store %arg25[%swap3A_348], %select_n3A_347 {strides = array<i32>} : memref<128xf32, #tpu.memory_space<vmem>>, vector<16xf32>,
      %select_n3A_350 = arith.select %lt3A_320, %get3A_324, %broadcast_in_dim3A_68 : vector<16xi1>, vector<16xi32>
      %swap3A_351 = arith.constant 96 : index
      %swap3A_352 = tpu.vector_load %arg26[%swap3A_351] {strides = array<i32>} : memref<128xi32, #tpu.memory_space<vmem>>, vector<16xi32>,
      tpu.vector_store %arg26[%swap3A_351], %select_n3A_350 {strides = array<i32>} : memref<128xi32, #tpu.memory_space<vmem>>, vector<16xi32>,
      %add3A_353 = arith.constant 112 : i32
      %add3A_354 = vector.broadcast %add3A_353 : i32 to vector<16xi32>
      %add3A_355 = arith.addi %iota3A, %add3A_354 : vector<16xi32>
      %lt3A_356 = arith.cmpi slt, %add3A_355, %broadcast_in_dim3A_105 : vector<16xi32>
      %get3A_357 = arith.constant 112 : index
      %get3A_358 = tpu.vector_load %arg20[%get3A_357] {strides = array<i32>} : memref<1408xi32, #tpu.memory_space<vmem>>, vector<16xi32>,
      %get3A_359 = arith.constant 112 : index
      %get3A_360 = tpu.vector_load %arg21[%get3A_359] {strides = array<i32>} : memref<1408xi32, #tpu.memory_space<vmem>>, vector<16xi32>,
      %get3A_361 = arith.constant 112 : index
      %get3A_362 = tpu.vector_load %arg22[%get3A_361] {strides = array<i32>} : memref<1408xf32, #tpu.memory_space<vmem>>, vector<16xf32>,
      %gather3A_363 = tpu.vector_load_idx %arg31[%get3A_358] : memref<10240xf32, #tpu.memory_space<vmem>>[vector<16xi32>], vector<16xf32>,
      %gather3A_364 = tpu.vector_load_idx %arg33[%get3A_360] : memref<640xf32, #tpu.memory_space<vmem>>[vector<16xi32>], vector<16xf32>,
      %gather3A_365 = tpu.vector_load_idx %arg32[%get3A_358] : memref<10240xf32, #tpu.memory_space<vmem>>[vector<16xi32>], vector<16xf32>,
      %mul3A_366 = arith.mulf %get3A_362, %gather3A_363 : vector<16xf32>
      %add3A_367 = arith.addf %mul3A_366, %gather3A_364 : vector<16xf32>
      %ge3A_368 = arith.constant 0.000000e+00 : f32
      %ge3A_369 = vector.broadcast %ge3A_368 : f32 to vector<16xf32>
      %ge3A_370 = arith.cmpf oge, %add3A_367, %ge3A_369 : vector<16xf32>
      %mul3A_371 = arith.constant 0.00999999977 : f32
      %mul3A_372 = vector.broadcast %mul3A_371 : f32 to vector<16xf32>
      %mul3A_373 = arith.mulf %mul3A_372, %add3A_367 : vector<16xf32>
      %select_n3A_374 = arith.select %ge3A_370, %add3A_367, %mul3A_373 : vector<16xi1>, vector<16xf32>
      %exp3A_375 = math.exp %select_n3A_374 : vector<16xf32>
      %select_n3A_376 = arith.select %lt3A_356, %exp3A_375, %broadcast_in_dim3A_2 : vector<16xi1>, vector<16xf32>
      %swap3A_377 = arith.constant 112 : index
      %swap3A_378 = tpu.vector_load %arg23[%swap3A_377] {strides = array<i32>} : memref<128xf32, #tpu.memory_space<vmem>>, vector<16xf32>,
      tpu.vector_store %arg23[%swap3A_377], %select_n3A_376 {strides = array<i32>} : memref<128xf32, #tpu.memory_space<vmem>>, vector<16xf32>,
      %select_n3A_379 = arith.select %lt3A_356, %get3A_362, %broadcast_in_dim3A_2 : vector<16xi1>, vector<16xf32>
      %swap3A_380 = arith.constant 112 : index
      %swap3A_381 = tpu.vector_load %arg24[%swap3A_380] {strides = array<i32>} : memref<128xf32, #tpu.memory_space<vmem>>, vector<16xf32>,
      tpu.vector_store %arg24[%swap3A_380], %select_n3A_379 {strides = array<i32>} : memref<128xf32, #tpu.memory_space<vmem>>, vector<16xf32>,
      %mul3A_382 = arith.mulf %get3A_362, %gather3A_365 : vector<16xf32>
      %select_n3A_383 = arith.select %lt3A_356, %mul3A_382, %broadcast_in_dim3A_2 : vector<16xi1>, vector<16xf32>
      %swap3A_384 = arith.constant 112 : index
      %swap3A_385 = tpu.vector_load %arg25[%swap3A_384] {strides = array<i32>} : memref<128xf32, #tpu.memory_space<vmem>>, vector<16xf32>,
      tpu.vector_store %arg25[%swap3A_384], %select_n3A_383 {strides = array<i32>} : memref<128xf32, #tpu.memory_space<vmem>>, vector<16xf32>,
      %select_n3A_386 = arith.select %lt3A_356, %get3A_360, %broadcast_in_dim3A_68 : vector<16xi1>, vector<16xi32>
      %swap3A_387 = arith.constant 112 : index
      %swap3A_388 = tpu.vector_load %arg26[%swap3A_387] {strides = array<i32>} : memref<128xi32, #tpu.memory_space<vmem>>, vector<16xi32>,
      tpu.vector_store %arg26[%swap3A_387], %select_n3A_386 {strides = array<i32>} : memref<128xi32, #tpu.memory_space<vmem>>, vector<16xi32>,
      %dma_wait3A = arith.constant 0 : i32
      %dma_wait3A_389 = tpu.memref_slice %arg20[%dma_wait3A] : memref<1408xi32, #tpu.memory_space<vmem>> -> memref<128xi32, #tpu.memory_space<vmem>>
      %dma_wait3A_390 = arith.constant 0 : i32
      %dma_wait3A_391 = arith.constant 0 : i32
      %dma_wait3A_392 = tpu.memref_slice %arg5[%dma_wait3A_390, %dma_wait3A_391] : memref<10240x128xf32, #tpu.memory_space<hbm>> -> memref<10240x128xf32, #tpu.memory_space<hbm>>
      tpu.wait_indirect_dma semaphore(%arg35 : memref<!tpu.dma_semaphore, #tpu.memory_space<semaphore_mem>>) src(%dma_wait3A_392 : memref<10240x128xf32, #tpu.memory_space<hbm>>) dst(%arg27 : memref<128x128xf32, #tpu.memory_space<vmem>>)
      %scan3A_393 = arith.constant 0 : i32
      %scan3A_394 = arith.constant 0 : i32
      %scan3A_395 = arith.constant 128 : i32
      %scan3A_396 = arith.addi %scan3A_394, %scan3A_395 : i32
      %scan3A_397 = arith.constant 2 : i32
      %scan3A_398 = scf.for %scan3A_400 = %scan3A_394 to %scan3A_396 step %scan3A_397 iter_args(%scan3A_401 = %scan3A_393) -> (i32)  : i32 {
        %broadcast_in_dim3A_402 = vector.broadcast %scan3A_400 : i32 to vector<16xi32>
        %gather3A_403 = tpu.vector_load_idx %arg23[%broadcast_in_dim3A_402] : memref<128xf32, #tpu.memory_space<vmem>>[vector<16xi32>], vector<16xf32>,
        %gather3A_404 = tpu.vector_load_idx %arg24[%broadcast_in_dim3A_402] : memref<128xf32, #tpu.memory_space<vmem>>[vector<16xi32>], vector<16xf32>,
        %gather3A_405 = tpu.vector_load_idx %arg25[%broadcast_in_dim3A_402] : memref<128xf32, #tpu.memory_space<vmem>>[vector<16xi32>], vector<16xf32>,
        %gather3A_406 = tpu.vector_load_idx %arg26[%broadcast_in_dim3A_402] : memref<128xi32, #tpu.memory_space<vmem>>[vector<16xi32>], vector<16xi32>,
        %mul3A_407 = arith.constant 64 : i32
        %mul3A_408 = vector.broadcast %mul3A_407 : i32 to vector<16xi32>
        %mul3A_409 = arith.muli %gather3A_406, %mul3A_408 : vector<16xi32>
        %add3A_410 = arith.addi %mul3A_409, %iota3A : vector<16xi32>
        %add3A_411 = arith.constant 0 : i32
        %add3A_412 = vector.broadcast %add3A_411 : i32 to vector<16xi32>
        %add3A_413 = arith.addi %add3A_410, %add3A_412 : vector<16xi32>
        %get3A_414 = arith.index_cast %scan3A_400 : i32 to index
        %get3A_415 = arith.constant 0 : index
        %get3A_416 = tpu.vector_load %arg27[%get3A_414, %get3A_415] {strides = array<i32>} : memref<128x128xf32, #tpu.memory_space<vmem>>, vector<16xf32>,
        %get3A_417 = arith.index_cast %scan3A_400 : i32 to index
        %get3A_418 = arith.constant 64 : index
        %get3A_419 = tpu.vector_load %arg27[%get3A_417, %get3A_418] {strides = array<i32>} : memref<128x128xf32, #tpu.memory_space<vmem>>, vector<16xf32>,
        %mul3A_420 = arith.mulf %gather3A_403, %get3A_416 : vector<16xf32>
        tpu.vector_store_idx %arg28[%add3A_413], %mul3A_420 {add = true} : memref<41024xf32, #tpu.memory_space<vmem>>[vector<16xi32>], vector<16xf32>,
        %gather3A_421 = tpu.vector_load_idx %arg29[%add3A_413] : memref<41024xf32, #tpu.memory_space<vmem>>[vector<16xi32>], vector<16xf32>,
        %mul3A_422 = arith.mulf %gather3A_404, %get3A_419 : vector<16xf32>
        %max3A = arith.maximumf %gather3A_421, %mul3A_422 : vector<16xf32>
        tpu.vector_store_idx %arg29[%add3A_413], %max3A : memref<41024xf32, #tpu.memory_space<vmem>>[vector<16xi32>], vector<16xf32>,
        %add3A_423 = arith.constant 16 : i32
        %add3A_424 = vector.broadcast %add3A_423 : i32 to vector<16xi32>
        %add3A_425 = arith.addi %add3A_410, %add3A_424 : vector<16xi32>
        %get3A_426 = arith.index_cast %scan3A_400 : i32 to index
        %get3A_427 = arith.constant 16 : index
        %get3A_428 = tpu.vector_load %arg27[%get3A_426, %get3A_427] {strides = array<i32>} : memref<128x128xf32, #tpu.memory_space<vmem>>, vector<16xf32>,
        %get3A_429 = arith.index_cast %scan3A_400 : i32 to index
        %get3A_430 = arith.constant 80 : index
        %get3A_431 = tpu.vector_load %arg27[%get3A_429, %get3A_430] {strides = array<i32>} : memref<128x128xf32, #tpu.memory_space<vmem>>, vector<16xf32>,
        %mul3A_432 = arith.mulf %gather3A_403, %get3A_428 : vector<16xf32>
        tpu.vector_store_idx %arg28[%add3A_425], %mul3A_432 {add = true} : memref<41024xf32, #tpu.memory_space<vmem>>[vector<16xi32>], vector<16xf32>,
        %gather3A_433 = tpu.vector_load_idx %arg29[%add3A_425] : memref<41024xf32, #tpu.memory_space<vmem>>[vector<16xi32>], vector<16xf32>,
        %mul3A_434 = arith.mulf %gather3A_404, %get3A_431 : vector<16xf32>
        %max3A_435 = arith.maximumf %gather3A_433, %mul3A_434 : vector<16xf32>
        tpu.vector_store_idx %arg29[%add3A_425], %max3A_435 : memref<41024xf32, #tpu.memory_space<vmem>>[vector<16xi32>], vector<16xf32>,
        %add3A_436 = arith.constant 32 : i32
        %add3A_437 = vector.broadcast %add3A_436 : i32 to vector<16xi32>
        %add3A_438 = arith.addi %add3A_410, %add3A_437 : vector<16xi32>
        %get3A_439 = arith.index_cast %scan3A_400 : i32 to index
        %get3A_440 = arith.constant 32 : index
        %get3A_441 = tpu.vector_load %arg27[%get3A_439, %get3A_440] {strides = array<i32>} : memref<128x128xf32, #tpu.memory_space<vmem>>, vector<16xf32>,
        %get3A_442 = arith.index_cast %scan3A_400 : i32 to index
        %get3A_443 = arith.constant 96 : index
        %get3A_444 = tpu.vector_load %arg27[%get3A_442, %get3A_443] {strides = array<i32>} : memref<128x128xf32, #tpu.memory_space<vmem>>, vector<16xf32>,
        %mul3A_445 = arith.mulf %gather3A_403, %get3A_441 : vector<16xf32>
        tpu.vector_store_idx %arg28[%add3A_438], %mul3A_445 {add = true} : memref<41024xf32, #tpu.memory_space<vmem>>[vector<16xi32>], vector<16xf32>,
        %gather3A_446 = tpu.vector_load_idx %arg29[%add3A_438] : memref<41024xf32, #tpu.memory_space<vmem>>[vector<16xi32>], vector<16xf32>,
        %mul3A_447 = arith.mulf %gather3A_404, %get3A_444 : vector<16xf32>
        %max3A_448 = arith.maximumf %gather3A_446, %mul3A_447 : vector<16xf32>
        tpu.vector_store_idx %arg29[%add3A_438], %max3A_448 : memref<41024xf32, #tpu.memory_space<vmem>>[vector<16xi32>], vector<16xf32>,
        %add3A_449 = arith.constant 48 : i32
        %add3A_450 = vector.broadcast %add3A_449 : i32 to vector<16xi32>
        %add3A_451 = arith.addi %add3A_410, %add3A_450 : vector<16xi32>
        %get3A_452 = arith.index_cast %scan3A_400 : i32 to index
        %get3A_453 = arith.constant 48 : index
        %get3A_454 = tpu.vector_load %arg27[%get3A_452, %get3A_453] {strides = array<i32>} : memref<128x128xf32, #tpu.memory_space<vmem>>, vector<16xf32>,
        %get3A_455 = arith.index_cast %scan3A_400 : i32 to index
        %get3A_456 = arith.constant 112 : index
        %get3A_457 = tpu.vector_load %arg27[%get3A_455, %get3A_456] {strides = array<i32>} : memref<128x128xf32, #tpu.memory_space<vmem>>, vector<16xf32>,
        %mul3A_458 = arith.mulf %gather3A_403, %get3A_454 : vector<16xf32>
        tpu.vector_store_idx %arg28[%add3A_451], %mul3A_458 {add = true} : memref<41024xf32, #tpu.memory_space<vmem>>[vector<16xi32>], vector<16xf32>,
        %gather3A_459 = tpu.vector_load_idx %arg29[%add3A_451] : memref<41024xf32, #tpu.memory_space<vmem>>[vector<16xi32>], vector<16xf32>,
        %mul3A_460 = arith.mulf %gather3A_404, %get3A_457 : vector<16xf32>
        %max3A_461 = arith.maximumf %gather3A_459, %mul3A_460 : vector<16xf32>
        tpu.vector_store_idx %arg29[%add3A_451], %max3A_461 : memref<41024xf32, #tpu.memory_space<vmem>>[vector<16xi32>], vector<16xf32>,
        %add3A_462 = arith.addi %gather3A_406, %add3A_22 : vector<16xi32>
        %mul3A_463 = arith.mulf %gather3A_403, %select_n3A_30 : vector<16xf32>
        %mul3A_464 = arith.mulf %gather3A_405, %select_n3A_38 : vector<16xf32>
        %add3A_465 = arith.addf %mul3A_463, %mul3A_464 : vector<16xf32>
        %add3A_466 = arith.addf %add3A_465, %select_n3A_46 : vector<16xf32>
        tpu.vector_store_idx %arg30[%add3A_462], %add3A_466 masked %lt3A_8 {add = true} : memref<1952xf32, #tpu.memory_space<vmem>>[vector<16xi32>], vector<16xf32>, vector<16xi1>
        %scan3A_467 = arith.constant 0 : i32
        %scan3A_468 = arith.constant 1 : i32
        %scan3A_469 = arith.addi %scan3A_400, %scan3A_468 : i32
        %broadcast_in_dim3A_470 = vector.broadcast %scan3A_469 : i32 to vector<16xi32>
        %gather3A_471 = tpu.vector_load_idx %arg23[%broadcast_in_dim3A_470] : memref<128xf32, #tpu.memory_space<vmem>>[vector<16xi32>], vector<16xf32>,
        %gather3A_472 = tpu.vector_load_idx %arg24[%broadcast_in_dim3A_470] : memref<128xf32, #tpu.memory_space<vmem>>[vector<16xi32>], vector<16xf32>,
        %gather3A_473 = tpu.vector_load_idx %arg25[%broadcast_in_dim3A_470] : memref<128xf32, #tpu.memory_space<vmem>>[vector<16xi32>], vector<16xf32>,
        %gather3A_474 = tpu.vector_load_idx %arg26[%broadcast_in_dim3A_470] : memref<128xi32, #tpu.memory_space<vmem>>[vector<16xi32>], vector<16xi32>,
        %mul3A_475 = arith.constant 64 : i32
        %mul3A_476 = vector.broadcast %mul3A_475 : i32 to vector<16xi32>
        %mul3A_477 = arith.muli %gather3A_474, %mul3A_476 : vector<16xi32>
        %add3A_478 = arith.addi %mul3A_477, %iota3A : vector<16xi32>
        %add3A_479 = arith.constant 0 : i32
        %add3A_480 = vector.broadcast %add3A_479 : i32 to vector<16xi32>
        %add3A_481 = arith.addi %add3A_478, %add3A_480 : vector<16xi32>
        %get3A_482 = arith.index_cast %scan3A_469 : i32 to index
        %get3A_483 = arith.constant 0 : index
        %get3A_484 = tpu.vector_load %arg27[%get3A_482, %get3A_483] {strides = array<i32>} : memref<128x128xf32, #tpu.memory_space<vmem>>, vector<16xf32>,
        %get3A_485 = arith.index_cast %scan3A_469 : i32 to index
        %get3A_486 = arith.constant 64 : index
        %get3A_487 = tpu.vector_load %arg27[%get3A_485, %get3A_486] {strides = array<i32>} : memref<128x128xf32, #tpu.memory_space<vmem>>, vector<16xf32>,
        %mul3A_488 = arith.mulf %gather3A_471, %get3A_484 : vector<16xf32>
        tpu.vector_store_idx %arg28[%add3A_481], %mul3A_488 {add = true} : memref<41024xf32, #tpu.memory_space<vmem>>[vector<16xi32>], vector<16xf32>,
        %gather3A_489 = tpu.vector_load_idx %arg29[%add3A_481] : memref<41024xf32, #tpu.memory_space<vmem>>[vector<16xi32>], vector<16xf32>,
        %mul3A_490 = arith.mulf %gather3A_472, %get3A_487 : vector<16xf32>
        %max3A_491 = arith.maximumf %gather3A_489, %mul3A_490 : vector<16xf32>
        tpu.vector_store_idx %arg29[%add3A_481], %max3A_491 : memref<41024xf32, #tpu.memory_space<vmem>>[vector<16xi32>], vector<16xf32>,
        %add3A_492 = arith.constant 16 : i32
        %add3A_493 = vector.broadcast %add3A_492 : i32 to vector<16xi32>
        %add3A_494 = arith.addi %add3A_478, %add3A_493 : vector<16xi32>
        %get3A_495 = arith.index_cast %scan3A_469 : i32 to index
        %get3A_496 = arith.constant 16 : index
        %get3A_497 = tpu.vector_load %arg27[%get3A_495, %get3A_496] {strides = array<i32>} : memref<128x128xf32, #tpu.memory_space<vmem>>, vector<16xf32>,
        %get3A_498 = arith.index_cast %scan3A_469 : i32 to index
        %get3A_499 = arith.constant 80 : index
        %get3A_500 = tpu.vector_load %arg27[%get3A_498, %get3A_499] {strides = array<i32>} : memref<128x128xf32, #tpu.memory_space<vmem>>, vector<16xf32>,
        %mul3A_501 = arith.mulf %gather3A_471, %get3A_497 : vector<16xf32>
        tpu.vector_store_idx %arg28[%add3A_494], %mul3A_501 {add = true} : memref<41024xf32, #tpu.memory_space<vmem>>[vector<16xi32>], vector<16xf32>,
        %gather3A_502 = tpu.vector_load_idx %arg29[%add3A_494] : memref<41024xf32, #tpu.memory_space<vmem>>[vector<16xi32>], vector<16xf32>,
        %mul3A_503 = arith.mulf %gather3A_472, %get3A_500 : vector<16xf32>
        %max3A_504 = arith.maximumf %gather3A_502, %mul3A_503 : vector<16xf32>
        tpu.vector_store_idx %arg29[%add3A_494], %max3A_504 : memref<41024xf32, #tpu.memory_space<vmem>>[vector<16xi32>], vector<16xf32>,
        %add3A_505 = arith.constant 32 : i32
        %add3A_506 = vector.broadcast %add3A_505 : i32 to vector<16xi32>
        %add3A_507 = arith.addi %add3A_478, %add3A_506 : vector<16xi32>
        %get3A_508 = arith.index_cast %scan3A_469 : i32 to index
        %get3A_509 = arith.constant 32 : index
        %get3A_510 = tpu.vector_load %arg27[%get3A_508, %get3A_509] {strides = array<i32>} : memref<128x128xf32, #tpu.memory_space<vmem>>, vector<16xf32>,
        %get3A_511 = arith.index_cast %scan3A_469 : i32 to index
        %get3A_512 = arith.constant 96 : index
        %get3A_513 = tpu.vector_load %arg27[%get3A_511, %get3A_512] {strides = array<i32>} : memref<128x128xf32, #tpu.memory_space<vmem>>, vector<16xf32>,
        %mul3A_514 = arith.mulf %gather3A_471, %get3A_510 : vector<16xf32>
        tpu.vector_store_idx %arg28[%add3A_507], %mul3A_514 {add = true} : memref<41024xf32, #tpu.memory_space<vmem>>[vector<16xi32>], vector<16xf32>,
        %gather3A_515 = tpu.vector_load_idx %arg29[%add3A_507] : memref<41024xf32, #tpu.memory_space<vmem>>[vector<16xi32>], vector<16xf32>,
        %mul3A_516 = arith.mulf %gather3A_472, %get3A_513 : vector<16xf32>
        %max3A_517 = arith.maximumf %gather3A_515, %mul3A_516 : vector<16xf32>
        tpu.vector_store_idx %arg29[%add3A_507], %max3A_517 : memref<41024xf32, #tpu.memory_space<vmem>>[vector<16xi32>], vector<16xf32>,
        %add3A_518 = arith.constant 48 : i32
        %add3A_519 = vector.broadcast %add3A_518 : i32 to vector<16xi32>
        %add3A_520 = arith.addi %add3A_478, %add3A_519 : vector<16xi32>
        %get3A_521 = arith.index_cast %scan3A_469 : i32 to index
        %get3A_522 = arith.constant 48 : index
        %get3A_523 = tpu.vector_load %arg27[%get3A_521, %get3A_522] {strides = array<i32>} : memref<128x128xf32, #tpu.memory_space<vmem>>, vector<16xf32>,
        %get3A_524 = arith.index_cast %scan3A_469 : i32 to index
        %get3A_525 = arith.constant 112 : index
        %get3A_526 = tpu.vector_load %arg27[%get3A_524, %get3A_525] {strides = array<i32>} : memref<128x128xf32, #tpu.memory_space<vmem>>, vector<16xf32>,
        %mul3A_527 = arith.mulf %gather3A_471, %get3A_523 : vector<16xf32>
        tpu.vector_store_idx %arg28[%add3A_520], %mul3A_527 {add = true} : memref<41024xf32, #tpu.memory_space<vmem>>[vector<16xi32>], vector<16xf32>,
        %gather3A_528 = tpu.vector_load_idx %arg29[%add3A_520] : memref<41024xf32, #tpu.memory_space<vmem>>[vector<16xi32>], vector<16xf32>,
        %mul3A_529 = arith.mulf %gather3A_472, %get3A_526 : vector<16xf32>
        %max3A_530 = arith.maximumf %gather3A_528, %mul3A_529 : vector<16xf32>
        tpu.vector_store_idx %arg29[%add3A_520], %max3A_530 : memref<41024xf32, #tpu.memory_space<vmem>>[vector<16xi32>], vector<16xf32>,
        %add3A_531 = arith.addi %gather3A_474, %add3A_22 : vector<16xi32>
        %mul3A_532 = arith.mulf %gather3A_471, %select_n3A_30 : vector<16xf32>
        %mul3A_533 = arith.mulf %gather3A_473, %select_n3A_38 : vector<16xf32>
        %add3A_534 = arith.addf %mul3A_532, %mul3A_533 : vector<16xf32>
        %add3A_535 = arith.addf %add3A_534, %select_n3A_46 : vector<16xf32>
        tpu.vector_store_idx %arg30[%add3A_531], %add3A_535 masked %lt3A_8 {add = true} : memref<1952xf32, #tpu.memory_space<vmem>>[vector<16xi32>], vector<16xf32>, vector<16xi1>
        %scan3A_536 = arith.constant 0 : i32
        scf.yield %scan3A_536 : i32
      }
      %scan3A_399 = arith.constant 128 : i32
    } else {
    }
    %eq3A_86 = arith.constant 0 : i32
    %eq3A_87 = arith.cmpi eq, %arg0, %eq3A_86 : i32
    %convert_element_type3A_88 = arith.extui %eq3A_87 : i1 to i32
    %cond3A_89 = arith.constant 0 : i32
    %cond3A_90 = arith.cmpi ne, %convert_element_type3A_88, %cond3A_89 : i32
    scf.if %cond3A_90 {
      %mul3A_95 = arith.constant 64 : i32
      %mul3A_96 = arith.muli %mul3A_0, %mul3A_95 : i32
      "tpu.region"() ({
        %run_scoped3A = tpu.sem_alloc : memref<!tpu.dma_semaphore, #tpu.memory_space<semaphore_mem>>
        %dma_start3A = arith.constant 0 : i32
        %dma_start3A_99 = tpu.memref_slice %arg28[%dma_start3A] : memref<41024xf32, #tpu.memory_space<vmem>> -> memref<40960xf32, #tpu.memory_space<vmem>>
        %dma_start3A_100 = tpu.memref_slice %arg10[%mul3A_96] : memref<655360xf32, #tpu.memory_space<hbm>> -> memref<40960xf32, #tpu.memory_space<hbm>>
        %dma_start3A_101 = tpu.memref_slice %arg10[%mul3A_96] : memref<655360xf32, #tpu.memory_space<hbm>> -> memref<40960xf32, #tpu.memory_space<hbm>>
        %dma_start3A_102 = arith.constant 0 : i32
        %dma_start3A_103 = tpu.memref_slice %arg28[%dma_start3A_102] : memref<41024xf32, #tpu.memory_space<vmem>> -> memref<40960xf32, #tpu.memory_space<vmem>>
        tpu.enqueue_dma source(%dma_start3A_103 : memref<40960xf32, #tpu.memory_space<vmem>>) target(%dma_start3A_101 : memref<40960xf32, #tpu.memory_space<hbm>>) target_semaphore(%run_scoped3A : memref<!tpu.dma_semaphore, #tpu.memory_space<semaphore_mem>>)
        %dma_wait3A = arith.constant 0 : i32
        %dma_wait3A_104 = tpu.memref_slice %arg28[%dma_wait3A] : memref<41024xf32, #tpu.memory_space<vmem>> -> memref<40960xf32, #tpu.memory_space<vmem>>
        %dma_wait3A_105 = tpu.memref_slice %arg10[%mul3A_96] : memref<655360xf32, #tpu.memory_space<hbm>> -> memref<40960xf32, #tpu.memory_space<hbm>>
        %dma_wait3A_106 = tpu.memref_slice %arg10[%mul3A_96] : memref<655360xf32, #tpu.memory_space<hbm>> -> memref<40960xf32, #tpu.memory_space<hbm>>
        %dma_wait3A_107 = arith.constant 0 : i32
        %dma_wait3A_108 = tpu.memref_slice %arg28[%dma_wait3A_107] : memref<41024xf32, #tpu.memory_space<vmem>> -> memref<40960xf32, #tpu.memory_space<vmem>>
        tpu.wait_dma2 semaphore(%run_scoped3A : memref<!tpu.dma_semaphore, #tpu.memory_space<semaphore_mem>>) src(%dma_wait3A_108 : memref<40960xf32, #tpu.memory_space<vmem>>) dst(%dma_wait3A_106 : memref<40960xf32, #tpu.memory_space<hbm>>)
        tpu.yield
      }) : () -> ()
      %mul3A_97 = arith.constant 64 : i32
      %mul3A_98 = arith.muli %mul3A_0, %mul3A_97 : i32
      "tpu.region"() ({
        %run_scoped3A = tpu.sem_alloc : memref<!tpu.dma_semaphore, #tpu.memory_space<semaphore_mem>>
        %dma_start3A = arith.constant 0 : i32
        %dma_start3A_99 = tpu.memref_slice %arg29[%dma_start3A] : memref<41024xf32, #tpu.memory_space<vmem>> -> memref<40960xf32, #tpu.memory_space<vmem>>
        %dma_start3A_100 = tpu.memref_slice %arg12[%mul3A_98] : memref<655360xf32, #tpu.memory_space<hbm>> -> memref<40960xf32, #tpu.memory_space<hbm>>
        %dma_start3A_101 = tpu.memref_slice %arg12[%mul3A_98] : memref<655360xf32, #tpu.memory_space<hbm>> -> memref<40960xf32, #tpu.memory_space<hbm>>
        %dma_start3A_102 = arith.constant 0 : i32
        %dma_start3A_103 = tpu.memref_slice %arg29[%dma_start3A_102] : memref<41024xf32, #tpu.memory_space<vmem>> -> memref<40960xf32, #tpu.memory_space<vmem>>
        tpu.enqueue_dma source(%dma_start3A_103 : memref<40960xf32, #tpu.memory_space<vmem>>) target(%dma_start3A_101 : memref<40960xf32, #tpu.memory_space<hbm>>) target_semaphore(%run_scoped3A : memref<!tpu.dma_semaphore, #tpu.memory_space<semaphore_mem>>)
        %dma_wait3A = arith.constant 0 : i32
        %dma_wait3A_104 = tpu.memref_slice %arg29[%dma_wait3A] : memref<41024xf32, #tpu.memory_space<vmem>> -> memref<40960xf32, #tpu.memory_space<vmem>>
        %dma_wait3A_105 = tpu.memref_slice %arg12[%mul3A_98] : memref<655360xf32, #tpu.memory_space<hbm>> -> memref<40960xf32, #tpu.memory_space<hbm>>
        %dma_wait3A_106 = tpu.memref_slice %arg12[%mul3A_98] : memref<655360xf32, #tpu.memory_space<hbm>> -> memref<40960xf32, #tpu.memory_space<hbm>>
        %dma_wait3A_107 = arith.constant 0 : i32
        %dma_wait3A_108 = tpu.memref_slice %arg29[%dma_wait3A_107] : memref<41024xf32, #tpu.memory_space<vmem>> -> memref<40960xf32, #tpu.memory_space<vmem>>
        tpu.wait_dma2 semaphore(%run_scoped3A : memref<!tpu.dma_semaphore, #tpu.memory_space<semaphore_mem>>) src(%dma_wait3A_108 : memref<40960xf32, #tpu.memory_space<vmem>>) dst(%dma_wait3A_106 : memref<40960xf32, #tpu.memory_space<hbm>>)
        tpu.yield
      }) : () -> ()
      "tpu.region"() ({
        %run_scoped3A = tpu.sem_alloc : memref<!tpu.dma_semaphore, #tpu.memory_space<semaphore_mem>>
        %dma_start3A = arith.constant 0 : i32
        %dma_start3A_99 = tpu.memref_slice %arg30[%dma_start3A] : memref<1952xf32, #tpu.memory_space<vmem>> -> memref<640xf32, #tpu.memory_space<vmem>>
        %dma_start3A_100 = tpu.memref_slice %arg14[%mul3A_0] : memref<10240xf32, #tpu.memory_space<hbm>> -> memref<640xf32, #tpu.memory_space<hbm>>
        %dma_start3A_101 = tpu.memref_slice %arg14[%mul3A_0] : memref<10240xf32, #tpu.memory_space<hbm>> -> memref<640xf32, #tpu.memory_space<hbm>>
        %dma_start3A_102 = arith.constant 0 : i32
        %dma_start3A_103 = tpu.memref_slice %arg30[%dma_start3A_102] : memref<1952xf32, #tpu.memory_space<vmem>> -> memref<640xf32, #tpu.memory_space<vmem>>
        tpu.enqueue_dma source(%dma_start3A_103 : memref<640xf32, #tpu.memory_space<vmem>>) target(%dma_start3A_101 : memref<640xf32, #tpu.memory_space<hbm>>) target_semaphore(%run_scoped3A : memref<!tpu.dma_semaphore, #tpu.memory_space<semaphore_mem>>)
        %dma_wait3A = arith.constant 0 : i32
        %dma_wait3A_104 = tpu.memref_slice %arg30[%dma_wait3A] : memref<1952xf32, #tpu.memory_space<vmem>> -> memref<640xf32, #tpu.memory_space<vmem>>
        %dma_wait3A_105 = tpu.memref_slice %arg14[%mul3A_0] : memref<10240xf32, #tpu.memory_space<hbm>> -> memref<640xf32, #tpu.memory_space<hbm>>
        %dma_wait3A_106 = tpu.memref_slice %arg14[%mul3A_0] : memref<10240xf32, #tpu.memory_space<hbm>> -> memref<640xf32, #tpu.memory_space<hbm>>
        %dma_wait3A_107 = arith.constant 0 : i32
        %dma_wait3A_108 = tpu.memref_slice %arg30[%dma_wait3A_107] : memref<1952xf32, #tpu.memory_space<vmem>> -> memref<640xf32, #tpu.memory_space<vmem>>
        tpu.wait_dma2 semaphore(%run_scoped3A : memref<!tpu.dma_semaphore, #tpu.memory_space<semaphore_mem>>) src(%dma_wait3A_108 : memref<640xf32, #tpu.memory_space<vmem>>) dst(%dma_wait3A_106 : memref<640xf32, #tpu.memory_space<hbm>>)
        tpu.yield
      }) : () -> ()
      "tpu.region"() ({
        %run_scoped3A = tpu.sem_alloc : memref<!tpu.dma_semaphore, #tpu.memory_space<semaphore_mem>>
        %dma_start3A = arith.constant 648 : i32
        %dma_start3A_99 = tpu.memref_slice %arg30[%dma_start3A] : memref<1952xf32, #tpu.memory_space<vmem>> -> memref<640xf32, #tpu.memory_space<vmem>>
        %dma_start3A_100 = tpu.memref_slice %arg15[%mul3A_0] : memref<10240xf32, #tpu.memory_space<hbm>> -> memref<640xf32, #tpu.memory_space<hbm>>
        %dma_start3A_101 = tpu.memref_slice %arg15[%mul3A_0] : memref<10240xf32, #tpu.memory_space<hbm>> -> memref<640xf32, #tpu.memory_space<hbm>>
        %dma_start3A_102 = arith.constant 648 : i32
        %dma_start3A_103 = tpu.memref_slice %arg30[%dma_start3A_102] : memref<1952xf32, #tpu.memory_space<vmem>> -> memref<640xf32, #tpu.memory_space<vmem>>
        tpu.enqueue_dma source(%dma_start3A_103 : memref<640xf32, #tpu.memory_space<vmem>>) target(%dma_start3A_101 : memref<640xf32, #tpu.memory_space<hbm>>) target_semaphore(%run_scoped3A : memref<!tpu.dma_semaphore, #tpu.memory_space<semaphore_mem>>)
        %dma_wait3A = arith.constant 648 : i32
        %dma_wait3A_104 = tpu.memref_slice %arg30[%dma_wait3A] : memref<1952xf32, #tpu.memory_space<vmem>> -> memref<640xf32, #tpu.memory_space<vmem>>
        %dma_wait3A_105 = tpu.memref_slice %arg15[%mul3A_0] : memref<10240xf32, #tpu.memory_space<hbm>> -> memref<640xf32, #tpu.memory_space<hbm>>
        %dma_wait3A_106 = tpu.memref_slice %arg15[%mul3A_0] : memref<10240xf32, #tpu.memory_space<hbm>> -> memref<640xf32, #tpu.memory_space<hbm>>
        %dma_wait3A_107 = arith.constant 648 : i32
        %dma_wait3A_108 = tpu.memref_slice %arg30[%dma_wait3A_107] : memref<1952xf32, #tpu.memory_space<vmem>> -> memref<640xf32, #tpu.memory_space<vmem>>
        tpu.wait_dma2 semaphore(%run_scoped3A : memref<!tpu.dma_semaphore, #tpu.memory_space<semaphore_mem>>) src(%dma_wait3A_108 : memref<640xf32, #tpu.memory_space<vmem>>) dst(%dma_wait3A_106 : memref<640xf32, #tpu.memory_space<hbm>>)
        tpu.yield
      }) : () -> ()
      "tpu.region"() ({
        %run_scoped3A = tpu.sem_alloc : memref<!tpu.dma_semaphore, #tpu.memory_space<semaphore_mem>>
        %dma_start3A = arith.constant 1296 : i32
        %dma_start3A_99 = tpu.memref_slice %arg30[%dma_start3A] : memref<1952xf32, #tpu.memory_space<vmem>> -> memref<640xf32, #tpu.memory_space<vmem>>
        %dma_start3A_100 = tpu.memref_slice %arg16[%mul3A_0] : memref<10240xf32, #tpu.memory_space<hbm>> -> memref<640xf32, #tpu.memory_space<hbm>>
        %dma_start3A_101 = tpu.memref_slice %arg16[%mul3A_0] : memref<10240xf32, #tpu.memory_space<hbm>> -> memref<640xf32, #tpu.memory_space<hbm>>
        %dma_start3A_102 = arith.constant 1296 : i32
        %dma_start3A_103 = tpu.memref_slice %arg30[%dma_start3A_102] : memref<1952xf32, #tpu.memory_space<vmem>> -> memref<640xf32, #tpu.memory_space<vmem>>
        tpu.enqueue_dma source(%dma_start3A_103 : memref<640xf32, #tpu.memory_space<vmem>>) target(%dma_start3A_101 : memref<640xf32, #tpu.memory_space<hbm>>) target_semaphore(%run_scoped3A : memref<!tpu.dma_semaphore, #tpu.memory_space<semaphore_mem>>)
        %dma_wait3A = arith.constant 1296 : i32
        %dma_wait3A_104 = tpu.memref_slice %arg30[%dma_wait3A] : memref<1952xf32, #tpu.memory_space<vmem>> -> memref<640xf32, #tpu.memory_space<vmem>>
        %dma_wait3A_105 = tpu.memref_slice %arg16[%mul3A_0] : memref<10240xf32, #tpu.memory_space<hbm>> -> memref<640xf32, #tpu.memory_space<hbm>>
        %dma_wait3A_106 = tpu.memref_slice %arg16[%mul3A_0] : memref<10240xf32, #tpu.memory_space<hbm>> -> memref<640xf32, #tpu.memory_space<hbm>>
        %dma_wait3A_107 = arith.constant 1296 : i32
        %dma_wait3A_108 = tpu.memref_slice %arg30[%dma_wait3A_107] : memref<1952xf32, #tpu.memory_space<vmem>> -> memref<640xf32, #tpu.memory_space<vmem>>
        tpu.wait_dma2 semaphore(%run_scoped3A : memref<!tpu.dma_semaphore, #tpu.memory_space<semaphore_mem>>) src(%dma_wait3A_108 : memref<640xf32, #tpu.memory_space<vmem>>) dst(%dma_wait3A_106 : memref<640xf32, #tpu.memory_space<hbm>>)
        tpu.yield
      }) : () -> ()
    } else {
    }
    %ne3A = arith.constant 0 : i32
    %ne3A_91 = arith.cmpi ne, %arg0, %ne3A : i32
    %convert_element_type3A_92 = arith.extui %ne3A_91 : i1 to i32
    %cond3A_93 = arith.constant 0 : i32
    %cond3A_94 = arith.cmpi ne, %convert_element_type3A_92, %cond3A_93 : i32
    scf.if %cond3A_94 {
      %mul3A_95 = arith.constant 64 : i32
      %mul3A_96 = arith.muli %mul3A_0, %mul3A_95 : i32
      "tpu.region"() ({
        %run_scoped3A = tpu.sem_alloc : memref<!tpu.dma_semaphore, #tpu.memory_space<semaphore_mem>>
        %dma_start3A = arith.constant 0 : i32
        %dma_start3A_99 = tpu.memref_slice %arg28[%dma_start3A] : memref<41024xf32, #tpu.memory_space<vmem>> -> memref<40960xf32, #tpu.memory_space<vmem>>
        %dma_start3A_100 = tpu.memref_slice %arg11[%mul3A_96] : memref<655360xf32, #tpu.memory_space<hbm>> -> memref<40960xf32, #tpu.memory_space<hbm>>
        %dma_start3A_101 = tpu.memref_slice %arg11[%mul3A_96] : memref<655360xf32, #tpu.memory_space<hbm>> -> memref<40960xf32, #tpu.memory_space<hbm>>
        %dma_start3A_102 = arith.constant 0 : i32
        %dma_start3A_103 = tpu.memref_slice %arg28[%dma_start3A_102] : memref<41024xf32, #tpu.memory_space<vmem>> -> memref<40960xf32, #tpu.memory_space<vmem>>
        tpu.enqueue_dma source(%dma_start3A_103 : memref<40960xf32, #tpu.memory_space<vmem>>) target(%dma_start3A_101 : memref<40960xf32, #tpu.memory_space<hbm>>) target_semaphore(%run_scoped3A : memref<!tpu.dma_semaphore, #tpu.memory_space<semaphore_mem>>)
        %dma_wait3A = arith.constant 0 : i32
        %dma_wait3A_104 = tpu.memref_slice %arg28[%dma_wait3A] : memref<41024xf32, #tpu.memory_space<vmem>> -> memref<40960xf32, #tpu.memory_space<vmem>>
        %dma_wait3A_105 = tpu.memref_slice %arg11[%mul3A_96] : memref<655360xf32, #tpu.memory_space<hbm>> -> memref<40960xf32, #tpu.memory_space<hbm>>
        %dma_wait3A_106 = tpu.memref_slice %arg11[%mul3A_96] : memref<655360xf32, #tpu.memory_space<hbm>> -> memref<40960xf32, #tpu.memory_space<hbm>>
        %dma_wait3A_107 = arith.constant 0 : i32
        %dma_wait3A_108 = tpu.memref_slice %arg28[%dma_wait3A_107] : memref<41024xf32, #tpu.memory_space<vmem>> -> memref<40960xf32, #tpu.memory_space<vmem>>
        tpu.wait_dma2 semaphore(%run_scoped3A : memref<!tpu.dma_semaphore, #tpu.memory_space<semaphore_mem>>) src(%dma_wait3A_108 : memref<40960xf32, #tpu.memory_space<vmem>>) dst(%dma_wait3A_106 : memref<40960xf32, #tpu.memory_space<hbm>>)
        tpu.yield
      }) : () -> ()
      %mul3A_97 = arith.constant 64 : i32
      %mul3A_98 = arith.muli %mul3A_0, %mul3A_97 : i32
      "tpu.region"() ({
        %run_scoped3A = tpu.sem_alloc : memref<!tpu.dma_semaphore, #tpu.memory_space<semaphore_mem>>
        %dma_start3A = arith.constant 0 : i32
        %dma_start3A_99 = tpu.memref_slice %arg29[%dma_start3A] : memref<41024xf32, #tpu.memory_space<vmem>> -> memref<40960xf32, #tpu.memory_space<vmem>>
        %dma_start3A_100 = tpu.memref_slice %arg13[%mul3A_98] : memref<655360xf32, #tpu.memory_space<hbm>> -> memref<40960xf32, #tpu.memory_space<hbm>>
        %dma_start3A_101 = tpu.memref_slice %arg13[%mul3A_98] : memref<655360xf32, #tpu.memory_space<hbm>> -> memref<40960xf32, #tpu.memory_space<hbm>>
        %dma_start3A_102 = arith.constant 0 : i32
        %dma_start3A_103 = tpu.memref_slice %arg29[%dma_start3A_102] : memref<41024xf32, #tpu.memory_space<vmem>> -> memref<40960xf32, #tpu.memory_space<vmem>>
        tpu.enqueue_dma source(%dma_start3A_103 : memref<40960xf32, #tpu.memory_space<vmem>>) target(%dma_start3A_101 : memref<40960xf32, #tpu.memory_space<hbm>>) target_semaphore(%run_scoped3A : memref<!tpu.dma_semaphore, #tpu.memory_space<semaphore_mem>>)
        %dma_wait3A = arith.constant 0 : i32
        %dma_wait3A_104 = tpu.memref_slice %arg29[%dma_wait3A] : memref<41024xf32, #tpu.memory_space<vmem>> -> memref<40960xf32, #tpu.memory_space<vmem>>
        %dma_wait3A_105 = tpu.memref_slice %arg13[%mul3A_98] : memref<655360xf32, #tpu.memory_space<hbm>> -> memref<40960xf32, #tpu.memory_space<hbm>>
        %dma_wait3A_106 = tpu.memref_slice %arg13[%mul3A_98] : memref<655360xf32, #tpu.memory_space<hbm>> -> memref<40960xf32, #tpu.memory_space<hbm>>
        %dma_wait3A_107 = arith.constant 0 : i32
        %dma_wait3A_108 = tpu.memref_slice %arg29[%dma_wait3A_107] : memref<41024xf32, #tpu.memory_space<vmem>> -> memref<40960xf32, #tpu.memory_space<vmem>>
        tpu.wait_dma2 semaphore(%run_scoped3A : memref<!tpu.dma_semaphore, #tpu.memory_space<semaphore_mem>>) src(%dma_wait3A_108 : memref<40960xf32, #tpu.memory_space<vmem>>) dst(%dma_wait3A_106 : memref<40960xf32, #tpu.memory_space<hbm>>)
        tpu.yield
      }) : () -> ()
    } else {
    }
    return
  }
}

module attributes {stable_mosaic.version = 14 : i64} {
  func.func @_pre_body(%arg0: i32, %arg1: memref<2048x128xf32, #tpu.memory_space<vmem>>, %arg2: memref<2048x128xf32, #tpu.memory_space<vmem>>, %arg3: memref<128x128xf32, #tpu.memory_space<vmem>>, %arg4: memref<128x1xf32, #tpu.memory_space<vmem>>, %arg5: memref<128x1xf32, #tpu.memory_space<vmem>>, %arg6: memref<128x128xf32, #tpu.memory_space<vmem>>, %arg7: memref<128x1xf32, #tpu.memory_space<vmem>>, %arg8: memref<128x1xf32, #tpu.memory_space<vmem>>, %arg9: memref<2048x128xf32, #tpu.memory_space<vmem>>, %arg10: memref<2048x128xf32, #tpu.memory_space<vmem>>, %arg11: memref<2048x4xf32, #tpu.memory_space<vmem>>) attributes {dimension_semantics = [#tpu.dimension_semantics<arbitrary>], iteration_bounds = array<i64: 5>, scalar_prefetch = 0 : i64, scratch_operands = 0 : i64, tpu.core_type = #tpu.core_type<tc>, window_params = [{transform_indices = @transform_0, window_bounds = array<i64: 2048, 128>}, {transform_indices = @transform_1, window_bounds = array<i64: 2048, 128>}, {pipeline_mode = #tpu.pipeline_mode<synchronous>, transform_indices = @transform_2, window_bounds = array<i64: 128, 128>}, {pipeline_mode = #tpu.pipeline_mode<synchronous>, transform_indices = @transform_3, window_bounds = array<i64: 128, 1>}, {pipeline_mode = #tpu.pipeline_mode<synchronous>, transform_indices = @transform_4, window_bounds = array<i64: 128, 1>}, {pipeline_mode = #tpu.pipeline_mode<synchronous>, transform_indices = @transform_5, window_bounds = array<i64: 128, 128>}, {pipeline_mode = #tpu.pipeline_mode<synchronous>, transform_indices = @transform_6, window_bounds = array<i64: 128, 1>}, {pipeline_mode = #tpu.pipeline_mode<synchronous>, transform_indices = @transform_7, window_bounds = array<i64: 128, 1>}, {transform_indices = @transform_8, window_bounds = array<i64: 2048, 128>}, {transform_indices = @transform_9, window_bounds = array<i64: 2048, 128>}, {transform_indices = @transform_10, window_bounds = array<i64: 2048, 4>}]} {
    %get3A = arith.constant 0 : index
    %get3A_0 = arith.constant 0 : index
    %get3A_1 = vector.load %arg1[%get3A, %get3A_0] : memref<2048x128xf32, #tpu.memory_space<vmem>>, vector<2048x128xf32>
    %get3A_2 = arith.constant 0 : index
    %get3A_3 = arith.constant 0 : index
    %get3A_4 = vector.load %arg6[%get3A_2, %get3A_3] : memref<128x128xf32, #tpu.memory_space<vmem>>, vector<128x128xf32>
    %dot_general3A = arith.constant dense<0.000000e+00> : vector<2048x128xf32>
    %dot_general3A_5 = tpu.matmul %get3A_1, %get3A_4, %dot_general3A {dimension_numbers = #tpu.dot_dimension_numbers<[1], [0], [0], [1], [0, 0, 1, 1], [], []>, transpose_lhs_hint = false} : vector<2048x128xf32>, vector<128x128xf32>, vector<2048x128xf32> -> vector<2048x128xf32>
    %get3A_6 = arith.constant 0 : index
    %get3A_7 = arith.constant 0 : index
    %get3A_8 = vector.load %arg2[%get3A_6, %get3A_7] : memref<2048x128xf32, #tpu.memory_space<vmem>>, vector<2048x128xf32>
    %slice3A = vector.extract_strided_slice %get3A_8 {offsets = [0, 0], sizes = [2048, 64], strides = [1, 1]} : vector<2048x128xf32> to vector<2048x64xf32>
    %slice3A_9 = vector.extract_strided_slice %dot_general3A_5 {offsets = [0, 0], sizes = [2048, 64], strides = [1, 1]} : vector<2048x128xf32> to vector<2048x64xf32>
    %concatenate3A = tpu.concatenate %slice3A, %slice3A_9 in 1 : vector<2048x64xf32>, vector<2048x64xf32> -> vector<2048x128xf32>
    %swap3A = arith.constant 0 : index
    %swap3A_10 = arith.constant 0 : index
    %swap3A_11 = vector.load %arg9[%swap3A, %swap3A_10] : memref<2048x128xf32, #tpu.memory_space<vmem>>, vector<2048x128xf32>
    tpu.vector_store %arg9[%swap3A, %swap3A_10], %concatenate3A {strides = array<i32>} : memref<2048x128xf32, #tpu.memory_space<vmem>>, vector<2048x128xf32>,
    %slice3A_12 = vector.extract_strided_slice %get3A_8 {offsets = [0, 64], sizes = [2048, 64], strides = [1, 1]} : vector<2048x128xf32> to vector<2048x64xf32>
    %slice3A_13 = vector.extract_strided_slice %dot_general3A_5 {offsets = [0, 64], sizes = [2048, 64], strides = [1, 1]} : vector<2048x128xf32> to vector<2048x64xf32>
    %concatenate3A_14 = tpu.concatenate %slice3A_12, %slice3A_13 in 1 : vector<2048x64xf32>, vector<2048x64xf32> -> vector<2048x128xf32>
    %swap3A_15 = arith.constant 0 : index
    %swap3A_16 = arith.constant 0 : index
    %swap3A_17 = vector.load %arg10[%swap3A_15, %swap3A_16] : memref<2048x128xf32, #tpu.memory_space<vmem>>, vector<2048x128xf32>
    tpu.vector_store %arg10[%swap3A_15, %swap3A_16], %concatenate3A_14 {strides = array<i32>} : memref<2048x128xf32, #tpu.memory_space<vmem>>, vector<2048x128xf32>,
    %get3A_18 = arith.constant 0 : index
    %get3A_19 = arith.constant 0 : index
    %get3A_20 = vector.load %arg3[%get3A_18, %get3A_19] : memref<128x128xf32, #tpu.memory_space<vmem>>, vector<128x128xf32>
    %get3A_21 = arith.constant 0 : index
    %get3A_22 = arith.constant 0 : index
    %get3A_23 = vector.load %arg4[%get3A_21, %get3A_22] : memref<128x1xf32, #tpu.memory_space<vmem>>, vector<128x1xf32>
    %dot_general3A_24 = arith.constant dense<0.000000e+00> : vector<128x1xf32>
    %dot_general3A_25 = tpu.matmul %get3A_20, %get3A_23, %dot_general3A_24 {dimension_numbers = #tpu.dot_dimension_numbers<[1], [0], [0], [1], [0, 0, 1, 1], [], []>, transpose_lhs_hint = false} : vector<128x128xf32>, vector<128x1xf32>, vector<128x1xf32> -> vector<128x1xf32>
    %get3A_26 = arith.constant 0 : index
    %get3A_27 = arith.constant 0 : index
    %get3A_28 = vector.load %arg3[%get3A_26, %get3A_27] : memref<128x128xf32, #tpu.memory_space<vmem>>, vector<128x128xf32>
    %get3A_29 = arith.constant 0 : index
    %get3A_30 = arith.constant 0 : index
    %get3A_31 = vector.load %arg5[%get3A_29, %get3A_30] : memref<128x1xf32, #tpu.memory_space<vmem>>, vector<128x1xf32>
    %dot_general3A_32 = arith.constant dense<0.000000e+00> : vector<128x1xf32>
    %dot_general3A_33 = tpu.matmul %get3A_28, %get3A_31, %dot_general3A_32 {dimension_numbers = #tpu.dot_dimension_numbers<[1], [0], [0], [1], [0, 0, 1, 1], [], []>, transpose_lhs_hint = false} : vector<128x128xf32>, vector<128x1xf32>, vector<128x1xf32> -> vector<128x1xf32>
    %get3A_34 = arith.constant 0 : index
    %get3A_35 = arith.constant 0 : index
    %get3A_36 = vector.load %arg7[%get3A_34, %get3A_35] : memref<128x1xf32, #tpu.memory_space<vmem>>, vector<128x1xf32>
    %get3A_37 = arith.constant 0 : index
    %get3A_38 = arith.constant 0 : index
    %get3A_39 = vector.load %arg8[%get3A_37, %get3A_38] : memref<128x1xf32, #tpu.memory_space<vmem>>, vector<128x1xf32>
    %concatenate3A_40 = tpu.concatenate %dot_general3A_25, %dot_general3A_33, %get3A_36, %get3A_39 in 1 : vector<128x1xf32>, vector<128x1xf32>, vector<128x1xf32>, vector<128x1xf32> -> vector<128x4xf32>
    %dot_general3A_41 = arith.constant dense<0.000000e+00> : vector<2048x4xf32>
    %dot_general3A_42 = tpu.matmul %get3A_1, %concatenate3A_40, %dot_general3A_41 {dimension_numbers = #tpu.dot_dimension_numbers<[1], [0], [0], [1], [0, 0, 1, 1], [], []>, transpose_lhs_hint = false} : vector<2048x128xf32>, vector<128x4xf32>, vector<2048x4xf32> -> vector<2048x4xf32>
    %swap3A_43 = arith.constant 0 : index
    %swap3A_44 = arith.constant 0 : index
    %swap3A_45 = vector.load %arg11[%swap3A_43, %swap3A_44] : memref<2048x4xf32, #tpu.memory_space<vmem>>, vector<2048x4xf32>
    tpu.vector_store %arg11[%swap3A_43, %swap3A_44], %dot_general3A_42 {strides = array<i32>} : memref<2048x4xf32, #tpu.memory_space<vmem>>, vector<2048x4xf32>,
    return
  }
  func.func @transform_0(%arg0: i32) -> (i32, i32) {
    %c0_i32 = arith.constant 0 : i32
    %c0_i32_0 = arith.constant 0 : i32
    return %arg0, %c0_i32 : i32, i32
  }
  func.func @transform_1(%arg0: i32) -> (i32, i32) {
    %c0_i32 = arith.constant 0 : i32
    %c0_i32_0 = arith.constant 0 : i32
    return %arg0, %c0_i32 : i32, i32
  }
  func.func @transform_2(%arg0: i32) -> (i32, i32) {
    %c0_i32 = arith.constant 0 : i32
    %c0_i32_0 = arith.constant 0 : i32
    %c0_i32_1 = arith.constant 0 : i32
    return %c0_i32, %c0_i32_0 : i32, i32
  }
  func.func @transform_3(%arg0: i32) -> (i32, i32) {
    %c0_i32 = arith.constant 0 : i32
    %c0_i32_0 = arith.constant 0 : i32
    %c0_i32_1 = arith.constant 0 : i32
    return %c0_i32, %c0_i32_0 : i32, i32
  }
  func.func @transform_4(%arg0: i32) -> (i32, i32) {
    %c0_i32 = arith.constant 0 : i32
    %c0_i32_0 = arith.constant 0 : i32
    %c0_i32_1 = arith.constant 0 : i32
    return %c0_i32, %c0_i32_0 : i32, i32
  }
  func.func @transform_5(%arg0: i32) -> (i32, i32) {
    %c0_i32 = arith.constant 0 : i32
    %c0_i32_0 = arith.constant 0 : i32
    %c0_i32_1 = arith.constant 0 : i32
    return %c0_i32, %c0_i32_0 : i32, i32
  }
  func.func @transform_6(%arg0: i32) -> (i32, i32) {
    %c0_i32 = arith.constant 0 : i32
    %c0_i32_0 = arith.constant 0 : i32
    %c0_i32_1 = arith.constant 0 : i32
    return %c0_i32, %c0_i32_0 : i32, i32
  }
  func.func @transform_7(%arg0: i32) -> (i32, i32) {
    %c0_i32 = arith.constant 0 : i32
    %c0_i32_0 = arith.constant 0 : i32
    %c0_i32_1 = arith.constant 0 : i32
    return %c0_i32, %c0_i32_0 : i32, i32
  }
  func.func @transform_8(%arg0: i32) -> (i32, i32) {
    %c0_i32 = arith.constant 0 : i32
    %c0_i32_0 = arith.constant 0 : i32
    return %arg0, %c0_i32 : i32, i32
  }
  func.func @transform_9(%arg0: i32) -> (i32, i32) {
    %c0_i32 = arith.constant 0 : i32
    %c0_i32_0 = arith.constant 0 : i32
    return %arg0, %c0_i32 : i32, i32
  }
  func.func @transform_10(%arg0: i32) -> (i32, i32) {
    %c0_i32 = arith.constant 0 : i32
    %c0_i32_0 = arith.constant 0 : i32
    return %arg0, %c0_i32 : i32, i32
  }
}

module attributes {stable_mosaic.version = 14 : i64} {
  func.func @_comb_body(%arg0: i32, %arg1: memref<2000x128xf32, #tpu.memory_space<vmem>>, %arg2: memref<2000x64xf32, #tpu.memory_space<vmem>>, %arg3: memref<2000x64xf32, #tpu.memory_space<vmem>>, %arg4: memref<2000x64xf32, #tpu.memory_space<vmem>>, %arg5: memref<2000x64xf32, #tpu.memory_space<vmem>>, %arg6: memref<2000x1xf32, #tpu.memory_space<vmem>>, %arg7: memref<2000x1xf32, #tpu.memory_space<vmem>>, %arg8: memref<2000x1xf32, #tpu.memory_space<vmem>>, %arg9: memref<2000x1xf32, #tpu.memory_space<vmem>>, %arg10: memref<128x1xf32, #tpu.memory_space<vmem>>, %arg11: memref<2000x128xf32, #tpu.memory_space<vmem>>) attributes {dimension_semantics = [#tpu.dimension_semantics<arbitrary>], iteration_bounds = array<i64: 5>, scalar_prefetch = 0 : i64, scratch_operands = 0 : i64, tpu.core_type = #tpu.core_type<tc>, window_params = [{transform_indices = @transform_0, window_bounds = array<i64: 2000, 128>}, {transform_indices = @transform_1, window_bounds = array<i64: 2000, 64>}, {transform_indices = @transform_2, window_bounds = array<i64: 2000, 64>}, {transform_indices = @transform_3, window_bounds = array<i64: 2000, 64>}, {transform_indices = @transform_4, window_bounds = array<i64: 2000, 64>}, {transform_indices = @transform_5, window_bounds = array<i64: 2000, 1>}, {transform_indices = @transform_6, window_bounds = array<i64: 2000, 1>}, {transform_indices = @transform_7, window_bounds = array<i64: 2000, 1>}, {transform_indices = @transform_8, window_bounds = array<i64: 2000, 1>}, {pipeline_mode = #tpu.pipeline_mode<synchronous>, transform_indices = @transform_9, window_bounds = array<i64: 128, 1>}, {transform_indices = @transform_10, window_bounds = array<i64: 2000, 128>}]} {
    %get3A = arith.constant 0 : index
    %get3A_0 = arith.constant 0 : index
    %get3A_1 = vector.load %arg2[%get3A, %get3A_0] : memref<2000x64xf32, #tpu.memory_space<vmem>>, vector<2000x64xf32>
    %get3A_2 = arith.constant 0 : index
    %get3A_3 = arith.constant 0 : index
    %get3A_4 = vector.load %arg3[%get3A_2, %get3A_3] : memref<2000x64xf32, #tpu.memory_space<vmem>>, vector<2000x64xf32>
    %concatenate3A = tpu.concatenate %get3A_1, %get3A_4 in 1 : vector<2000x64xf32>, vector<2000x64xf32> -> vector<2000x128xf32>
    %get3A_5 = arith.constant 0 : index
    %get3A_6 = arith.constant 0 : index
    %get3A_7 = vector.load %arg4[%get3A_5, %get3A_6] : memref<2000x64xf32, #tpu.memory_space<vmem>>, vector<2000x64xf32>
    %get3A_8 = arith.constant 0 : index
    %get3A_9 = arith.constant 0 : index
    %get3A_10 = vector.load %arg5[%get3A_8, %get3A_9] : memref<2000x64xf32, #tpu.memory_space<vmem>>, vector<2000x64xf32>
    %concatenate3A_11 = tpu.concatenate %get3A_7, %get3A_10 in 1 : vector<2000x64xf32>, vector<2000x64xf32> -> vector<2000x128xf32>
    %gt3A = arith.constant -9.99999968E+37 : f32
    %gt3A_12 = vector.broadcast %gt3A : f32 to vector<2000x128xf32>
    %gt3A_13 = arith.cmpf ogt, %concatenate3A_11, %gt3A_12 : vector<2000x128xf32>
    %jit3A = arith.constant 0.000000e+00 : f32
    %broadcast_in_dim3A = vector.broadcast %jit3A : f32 to vector<2000x128xf32>
    %select_n3A = arith.select %gt3A_13, %concatenate3A_11, %broadcast_in_dim3A : vector<2000x128xi1>, vector<2000x128xf32>
    %get3A_14 = arith.constant 0 : index
    %get3A_15 = arith.constant 0 : index
    %get3A_16 = vector.load %arg6[%get3A_14, %get3A_15] : memref<2000x1xf32, #tpu.memory_space<vmem>>, vector<2000x1xf32>
    %get3A_17 = arith.constant 0 : index
    %get3A_18 = arith.constant 0 : index
    %get3A_19 = vector.load %arg7[%get3A_17, %get3A_18] : memref<2000x1xf32, #tpu.memory_space<vmem>>, vector<2000x1xf32>
    %get3A_20 = arith.constant 0 : index
    %get3A_21 = arith.constant 0 : index
    %get3A_22 = vector.load %arg8[%get3A_20, %get3A_21] : memref<2000x1xf32, #tpu.memory_space<vmem>>, vector<2000x1xf32>
    %get3A_23 = arith.constant 0 : index
    %get3A_24 = arith.constant 0 : index
    %get3A_25 = vector.load %arg9[%get3A_23, %get3A_24] : memref<2000x1xf32, #tpu.memory_space<vmem>>, vector<2000x1xf32>
    %max3A = arith.constant 1.000000e-16 : f32
    %max3A_26 = vector.broadcast %max3A : f32 to vector<2000x1xf32>
    %max3A_27 = arith.maximumf %get3A_16, %max3A_26 : vector<2000x1xf32>
    %div3A = vector.broadcast %max3A_27 : vector<2000x1xf32> to vector<2000x128xf32>
    %div3A_28 = arith.divf %concatenate3A, %div3A : vector<2000x128xf32>
    %get3A_29 = arith.constant 0 : index
    %get3A_30 = arith.constant 0 : index
    %get3A_31 = vector.load %arg10[%get3A_29, %get3A_30] : memref<128x1xf32, #tpu.memory_space<vmem>>, vector<128x1xf32>
    %dot_general3A = arith.constant dense<0.000000e+00> : vector<2000x1xf32>
    %dot_general3A_32 = tpu.matmul %select_n3A, %get3A_31, %dot_general3A {dimension_numbers = #tpu.dot_dimension_numbers<[1], [0], [0], [1], [0, 0, 1, 1], [], []>, transpose_lhs_hint = false} : vector<2000x128xf32>, vector<128x1xf32>, vector<2000x1xf32> -> vector<2000x1xf32>
    %add3A = arith.addf %get3A_25, %dot_general3A_32 : vector<2000x1xf32>
    %max3A_33 = arith.constant 1.000000e+00 : f32
    %max3A_34 = vector.broadcast %max3A_33 : f32 to vector<2000x1xf32>
    %max3A_35 = arith.maximumf %get3A_22, %max3A_34 : vector<2000x1xf32>
    %div3A_36 = arith.divf %get3A_19, %max3A_35 : vector<2000x1xf32>
    %add3A_37 = arith.addf %add3A, %div3A_36 : vector<2000x1xf32>
    %logistic3A = arith.negf %add3A_37 : vector<2000x1xf32>
    %logistic3A_38 = math.exp %logistic3A : vector<2000x1xf32>
    %logistic3A_39 = arith.constant 1.000000e+00 : f32
    %logistic3A_40 = vector.broadcast %logistic3A_39 : f32 to vector<2000x1xf32>
    %logistic3A_41 = arith.addf %logistic3A_40, %logistic3A_38 : vector<2000x1xf32>
    %logistic3A_42 = arith.divf %logistic3A_40, %logistic3A_41 : vector<2000x1xf32>
    %get3A_43 = arith.constant 0 : index
    %get3A_44 = arith.constant 0 : index
    %get3A_45 = vector.load %arg1[%get3A_43, %get3A_44] : memref<2000x128xf32, #tpu.memory_space<vmem>>, vector<2000x128xf32>
    %mul3A = vector.broadcast %logistic3A_42 : vector<2000x1xf32> to vector<2000x128xf32>
    %mul3A_46 = arith.mulf %mul3A, %div3A_28 : vector<2000x128xf32>
    %add3A_47 = arith.addf %get3A_45, %mul3A_46 : vector<2000x128xf32>
    %swap3A = arith.constant 0 : index
    %swap3A_48 = arith.constant 0 : index
    %swap3A_49 = vector.load %arg11[%swap3A, %swap3A_48] : memref<2000x128xf32, #tpu.memory_space<vmem>>, vector<2000x128xf32>
    tpu.vector_store %arg11[%swap3A, %swap3A_48], %add3A_47 {strides = array<i32>} : memref<2000x128xf32, #tpu.memory_space<vmem>>, vector<2000x128xf32>,
    return
  }
  func.func @transform_0(%arg0: i32) -> (i32, i32) {
    %c0_i32 = arith.constant 0 : i32
    %c0_i32_0 = arith.constant 0 : i32
    return %arg0, %c0_i32 : i32, i32
  }
  func.func @transform_1(%arg0: i32) -> (i32, i32) {
    %c0_i32 = arith.constant 0 : i32
    %c0_i32_0 = arith.constant 0 : i32
    return %arg0, %c0_i32 : i32, i32
  }
  func.func @transform_2(%arg0: i32) -> (i32, i32) {
    %c0_i32 = arith.constant 0 : i32
    %c0_i32_0 = arith.constant 0 : i32
    return %arg0, %c0_i32 : i32, i32
  }
  func.func @transform_3(%arg0: i32) -> (i32, i32) {
    %c0_i32 = arith.constant 0 : i32
    %c0_i32_0 = arith.constant 0 : i32
    return %arg0, %c0_i32 : i32, i32
  }
  func.func @transform_4(%arg0: i32) -> (i32, i32) {
    %c0_i32 = arith.constant 0 : i32
    %c0_i32_0 = arith.constant 0 : i32
    return %arg0, %c0_i32 : i32, i32
  }
  func.func @transform_5(%arg0: i32) -> (i32, i32) {
    %c0_i32 = arith.constant 0 : i32
    %c0_i32_0 = arith.constant 0 : i32
    return %arg0, %c0_i32 : i32, i32
  }
  func.func @transform_6(%arg0: i32) -> (i32, i32) {
    %c0_i32 = arith.constant 0 : i32
    %c0_i32_0 = arith.constant 0 : i32
    return %arg0, %c0_i32 : i32, i32
  }
  func.func @transform_7(%arg0: i32) -> (i32, i32) {
    %c0_i32 = arith.constant 0 : i32
    %c0_i32_0 = arith.constant 0 : i32
    return %arg0, %c0_i32 : i32, i32
  }
  func.func @transform_8(%arg0: i32) -> (i32, i32) {
    %c0_i32 = arith.constant 0 : i32
    %c0_i32_0 = arith.constant 0 : i32
    return %arg0, %c0_i32 : i32, i32
  }
  func.func @transform_9(%arg0: i32) -> (i32, i32) {
    %c0_i32 = arith.constant 0 : i32
    %c0_i32_0 = arith.constant 0 : i32
    %c0_i32_1 = arith.constant 0 : i32
    return %c0_i32, %c0_i32_0 : i32, i32
  }
  func.func @transform_10(%arg0: i32) -> (i32, i32) {
    %c0_i32 = arith.constant 0 : i32
    %c0_i32_0 = arith.constant 0 : i32
    return %arg0, %c0_i32 : i32, i32
  }
}

</mosaic_0001>

<sc_bundles>
// kernel: kernel.5.cloned.1.call-start
scs
__scs_entry_jumppad:
0x0: {  	(pc) =	sbr.rel $0x88, $3  }
0x1: {  	(tag) =	ssettag $0x0;
	lr =	simm.s32 $0x1  }
0x2: {  	[smem:$0x3F96] =	sst lr;
	_ =	strace $0xD0000000  }
0x3: {  	_ = 	snop  }
0x4: {  	_ = 	snop  }
0x5: {  	_ = 	snop  }
0x6: {  	_ = 	snop  }
0x7: {  	_ = 	snop  }
__scs_overlays_trampoline_lowered:
0x8: {  	[smem:$0x3FA5] =	sst s0  }
0x9: {  	[smem:$0x3FA6] =	sst s1  }
0xa: {  	[smem:$0x3FA7] =	sst s2  }
0xb: {  	[smem:$0x3FA8] =	sst s3  }
0xc: {  	[smem:$0x3FA9] =	sst s4  }
0xd: {  	[smem:$0x3FAA] =	sst s5  }
0xe: {  	[smem:$0x3FAB] =	sst s6  }
0xf: {  	[smem:$0x3FAC] =	sst s7  }
0x10: {  	[smem:$0x3FAD] =	sst s8  }
0x11: {  	[smem:$0x3FAE] =	sst s9;
	s0 =	simm.s32 @!p0 $0x0  }
0x12: {  	s1 =	sld [smem:$0x3F94];
	s0 =	simm.s32 @p0 $0x1  }
0x13: {  	[smem:$0x3FAF] =	sst s0;
	s0 =	simm.s32 @!p1 $0x0  }
0x14: {  	s2 =	sld [smem:$0x3F93];
	s0 =	simm.s32 @p1 $0x1  }
0x15: {  	[smem:$0x3FB0] =	sst s0;
	s0 =	simm.s32 @!p2 $0x0  }
0x16: {  	s3 =	sld [smem:$0x3FDB];
	s0 =	simm.s32 @p2 $0x1  }
0x17: {  	s4 =	simm.s32 $0x1BF5;
	[smem:$0x3FB2] =	sst s0  }
0x18: {  	s0 =	sld [smem:$0x3F95];
	_ =	swait.ge [sflag:s4], $0x0  }
0x19: {  	s7 =	sld [smem:$0x3F96]  }
0x1a: {  	s8 =	sadd.s32 $0xFFFFE003, lr  }
0x1b: {  	s9 =	sadd.s32 $0xFFFFFEF7, lr;
	s5 =	simm.s32 $0xFFFFFFFF;
	p2 =	slt.u32 s8, $0xFFFFF086  }
0x1c: {  	p1 =	slt.u32 s9, $0xF7A;
	s5 =	simm.s32 @!p2 $0x0  }
0x1d: {  	s5 =	simm.s32 @p1 $0x1;
	p0 =	seq.s32 s7, s2  }
0x1e: {  	s7 =	smul.u32 @!p0 $0xF7A, s2;
	p2 =	seq.s32 @!p0 s5, $0x0  }
0x1f: {  	s9 =	smul.u32 $0xF7A, s1;
	s8 =	simm.s32 @!p0 $0x1BF5;
	p2 =	por !p2, p0  }
0x20: {  	[sflag:s8] =	ssyncset.s32 @!p0 $0xFFFFF086;
	s6 =	sadd.s32 @!p0 s3, s7;
	s7 =	simm.s32 @!p0 $0x108  }
0x21: {  	s3 =	sadd.s32 s3, s9;
	s6 =	sadd.s32 @!p0 $0x88, s6;
	s7 =	simm.s32 @p2 $0x1082  }
0x22: {  	[simem:s7], [sflag:s8] =	dma.local @!p0 [hbm:s6], $0xF7A  }
0x23: {  	s9 =	sor.u32 $0xD0000000, s2;
	s6 =	simm.s32 $0x108;
	_ =	swait.ge @!p0 [sflag:s8], $0x0  }
0x24: {  	s3 =	sadd.s32 $0x88, s3;
	s6 =	simm.s32 @!p1 $0x1082;
	[sflag:s4] =	ssyncset.s32 $0xFFFFF086  }
0x25: {  	[simem:s6], [sflag:s4] =	dma.local [hbm:s3], $0xF7A  }
0x26: {  	[smem:$0x3F96] =	sst s1;
	(tag) =	ssettag s2;
	_ =	strace s9  }
0x27: {  	s1 =	sld [smem:$0x3FA6]  }
0x28: {  	s2 =	sld [smem:$0x3FA7]  }
0x29: {  	s4 =	sld [smem:$0x3FA9]  }
0x2a: {  	p0 =	seq.s32 s5, $0x0;
	s5 =	sld [smem:$0x3FAA]  }
0x2b: {  	s6 =	sld [smem:$0x3FAB]  }
0x2c: {  	s7 =	sld [smem:$0x3FAC]  }
0x2d: {  	s3 =	simm.s32 $0x108;
	s8 =	sld [smem:$0x3FAD]  }
0x2e: {  	s3 =	simm.s32 @!p0 $0x1082;
	s9 =	sld [smem:$0x3FAE]  }
0x2f: {  	lr =	sadd.s32 s0, s3;
	s0 =	sld [smem:$0x3FA5]  }
0x30: {  	s3 =	sld [smem:$0x3FA8]  }
0x31: {  	[smem:$0x3FB1] =	sst s10  }
0x32: {  	s10 =	sld [smem:$0x3FAF];
	_ =	sdelay $0x3  }
0x33: {  	p0 =	seq.s32 s10, $0x1;
	s10 =	sld [smem:$0x3FB1];
	_ =	sdelay $0x3  }
0x34: {  	[smem:$0x3FB1] =	sst s10  }
0x35: {  	s10 =	sld [smem:$0x3FB0];
	_ =	sdelay $0x3  }
0x36: {  	p1 =	seq.s32 s10, $0x1;
	s10 =	sld [smem:$0x3FB1];
	_ =	sdelay $0x3  }
0x37: {  	[smem:$0x3FB1] =	sst s10  }
0x38: {  	s10 =	sld [smem:$0x3FB2]  }
0x39: {  	_ = 	snop;
	(pc) =	sbr.ind lr, $3  }
0x3a: {  	_ = 	snop  }
0x3b: {  	_ = 	snop  }
0x3c: {  	p2 =	seq.s32 s10, $0x1;
	s10 =	sld [smem:$0x3FB1]  }
0x3d: {  	_ =	shalt  }
0x3e: {  	_ =	shalt  }
0x3f: {  	_ =	shalt  }
0x40: {  	_ =	shalt  }
0x41: {  	_ =	shalt  }
0x42: {  	_ =	shalt  }
0x43: {  	_ =	shalt  }
0x44: {  	_ =	shalt  }
0x45: {  	_ =	shalt  }
0x46: {  	_ =	shalt  }
0x47: {  	_ =	shalt  }
0x48: {  	_ =	shalt  }
0x49: {  	_ =	shalt  }
0x4a: {  	_ =	shalt  }
0x4b: {  	_ =	shalt  }
0x4c: {  	_ =	shalt  }
0x4d: {  	_ =	shalt  }
0x4e: {  	_ =	shalt  }
0x4f: {  	_ =	shalt  }
0x50: {  	_ =	shalt  }
0x51: {  	_ =	shalt  }
0x52: {  	_ =	shalt  }
0x53: {  	_ =	shalt  }
0x54: {  	_ =	shalt  }
0x55: {  	_ =	shalt  }
0x56: {  	_ =	shalt  }
0x57: {  	_ =	shalt  }
0x58: {  	_ =	shalt  }
0x59: {  	_ =	shalt  }
0x5a: {  	_ =	shalt  }
0x5b: {  	_ =	shalt  }
0x5c: {  	_ =	shalt  }
0x5d: {  	_ =	shalt  }
0x5e: {  	_ =	shalt  }
0x5f: {  	_ =	shalt  }
0x60: {  	_ =	shalt  }
0x61: {  	_ =	shalt  }
0x62: {  	_ =	shalt  }
0x63: {  	_ =	shalt  }
0x64: {  	_ =	shalt  }
0x65: {  	_ =	shalt  }
0x66: {  	_ =	shalt  }
0x67: {  	_ =	shalt  }
0x68: {  	_ =	shalt  }
0x69: {  	_ =	shalt  }
0x6a: {  	_ =	shalt  }
0x6b: {  	_ =	shalt  }
0x6c: {  	_ =	shalt  }
0x6d: {  	_ =	shalt  }
0x6e: {  	_ =	shalt  }
0x6f: {  	_ =	shalt  }
0x70: {  	_ =	shalt  }
0x71: {  	_ =	shalt  }
0x72: {  	_ =	shalt  }
0x73: {  	_ =	shalt  }
0x74: {  	_ =	shalt  }
0x75: {  	_ =	shalt  }
0x76: {  	_ =	shalt  }
0x77: {  	_ =	shalt  }
0x78: {  	_ =	shalt  }
0x79: {  	_ =	shalt  }
0x7a: {  	_ =	shalt  }
0x7b: {  	_ =	shalt  }
0x7c: {  	_ =	shalt  }
0x7d: {  	_ =	shalt  }
0x7e: {  	_ =	shalt  }
0x7f: {  	_ =	shalt  }
0x80: {  	_ =	shalt  }
0x81: {  	_ =	shalt  }
0x82: {  	_ =	shalt  }
0x83: {  	_ =	shalt  }
0x84: {  	_ =	shalt  }
0x85: {  	_ =	shalt  }
0x86: {  	_ =	shalt  }
0x87: {  	_ =	shalt  }
.Lfunc_end0:
.L_simem_size_0:
called_computation_lowered:
.L_overlay_start_0:
0x88: {  	s2 =	sld [smem:$0x3FD9]  }
0x89: {  	s3 =	sld [smem:$0x3FFE];
	_ =	sdelay $0x1  }
0x8a: {  	s1 =	srdreg.scid  }
0x8b: {  	s0 =	sand.u32 $0x1, s1  }
0x8c: {  	s17 =	sshll.u32 s0, $0xA;
	s2 =	sadd.s32 s3, s2  }
0x8d: {  	s2 =	sadd.s32 s2, s17  }
0x8e: {  	[smem:$0x3FBD] =	sst s2  }
0x8f: {  	_ = 	snop  }
0x90: {  	s2 =	sld [smem:$0x3FD0];
	(tm) =	ssettm $0x1  }
0x91: {  	s18 =	sld [smem:$0x3FFB];
	_ =	sdelay $0x3  }
0x92: {  	_ =	strace s18  }
0x93: {  	s3 =	sld [smem:$0x3FFC];
	_ =	sdelay $0x3  }
0x94: {  	_ =	strace s3  }
0x95: {  	s3 =	sld [smem:$0x3FFD];
	_ =	sdelay $0x3  }
0x96: {  	_ =	strace s3  }
0x97: {  	_ =	strace $0x8FFFFFFF  }
0x98: {  	s19 =	sld [smem:$0x3FDB];
	_ =	sdelay $0x1  }
0x99: {  	s4 =	simm.s32 $_scs_section_size  }
0x9a: {  	s5 =	simm.s32 $_size__tile_overlayer_lowered;
	s6 =	simm.s32 $_tile_overlayer_lowered  }
0x9b: {  	s22 =	simm.s32 $0x1BFF;
	s21 =	sshll.u32 s6, $0x1;
	s3 =	sadd.s32 s4, s19  }
0x9c: {  	s7 =	simm.s32 $0x0;
	s20 =	sshll.u32 s5, $0x1;
	s5 =	sadd.s32 s21, s3  }
0x9d: {  	[timem:s7], [sflag:s22] =	dma.local [hbm:s5], s20  }
0x9e: {  	_ =	swait.ge [sflag:s22], s20  }
0x9f: {  	s4 =	ssub.s32 $0x0, s20;
	[sflag:s22] =	ssyncset.done $0x0  }
0xa0: {  	[sflag:s22] =	ssyncadd.s32 s4;
	_ =	sdelay $0x1  }
0xa1: {  	s23 =	simm.s32 $0x1B8B  }
0xa2: {  	_ =	swait.ge [sflag:s23], $0x1  }
0xa3: {  	[sflag:s23] =	ssyncset.done $0x0  }
0xa4: {  	s25 =	simm.s32 $0x1B8E;
	s24 =	sld [smem:$0x3FFE];
	[sflag:s23] =	ssyncadd.s32 $0xFFFFFFFF  }
0xa5: {  	s26 =	simm.s32 $execute0_lowered;
	[smem:$0x3FD2] =	sst s25  }
0xa6: {  	s5 =	sshll.u32 s26, $0x1;
	_ =	strace $0x80000046;
	[dreg:$0x1] =	wrdreg $0xFFFFFFFF  }
0xa7: {  	s28 =	simm.s32 $_size_execute0_lowered;
	s3 =	sadd.s32 s3, s5;
	[dreg:$0x0] =	wrdreg $0x0  }
0xa8: {  	s5 =	sshll.u32 s28, $0x1;
	[dreg:$0x2] =	wrdreg s3  }
0xa9: {  	[dreg:$0x3] =	wrdreg s5  }
0xaa: {  	[dreg:$0x4] =	wrdreg $0xC0  }
0xab: {  	_ =	task [dreg:s7], $0x5FFFF  }
0xac: {  	[dreg:$0x1] =	wrdreg $0xFFFFFFFF  }
0xad: {  	[dreg:$0x0] =	wrdreg $0x60  }
0xae: {  	[dreg:$0x2] =	wrdreg s24  }
0xaf: {  	[dreg:$0x3] =	wrdreg s2  }
0xb0: {  	[dreg:$0x4] =	wrdreg $0x9  }
0xb1: {  	_ =	task.clear_ibuf [dreg:s7], $0x5FFFF;
	_ =	strace $0x90000046  }
0xb2: {  	s29 =	simm.s32 $0x9;
	_ =	strace $0x80000048  }
0xb3: {  	_ =	swait.ge [sflag:s29], $0x1  }
0xb4: {  	[sflag:s29] =	ssyncadd.s32 $0xFFFFFFFF  }
0xb5: {  	_ =	strace $0x90000048  }
0xb6: {  	_ =	sfence  }
0xb7: {  	s30 =	sld [smem:$0x0];
	_ =	sdelay $0x2  }
0xb8: {  	s31 =	sshll.u32 s1, $0xD;
	s1 =	sshrl.u32 s1, $0x2  }
0xb9: {  	s3 =	sand.u32 $0x4000, s31;
	s1 =	sadd.s32 s1, s30  }
0xba: {  	s0 =	sor.u32 s3, s0;
	s1 =	sshll.u32 s1, $0x11  }
0xbb: {  	s0 =	sor.u32 s1, s0  }
0xbc: {  	s0 =	sadd.s32 $0x8F2B, s0  }
0xbd: {  	[sflag:s0] =	ssyncadd.remote.s32 $0x1  }
0xbe: {  	_ =	sfence.sel $0xFFFF  }
0xbf: {  	[dreg:$0x0] =	wrdreg $0xFFFFFFFF;
	(pc) =	sbr.abs _section_cstart, $3  }
0xc0: {  	[dreg:$0x1] =	wrdreg $0xFFFFFFFF  }
0xc1: {  	_ =	task.clear_ibuf [dreg:s7], $0x2FFFF;
	_ =	strace $0x9FFFFFFF  }
0xc2: {  	(tm) =	ssettm $0x7FFFFFFF  }
0xc3: {  	_ =	shalt  }
tec
execute0_lowered:
.L_overlay_start_1:
0x0: {  	(tag) =	ssettag $0x1  }
0x1: {  	s0 =	rddreg [dreg:$0x0]  }
0x2: {  	s2 =	rddreg [dreg:$0x1];
	s1 =	simm.s32 $0x0  }
0x3: {  	s12 =	stileid.u32;
	s3 =	srdreg.scid;
	s28 =	simm.s32 $0x1A00  }
0x4: {  	s29 =	simm.s32 $0x80;
	s30 =	simm.s32 $0x2180;
	s31 =	simm.s32 $0x2  }
0x5: {  	[smem:$0x7FF] =	sst s1;
	s10 =	sadd.s32 $0xAC00, s0;
	s11 =	sadd.s32 $0xE00, s0  }
0x6: {  	s4 =	sadd.s32 $0x8DC00, s0;
	_ =	strace $0x80000047;
	[dreg:$0x3] =	wrdreg s10  }
0x7: {  	s13 =	smul.u32 $0x280, s12;
	s3 =	sand.u32 $0x1, s3;
	[dreg:$0x4] =	wrdreg s11  }
0x8: {  	s5 =	sadd.s32 $0x65600, s0;
	s14 =	smul.u32 $0x1400, s12;
	[dreg:$0x5] =	wrdreg s4  }
0x9: {  	s15 =	sadd.s32 $0x64A00, s0;
	[dreg:$0x6] =	wrdreg s5;
	s6 =	ssub.s32 $0x2, s3  }
0xa: {  	[dreg:$0x7] =	wrdreg s15;
	p0 =	seq.s32 s3, $0x0;
	s10 =	simm.s32 $0x1A280  }
0xb: {  	s11 =	simm.s32 $0x0;
	s7 =	sshrl.u32 s13, $0x3;
	s8 =	sshrl.u32 s6, $0x1  }
0xc: {  	s9 =	sadd.s32 s14, s0;
	s16 =	sadd.s32 $0x280, s13;
	s21 =	sadd.s32 s2, s14  }
0xd: {  	s2 =	simm.s32 $0x14A00;
	s7 =	sadd.s32 s7, s0;
	s6 =	ssub.s32 s6, s8  }
0xe: {  	s19 =	sadd.s32 $0x97A00, s9;
	s20 =	sadd.s32 $0xBFA00, s9;
	[dreg:$0xb] =	wrdreg s21  }
0xf: {  	s22 =	sadd.s32 $0xABA00, s9;
	s2 =	simm.s32 @!p0 $0x3CA00;
	s21 =	simm.s32 $0x1FA80  }
0x10: {  	p0 =	sne.s32 s3, $0x0;
	s8 =	simm.s32 $0x6180;
	[dreg:$0x9] =	wrdreg s19  }
0x11: {  	s9 =	simm.s32 $0x10200;
	s18 =	sadd.s32 $0x65000, s7;
	[dreg:$0xa] =	wrdreg s20  }
0x12: {  	[dreg:$0xc] =	wrdreg s22;
	s23 =	sadd.s32 $0xD3A00, s7;
	s24 =	sadd.s32 $0xD4000, s7  }
0x13: {  	s25 =	sadd.s32 $0xD4600, s7;
	s26 =	smax.u32 s6, $0x1;
	[dreg:$0x8] =	wrdreg s18  }
.Ltmp0:
0x14: {  	v2 =	vimm.f32 $0.0e+00;
	s17 =	sadd.s32 s2, s0;
	[dreg:$0xd] =	wrdreg s23;
	(pc) =	sbr.rel .LBB2_1-.Ltmp0, $4  }
0x15: {  	v3 =	vimm.f32 $-3.000000010e+38;
	v4 =	vimm.s32 $0x0;
	v5 =	vimm.s32 $0xF;
	s20 =	simm.s32 $0x1D280;
	s0 =	simm.s32 $0x1F80;
	[dreg:$0xe] =	wrdreg s24  }
0x16: {  	v6 =	vlaneseq.u32;
	vm0 =	vcmask $0x704;
	vm1 =	vcmask $0xB08;
	s2 =	simm.s32 $0x2000;
	s6 =	simm.s32 $0x2080;
	[dreg:$0xf] =	wrdreg s25  }
0x17: {  	vm2 =	vcmask $0x300;
	v7 =	vor.u32 $0x10, v6;
	v8 =	vor.u32 $0x20, v6;
	s7 =	simm.s32 $0x2100;
	[dreg:$0x10] =	wrdreg s26;
	s18 =	simm.s32 $0x1AA80  }
0x18: {  	v9 =	vor.u32 $0x30, v6;
	v0 =	vmov s13;
	v1 =	vmov s16;
	s24 =	simm.s32 $0x1;
	s25 =	simm.s32 $0xF00;
	s26 =	simm.s32 $0x1480  }
.LBB2_28:
0x19: {  	s1 =	simm.s32 @p0 $0x0;
	s3 =	simm.s32 @p0 $0x6180;
	s4 =	rddreg [dreg:$0x9]  }
0x1a: {  	[hbm4b:s4+s1] =	stream.linear.scatter @p0 [tilespmem:s3], [sflag:$0x3], $0xA000, $0x38;
	[tilespmem:$0x1FD00] =	vst v63  }
0x1b: {  	s3 =	simm.s32 @p0 $0x3  }
0x1c: {  	_ =	swait.ge @p0 [sflag:s3], $0xA000  }
0x1d: {  	[sflag:s3] =	ssyncset.done @p0 $0x0  }
0x1e: {  	s4 =	simm.s32 @p0 $0x10200;
	s5 =	rddreg [dreg:$0xa];
	[sflag:s3] =	ssyncadd.s32 @p0 $0xFFFF6000  }
0x1f: {  	[hbm4b:s5+s1] =	stream.linear.scatter @p0 [tilespmem:s4], [sflag:$0x3], $0xA000, $0x38;
	[tilespmem:$0x1FD00] =	vst v63  }
0x20: {  	_ =	swait.ge @p0 [sflag:s3], $0xA000  }
0x21: {  	s1 =	simm.s32 @!p0 $0x0;
	[sflag:s3] =	ssyncset.done @p0 $0x0  }
0x22: {  	s4 =	rddreg [dreg:$0xb];
	[sflag:s3] =	ssyncadd.s32 @p0 $0xFFFF6000;
	s3 =	simm.s32 @!p0 $0x6180  }
0x23: {  	[hbm4b:s4+s1] =	stream.linear.scatter @!p0 [tilespmem:s3], [sflag:$0x3], $0xA000, $0x38;
	[tilespmem:$0x1FD00] =	vst v63  }
0x24: {  	s3 =	simm.s32 @!p0 $0x3  }
0x25: {  	_ =	swait.ge @!p0 [sflag:s3], $0xA000  }
0x26: {  	[sflag:s3] =	ssyncset.done @!p0 $0x0  }
0x27: {  	s4 =	simm.s32 @!p0 $0x10200;
	s5 =	rddreg [dreg:$0xc];
	[sflag:s3] =	ssyncadd.s32 @!p0 $0xFFFF6000  }
0x28: {  	[hbm4b:s5+s1] =	stream.linear.scatter @!p0 [tilespmem:s4], [sflag:$0x3], $0xA000, $0x38;
	[tilespmem:$0x1FD00] =	vst v63  }
0x29: {  	_ =	swait.ge @!p0 [sflag:s3], $0xA000  }
0x2a: {  	[sflag:s3] =	ssyncset.done @!p0 $0x0  }
0x2b: {  	s4 =	simm.s32 @!p0 $0x1A280;
	s5 =	rddreg [dreg:$0xd];
	[sflag:s3] =	ssyncadd.s32 @!p0 $0xFFFF6000  }
0x2c: {  	[hbm4b:s5+s1] =	stream.linear.scatter @!p0 [tilespmem:s4], [sflag:$0x3], $0x280, $0x38;
	[tilespmem:$0x1FD00] =	vst v63  }
0x2d: {  	_ =	swait.ge @!p0 [sflag:s3], $0x280  }
0x2e: {  	[sflag:s3] =	ssyncset.done @!p0 $0x0  }
0x2f: {  	s4 =	simm.s32 @!p0 $0x1A508;
	s5 =	rddreg [dreg:$0xe];
	[sflag:s3] =	ssyncadd.s32 @!p0 $0xFFFFFD80  }
0x30: {  	[hbm4b:s5+s1] =	stream.linear.scatter @!p0 [tilespmem:s4], [sflag:$0x3], $0x280, $0x38;
	[tilespmem:$0x1FD00] =	vst v63  }
0x31: {  	_ =	swait.ge @!p0 [sflag:s3], $0x280  }
0x32: {  	[sflag:s3] =	ssyncset.done @!p0 $0x0  }
0x33: {  	s4 =	simm.s32 @!p0 $0x1A790;
	s5 =	rddreg [dreg:$0xf];
	[sflag:s3] =	ssyncadd.s32 @!p0 $0xFFFFFD80  }
0x34: {  	[hbm4b:s5+s1] =	stream.linear.scatter @!p0 [tilespmem:s4], [sflag:$0x3], $0x280, $0x38;
	[tilespmem:$0x1FD00] =	vst v63  }
0x35: {  	_ =	swait.ge @!p0 [sflag:s3], $0x280  }
0x36: {  	s11 =	sadd.s32 $0x1, s11;
	s23 =	rddreg [dreg:$0x10]  }
0x37: {  	p1 =	sne.s32 s11, s23  }
.Ltmp1:
0x38: {  	_ = 	snop;
	(pc) =	sbr.rel @!p1 .LBB2_29-.Ltmp1, $3  }
0x39: {  	_ =	sdelay $0x1  }
0x3a: {  	[sflag:s3] =	ssyncset.done @!p0 $0x0  }
0x3b: {  	[sflag:s3] =	ssyncadd.s32 @!p0 $0xFFFFFD80  }
.LBB2_1:
0x3c: {  	[dreg:$0x11] =	wrdreg s11  }
0x3d: {  	s1 =	simm.s32 $0x0;
	s3 =	rddreg [dreg:$0x6];
	s4 =	simm.s32 $0x3  }
0x3e: {  	[tilespmem:s18], [sflag:$0x3] =	stream.linear.gather [hbm4b:s3+s1], $0x2800, $0x38;
	[tilespmem:$0x1FD00] =	vst v63  }
0x3f: {  	_ =	swait.ge [sflag:s4], $0x2800  }
0x40: {  	[sflag:s4] =	ssyncset.done $0x0  }
0x41: {  	s22 =	rddreg [dreg:$0x7];
	[sflag:s4] =	ssyncadd.s32 $0xFFFFD800  }
0x42: {  	[tilespmem:s20], [sflag:$0x3] =	stream.linear.gather [hbm4b:s22+s1], $0x2800, $0x38;
	[tilespmem:$0x1FD00] =	vst v63  }
0x43: {  	_ =	swait.ge [sflag:s4], $0x2800  }
0x44: {  	[sflag:s4] =	ssyncset.done $0x0  }
0x45: {  	s23 =	rddreg [dreg:$0x8];
	[sflag:s4] =	ssyncadd.s32 $0xFFFFD800  }
0x46: {  	[tilespmem:s21], [sflag:$0x3] =	stream.linear.gather [hbm4b:s23+s1], $0x280, $0x38;
	[tilespmem:$0x1FD00] =	vst v63  }
0x47: {  	_ =	swait.ge [sflag:s4], $0x280  }
0x48: {  	[sflag:s4] =	ssyncset.done $0x0  }
0x49: {  	s3 =	simm.s32 $0x40;
	[sflag:s4] =	ssyncadd.s32 $0xFFFFFD80;
	s4 =	simm.s32 $0x0  }
.LBB2_2:
0x4a: {  	p1 =	sne.s32 s3, $0x280C0;
	[tilespmem:s4+$0x6180] =	vst v2;
	s5 =	smov.u32 s3;
	s3 =	sadd.s32 $0x40, s3  }
.Ltmp2:
0x4b: {  	[tilespmem:s4+$0x10200] =	vst v3;
	(pc) =	sbr.rel @p1 .LBB2_2-.Ltmp2, $2  }
0x4c: {  	_ =	sdelay $0x2  }
0x4d: {  	s4 =	sshra.s32 s5, $0x2  }
0x4e: {  	[tilespmem:s4+$0x6180] =	vst v2  }
0x4f: {  	s3 =	simm.s32 $0x0;
	[tilespmem:s4+$0x10200] =	vst v3;
	s4 =	simm.s32 $0x40;
	s5 =	simm.s32 $0x0  }
.LBB2_4:
0x50: {  	p1 =	sne.s32 s4, $0x1E40;
	[tilespmem:s5+$0x1A280] =	vst v2;
	s5 =	smov.u32 s4;
	s4 =	sadd.s32 $0x40, s4  }
.Ltmp3:
0x51: {  	(pc) =	sbr.rel @p1 .LBB2_4-.Ltmp3, $2  }
0x52: {  	_ =	sdelay $0x2  }
0x53: {  	s5 =	sshra.s32 s5, $0x2  }
0x54: {  	[tilespmem:s5+$0x1A280] =	vst v2  }
.LBB2_6:
0x55: {  	p1 =	sne.s32 s3, $0x15C0  }
.Ltmp4:
0x56: {  	_ = 	snop;
	(pc) =	sbr.rel @p1 .LBB2_6-.Ltmp4, $4  }
0x57: {  	_ = 	snop  }
0x58: {  	s4 =	sshra.s32 s3, $0x2;
	v10 =	vimm.s32 $0x0  }
0x59: {  	[tilespmem:s4+$0xF00] =	vst v10  }
0x5a: {  	s3 =	sadd.s32 $0x40, s3;
	[tilespmem:s4+$0x1480] =	vst v10  }
.Ltmp5:
0x5b: {  	(pc) =	sbr.rel .LBB2_8-.Ltmp5, $2  }
0x5c: {  	_ =	sdelay $0x2  }
0x5d: {  	s12 =	simm.s32 $0x0  }
.LBB2_23:
0x5e: {  	s12 =	sadd.s32 $0x1, s12  }
0x5f: {  	p1 =	sne.s32 s12, $0xFA  }
.Ltmp6:
0x60: {  	_ = 	snop;
	(pc) =	sbr.rel @!p1 .LBB2_24-.Ltmp6, $2  }
0x61: {  	_ =	sdelay $0x2  }
0x62: {  	v10 =	vmov s14  }
.LBB2_8:
0x63: {  	s3 =	smul.u32 $0xA0, s12  }
0x64: {  	s1 =	rddreg [dreg:$0x3]  }
0x65: {  	s16 =	simm.s32 $0x0;
	s19 =	rddreg [dreg:$0x4];
	s4 =	sadd.s32 s1, s3  }
0x66: {  	[tilespmem:s16], [sflag:$0x1] =	stream.linear.gather [hbm4b:s4+s16], $0x500, $0x38;
	[tilespmem:$0x1FD00] =	vst v63  }
0x67: {  	s5 =	simm.s32 $0x500;
	s22 =	rddreg [dreg:$0x5];
	s4 =	sadd.s32 s19, s3  }
0x68: {  	[tilespmem:s5], [sflag:$0x1] =	stream.linear.gather [hbm4b:s4+s16], $0x500, $0x38;
	[tilespmem:$0x1FD00] =	vst v63  }
0x69: {  	s23 =	simm.s32 $0xA00;
	s3 =	sadd.s32 s22, s3  }
0x6a: {  	[tilespmem:s23], [sflag:$0x1] =	stream.linear.gather [hbm4b:s3+s16], $0x500, $0x38;
	[tilespmem:$0x1FD00] =	vst v63  }
0x6b: {  	_ =	swait.ge [sflag:s24], $0x500  }
0x6c: {  	[sflag:s24] =	ssyncset.done $0x0  }
0x6d: {  	[sflag:s24] =	ssyncadd.s32 $0xFFFFFB00  }
0x6e: {  	_ =	swait.ge [sflag:s24], $0x500  }
0x6f: {  	[sflag:s24] =	ssyncset.done $0x0  }
0x70: {  	[sflag:s24] =	ssyncadd.s32 $0xFFFFFB00  }
0x71: {  	_ =	swait.ge [sflag:s24], $0x500  }
0x72: {  	s11 =	simm.s32 $0xFFFFFFFC;
	s13 =	simm.s32 $0xA20;
	[sflag:s24] =	ssyncset.done $0x0  }
0x73: {  	s14 =	simm.s32 $0x520;
	s15 =	simm.s32 $0x20;
	[sflag:s24] =	ssyncadd.s32 $0xFFFFFB00  }
.LBB2_9:
0x74: {  	v11 =	vld [tilespmem:s14+$0xFFFFFFE0];
	_ =	sdelay $0x4  }
0x75: {  	vm3 =	vge.s32 v11, v0;
	vm4 =	vlt.s32 v11, v1  }
0x76: {  	vm3 =	vmand vm3, vm4  }
0x77: {  	v12 =	vsel vm3, $0x1, v4  }
0x78: {  	(xrf0) =	vadd.scan.msk.s32 $0xffff, v12;
	_ =	sdelay $0x5  }
0x79: {  	v12, _, _ =	vpop (xrf0)  }
0x7a: {  	v13 =	vadd.s32 v12, v10  }
0x7b: {  	v14 =	vld [tilespmem:s15+$0xFFFFFFE0];
	v13 =	vadd.s32 $0xFFFFFFFF, v13;
	_ =	sdelay $0x1  }
0x7c: {  	v15 =	vld [tilespmem:s13+$0xFFFFFFE0];
	_ =	sdelay $0x2  }
0x7d: {  	v11 =	vsub.s32 v11, v0;
	[tilespmem:v13+s25+$0x0] =	vst.idx.msk vm3, v14  }
0x7e: {  	[tilespmem:v13+s26+$0x0] =	vst.idx.msk vm3, v11  }
0x7f: {  	[tilespmem:v13+s28+$0x0] =	vst.idx.msk vm3, v15  }
0x80: {  	v11 =	vld [tilespmem:s14+$0xFFFFFFF0];
	_ =	sdelay $0x4  }
0x81: {  	vm3 =	vge.s32 v11, v0;
	vm13 =	vlt.s32 v11, v1  }
0x82: {  	vm3 =	vmand vm3, vm13  }
0x83: {  	v55 =	vsel vm3, $0x1, v4  }
0x84: {  	(xrf0) =	vadd.scan.msk.s32 $0xffff, v55;
	_ =	sdelay $0x3  }
0x85: {  	v12 =	vperm.xlane v12, v5;
	_ =	sdelay $0x1  }
0x86: {  	v10 =	vadd.s32 v10, v12;
	v56, _, _ =	vpop (xrf0)  }
0x87: {  	v57 =	vadd.s32 v56, v10  }
0x88: {  	v14 =	vld [tilespmem:s15+$0xFFFFFFF0];
	v13 =	vadd.s32 $0xFFFFFFFF, v57;
	_ =	sdelay $0x1  }
0x89: {  	v15 =	vld [tilespmem:s13+$0xFFFFFFF0];
	_ =	sdelay $0x2  }
0x8a: {  	v11 =	vsub.s32 v11, v0;
	[tilespmem:v13+s25+$0x0] =	vst.idx.msk vm3, v14  }
0x8b: {  	[tilespmem:v13+s26+$0x0] =	vst.idx.msk vm3, v11  }
0x8c: {  	[tilespmem:v13+s28+$0x0] =	vst.idx.msk vm3, v15  }
0x8d: {  	v11 =	vld [tilespmem:s14+$0x0];
	_ =	sdelay $0x4  }
0x8e: {  	vm3 =	vge.s32 v11, v0;
	vm14 =	vlt.s32 v11, v1  }
0x8f: {  	vm3 =	vmand vm3, vm14  }
0x90: {  	v58 =	vsel vm3, $0x1, v4  }
0x91: {  	(xrf0) =	vadd.scan.msk.s32 $0xffff, v58;
	_ =	sdelay $0x3  }
0x92: {  	v12 =	vperm.xlane v56, v5;
	_ =	sdelay $0x1  }
0x93: {  	v10 =	vadd.s32 v10, v12;
	v59, _, _ =	vpop (xrf0)  }
0x94: {  	v60 =	vadd.s32 v59, v10  }
0x95: {  	v14 =	vld [tilespmem:s15+$0x0];
	v13 =	vadd.s32 $0xFFFFFFFF, v60;
	_ =	sdelay $0x1  }
0x96: {  	v15 =	vld [tilespmem:s13+$0x0];
	_ =	sdelay $0x2  }
0x97: {  	v11 =	vsub.s32 v11, v0;
	[tilespmem:v13+s25+$0x0] =	vst.idx.msk vm3, v14  }
0x98: {  	[tilespmem:v13+s26+$0x0] =	vst.idx.msk vm3, v11  }
0x99: {  	[tilespmem:v13+s28+$0x0] =	vst.idx.msk vm3, v15  }
0x9a: {  	v11 =	vld [tilespmem:s14+$0x10];
	_ =	sdelay $0x4  }
0x9b: {  	vm3 =	vge.s32 v11, v0;
	vm15 =	vlt.s32 v11, v1  }
0x9c: {  	vm3 =	vmand vm3, vm15  }
0x9d: {  	v61 =	vsel vm3, $0x1, v4  }
0x9e: {  	(xrf0) =	vadd.scan.msk.s32 $0xffff, v61;
	_ =	sdelay $0x3  }
0x9f: {  	v12 =	vperm.xlane v59, v5;
	_ =	sdelay $0x1  }
0xa0: {  	v10 =	vadd.s32 v10, v12;
	v62, _, _ =	vpop (xrf0)  }
0xa1: {  	v63 =	vadd.s32 v62, v10  }
0xa2: {  	v14 =	vld [tilespmem:s15+$0x10];
	v13 =	vadd.s32 $0xFFFFFFFF, v63  }
0xa3: {  	s11 =	sadd.s32 $0x4, s11  }
0xa4: {  	p1 =	slt.u32 s11, $0x4C;
	v15 =	vld [tilespmem:s13+$0x10]  }
.Ltmp7:
0xa5: {  	_ = 	snop;
	(pc) =	sbr.rel @p1 .LBB2_9-.Ltmp7, $4  }
0xa6: {  	_ = 	snop  }
0xa7: {  	v11 =	vsub.s32 v11, v0;
	v12 =	vperm.xlane v62, v5;
	[tilespmem:v13+s25+$0x0] =	vst.idx.msk vm3, v14  }
0xa8: {  	[tilespmem:v13+s26+$0x0] =	vst.idx.msk vm3, v11  }
0xa9: {  	s13 =	sadd.s32 $0x40, s13;
	s14 =	sadd.s32 $0x40, s14;
	s15 =	sadd.s32 $0x40, s15;
	v10 =	vadd.s32 v10, v12;
	[tilespmem:v13+s28+$0x0] =	vst.idx.msk vm3, v15  }
0xaa: {  	v10 =	vxor.u32 $0x80000000, v10  }
0xab: {  	(xrf0) =	vmax.scan.msk.u32 $0xffff, v10;
	_ =	sdelay $0x5  }
0xac: {  	v10, _, _ =	vpop (xrf0)  }
0xad: {  	(v2sf) =	vpush v10, $0xF;
	_ =	sdelay $0xe  }
0xae: {  	s3 =	spop (v2sf)  }
0xaf: {  	s14 =	sxor.u32 $0x80000000, s3  }
0xb0: {  	p1 =	slt.s32 s14, $0x80  }
.Ltmp8:
0xb1: {  	_ = 	snop;
	(pc) =	sbr.rel @p1 .LBB2_23-.Ltmp8, $1  }
0xb2: {  	_ =	sdelay $0x3  }
0xb3: {  	s13 =	sadd.s32 $0x7FFFFF8F, s3  }
.LBB2_13:
0xb4: {  	[tilespmem:s30], [sflag:$0x2] =	stream.indirect.gather [hbm4b:s17+s29], $0x80, s25, s29, $0xb8;
	[tilespmem:$0x1FD00] =	vst v63  }
0xb5: {  	v10 =	vld [tilespmem:$0xF00];
	_ =	sdelay $0x1  }
0xb6: {  	v11 =	vld [tilespmem:$0x1480];
	_ =	sdelay $0x4  }
0xb7: {  	v12 =	vld [tilespmem:$0x1A00]  }
0xb8: {  	v13 =	vld.idx.msk [tilespmem:v10+s18+$0x0], $0xffff;
	_ =	sdelay $0x1  }
0xb9: {  	v14 =	vld.idx.msk [tilespmem:v11+s21+$0x0], $0xffff;
	_ =	sdelay $0x2  }
0xba: {  	v13 =	vmul.f32 v13, v12;
	_ =	sdelay $0x1  }
0xbb: {  	v13 =	vadd.f32 v14, v13;
	_ =	sdelay $0x1  }
0xbc: {  	v14 =	vmul.f32 $9.999999770e-03, v13  }
0xbd: {  	vm3 =	vge.f32 v13, $0.0e+00  }
0xbe: {  	v13 =	vsel vm3, v13, v14  }
0xbf: {  	v13 =	vmul.f32 $1.442695020e+00, v13;
	_ =	sdelay $0x1  }
0xc0: {  	(erf) = vpow2.f32 v13;
	_ =	sdelay $0x1  }
0xc1: {  	v10 =	vld.idx.msk [tilespmem:v10+s20+$0x0], $0xffff  }
0xc2: {  	v13 =	vld [tilespmem:$0xF10];
	_ =	sdelay $0x1  }
0xc3: {  	v14 =	vld [tilespmem:$0x1490];
	_ =	sdelay $0x1  }
0xc4: {  	[tilespmem:$0x2000] =	vst v12;
	v10 =	vmul.f32 v10, v12  }
0xc5: {  	[tilespmem:$0x2100] =	vst v11  }
0xc6: {  	[tilespmem:$0x2080] =	vst v10;
	v15 =	vpop (erf)  }
0xc7: {  	v10 =	vld [tilespmem:$0x1A10];
	[tilespmem:$0x1F80] =	vst v15  }
0xc8: {  	v11 =	vld.idx.msk [tilespmem:v13+s18+$0x0], $0xffff;
	_ =	sdelay $0x1  }
0xc9: {  	v12 =	vld.idx.msk [tilespmem:v14+s21+$0x0], $0xffff;
	_ =	sdelay $0x2  }
0xca: {  	v11 =	vmul.f32 v11, v10;
	_ =	sdelay $0x1  }
0xcb: {  	v11 =	vadd.f32 v12, v11;
	_ =	sdelay $0x1  }
0xcc: {  	v12 =	vmul.f32 $9.999999770e-03, v11  }
0xcd: {  	vm3 =	vge.f32 v11, $0.0e+00  }
0xce: {  	v11 =	vsel vm3, v11, v12  }
0xcf: {  	v11 =	vmul.f32 $1.442695020e+00, v11;
	_ =	sdelay $0x1  }
0xd0: {  	(erf) = vpow2.f32 v11;
	_ =	sdelay $0x1  }
0xd1: {  	v11 =	vld.idx.msk [tilespmem:v13+s20+$0x0], $0xffff  }
0xd2: {  	v12 =	vld [tilespmem:$0xF20];
	_ =	sdelay $0x1  }
0xd3: {  	v13 =	vld [tilespmem:$0x14A0];
	_ =	sdelay $0x1  }
0xd4: {  	[tilespmem:$0x2010] =	vst v10;
	v11 =	vmul.f32 v11, v10  }
0xd5: {  	[tilespmem:$0x2110] =	vst v14  }
0xd6: {  	[tilespmem:$0x2090] =	vst v11;
	v15 =	vpop (erf)  }
0xd7: {  	v10 =	vld [tilespmem:$0x1A20];
	[tilespmem:$0x1F90] =	vst v15  }
0xd8: {  	v11 =	vld.idx.msk [tilespmem:v12+s18+$0x0], $0xffff;
	_ =	sdelay $0x1  }
0xd9: {  	v14 =	vld.idx.msk [tilespmem:v13+s21+$0x0], $0xffff;
	_ =	sdelay $0x2  }
0xda: {  	v11 =	vmul.f32 v11, v10;
	_ =	sdelay $0x1  }
0xdb: {  	v11 =	vadd.f32 v14, v11;
	_ =	sdelay $0x1  }
0xdc: {  	v14 =	vmul.f32 $9.999999770e-03, v11  }
0xdd: {  	vm3 =	vge.f32 v11, $0.0e+00  }
0xde: {  	v11 =	vsel vm3, v11, v14  }
0xdf: {  	v11 =	vmul.f32 $1.442695020e+00, v11;
	_ =	sdelay $0x1  }
0xe0: {  	(erf) = vpow2.f32 v11;
	_ =	sdelay $0x1  }
0xe1: {  	v11 =	vld.idx.msk [tilespmem:v12+s20+$0x0], $0xffff  }
0xe2: {  	v12 =	vld [tilespmem:$0xF30];
	_ =	sdelay $0x1  }
0xe3: {  	v14 =	vld [tilespmem:$0x14B0];
	_ =	sdelay $0x1  }
0xe4: {  	[tilespmem:$0x2020] =	vst v10;
	v11 =	vmul.f32 v11, v10  }
0xe5: {  	[tilespmem:$0x2120] =	vst v13  }
0xe6: {  	[tilespmem:$0x20A0] =	vst v11;
	v15 =	vpop (erf)  }
0xe7: {  	v10 =	vld [tilespmem:$0x1A30];
	[tilespmem:$0x1FA0] =	vst v15  }
0xe8: {  	v11 =	vld.idx.msk [tilespmem:v12+s18+$0x0], $0xffff;
	_ =	sdelay $0x1  }
0xe9: {  	v13 =	vld.idx.msk [tilespmem:v14+s21+$0x0], $0xffff;
	_ =	sdelay $0x2  }
0xea: {  	v11 =	vmul.f32 v11, v10;
	_ =	sdelay $0x1  }
0xeb: {  	v11 =	vadd.f32 v13, v11;
	_ =	sdelay $0x1  }
0xec: {  	v13 =	vmul.f32 $9.999999770e-03, v11  }
0xed: {  	vm3 =	vge.f32 v11, $0.0e+00  }
0xee: {  	v11 =	vsel vm3, v11, v13  }
0xef: {  	v11 =	vmul.f32 $1.442695020e+00, v11;
	_ =	sdelay $0x1  }
0xf0: {  	(erf) = vpow2.f32 v11;
	_ =	sdelay $0x1  }
0xf1: {  	v11 =	vld.idx.msk [tilespmem:v12+s20+$0x0], $0xffff  }
0xf2: {  	v12 =	vld [tilespmem:$0xF40];
	_ =	sdelay $0x1  }
0xf3: {  	v13 =	vld [tilespmem:$0x14C0];
	_ =	sdelay $0x1  }
0xf4: {  	[tilespmem:$0x2030] =	vst v10;
	v11 =	vmul.f32 v11, v10  }
0xf5: {  	[tilespmem:$0x2130] =	vst v14  }
0xf6: {  	[tilespmem:$0x20B0] =	vst v11;
	v15 =	vpop (erf)  }
0xf7: {  	v10 =	vld [tilespmem:$0x1A40];
	[tilespmem:$0x1FB0] =	vst v15  }
0xf8: {  	v11 =	vld.idx.msk [tilespmem:v12+s18+$0x0], $0xffff;
	_ =	sdelay $0x1  }
0xf9: {  	v14 =	vld.idx.msk [tilespmem:v13+s21+$0x0], $0xffff;
	_ =	sdelay $0x2  }
0xfa: {  	v11 =	vmul.f32 v11, v10;
	_ =	sdelay $0x1  }
0xfb: {  	v11 =	vadd.f32 v14, v11;
	_ =	sdelay $0x1  }
0xfc: {  	v14 =	vmul.f32 $9.999999770e-03, v11  }
0xfd: {  	vm3 =	vge.f32 v11, $0.0e+00  }
0xfe: {  	v11 =	vsel vm3, v11, v14  }
0xff: {  	v11 =	vmul.f32 $1.442695020e+00, v11;
	_ =	sdelay $0x1  }
0x100: {  	(erf) = vpow2.f32 v11;
	_ =	sdelay $0x1  }
0x101: {  	v11 =	vld.idx.msk [tilespmem:v12+s20+$0x0], $0xffff  }
0x102: {  	v12 =	vld [tilespmem:$0xF50];
	_ =	sdelay $0x1  }
0x103: {  	v14 =	vld [tilespmem:$0x14D0];
	_ =	sdelay $0x1  }
0x104: {  	[tilespmem:$0x2040] =	vst v10;
	v11 =	vmul.f32 v11, v10  }
0x105: {  	[tilespmem:$0x2140] =	vst v13  }
0x106: {  	[tilespmem:$0x20C0] =	vst v11;
	v15 =	vpop (erf)  }
0x107: {  	v10 =	vld [tilespmem:$0x1A50];
	[tilespmem:$0x1FC0] =	vst v15  }
0x108: {  	v11 =	vld.idx.msk [tilespmem:v12+s18+$0x0], $0xffff;
	_ =	sdelay $0x1  }
0x109: {  	v13 =	vld.idx.msk [tilespmem:v14+s21+$0x0], $0xffff;
	_ =	sdelay $0x2  }
0x10a: {  	v11 =	vmul.f32 v11, v10;
	_ =	sdelay $0x1  }
0x10b: {  	v11 =	vadd.f32 v13, v11;
	_ =	sdelay $0x1  }
0x10c: {  	v13 =	vmul.f32 $9.999999770e-03, v11  }
0x10d: {  	vm3 =	vge.f32 v11, $0.0e+00  }
0x10e: {  	v11 =	vsel vm3, v11, v13  }
0x10f: {  	v11 =	vmul.f32 $1.442695020e+00, v11;
	_ =	sdelay $0x1  }
0x110: {  	(erf) = vpow2.f32 v11;
	_ =	sdelay $0x1  }
0x111: {  	v11 =	vld.idx.msk [tilespmem:v12+s20+$0x0], $0xffff  }
0x112: {  	v12 =	vld [tilespmem:$0xF60];
	_ =	sdelay $0x1  }
0x113: {  	v13 =	vld [tilespmem:$0x14E0];
	_ =	sdelay $0x1  }
0x114: {  	[tilespmem:$0x2050] =	vst v10;
	v11 =	vmul.f32 v11, v10  }
0x115: {  	[tilespmem:$0x2150] =	vst v14  }
0x116: {  	[tilespmem:$0x20D0] =	vst v11;
	v15 =	vpop (erf)  }
0x117: {  	v10 =	vld [tilespmem:$0x1A60];
	[tilespmem:$0x1FD0] =	vst v15  }
0x118: {  	v11 =	vld.idx.msk [tilespmem:v12+s18+$0x0], $0xffff;
	_ =	sdelay $0x1  }
0x119: {  	v14 =	vld.idx.msk [tilespmem:v13+s21+$0x0], $0xffff;
	_ =	sdelay $0x2  }
0x11a: {  	v11 =	vmul.f32 v11, v10;
	_ =	sdelay $0x1  }
0x11b: {  	v11 =	vadd.f32 v14, v11;
	_ =	sdelay $0x1  }
0x11c: {  	v14 =	vmul.f32 $9.999999770e-03, v11  }
0x11d: {  	vm3 =	vge.f32 v11, $0.0e+00  }
0x11e: {  	v11 =	vsel vm3, v11, v14  }
0x11f: {  	v11 =	vmul.f32 $1.442695020e+00, v11;
	_ =	sdelay $0x1  }
0x120: {  	(erf) = vpow2.f32 v11;
	_ =	sdelay $0x1  }
0x121: {  	v11 =	vld.idx.msk [tilespmem:v12+s20+$0x0], $0xffff  }
0x122: {  	v12 =	vld [tilespmem:$0xF70];
	_ =	sdelay $0x1  }
0x123: {  	v14 =	vld [tilespmem:$0x14F0];
	_ =	sdelay $0x1  }
0x124: {  	[tilespmem:$0x2060] =	vst v10;
	v11 =	vmul.f32 v11, v10  }
0x125: {  	[tilespmem:$0x2160] =	vst v13  }
0x126: {  	[tilespmem:$0x20E0] =	vst v11;
	v15 =	vpop (erf)  }
0x127: {  	v10 =	vld [tilespmem:$0x1A70];
	[tilespmem:$0x1FE0] =	vst v15  }
0x128: {  	v11 =	vld.idx.msk [tilespmem:v12+s18+$0x0], $0xffff;
	_ =	sdelay $0x1  }
0x129: {  	v13 =	vld.idx.msk [tilespmem:v14+s21+$0x0], $0xffff;
	_ =	sdelay $0x2  }
0x12a: {  	v11 =	vmul.f32 v11, v10;
	_ =	sdelay $0x1  }
0x12b: {  	v11 =	vadd.f32 v13, v11;
	_ =	sdelay $0x1  }
0x12c: {  	v13 =	vmul.f32 $9.999999770e-03, v11  }
0x12d: {  	vm3 =	vge.f32 v11, $0.0e+00  }
0x12e: {  	v11 =	vsel vm3, v11, v13  }
0x12f: {  	v11 =	vmul.f32 $1.442695020e+00, v11;
	_ =	sdelay $0x1  }
0x130: {  	(erf) = vpow2.f32 v11;
	_ =	sdelay $0x5  }
0x131: {  	v11 =	vld.idx.msk [tilespmem:v12+s20+$0x0], $0xffff;
	_ =	sdelay $0x1  }
0x132: {  	s3 =	simm.s32 $0x0  }
0x133: {  	v13 =	vmov s3;
	v12 =	vpop (erf)  }
0x134: {  	[tilespmem:$0x1FF0] =	vst v12;
	v12 =	vand.u32 $0xFFFFFFFE, v13  }
0x135: {  	[tilespmem:$0x2070] =	vst v10;
	v11 =	vmul.f32 v11, v10;
	v10 =	vbroadcast v12, $0x0  }
0x136: {  	[tilespmem:$0x2170] =	vst v14  }
0x137: {  	[tilespmem:$0x20F0] =	vst v11  }
0x138: {  	_ =	swait.ge [sflag:s31], $0x4000  }
0x139: {  	[sflag:s31] =	ssyncset.done $0x0  }
0x13a: {  	[sflag:s31] =	ssyncadd.s32 $0xFFFFC000  }
0x13b: {  	v13 =	vld.idx.msk [tilespmem:v10+s7+$0x0], $0xffff;
	_ =	sdelay $0x1  }
0x13c: {  	s19 =	simm.s32 $0x2200  }
0x13d: {  	v11 =	vld [tilespmem:s19+$0xFFFFFF80]  }
0x13e: {  	v14 =	vld.idx.msk [tilespmem:v10+s0+$0x0], $0xffff  }
0x13f: {  	v12 =	vshll.u32 v13, $0x6  }
0x140: {  	v15 =	vor.u32 v6, v12;
	_ =	sdelay $0x1  }
0x141: {  	v16 =	vld [tilespmem:s19+$0xFFFFFFC0]  }
0x142: {  	v17 =	vld.idx.msk [tilespmem:v10+s6+$0x0], $0xffff;
	v11 =	vmul.f32 v11, v14  }
0x143: {  	v18 =	vld.idx.msk [tilespmem:v10+s2+$0x0], $0xffff  }
0x144: {  	[tilespmem:v15+s8+$0x0] =	vst.idx.add.f32.msk $0xffff, v11  }
0x145: {  	v10 =	vld.idx.msk [tilespmem:v15+s9+$0x0], $0xffff;
	_ =	sdelay $0x2  }
0x146: {  	v11 =	vmul.f32 v16, v18;
	_ =	sdelay $0x1  }
0x147: {  	v10 =	vmax.f32 v10, v11  }
0x148: {  	[tilespmem:v15+s9+$0x0] =	vst.idx.msk $0xffff, v10  }
0x149: {  	v10 =	vld [tilespmem:s19+$0xFFFFFF90];
	_ =	sdelay $0x1  }
0x14a: {  	v11 =	vor.u32 v7, v12;
	_ =	sdelay $0x2  }
0x14b: {  	v10 =	vmul.f32 v10, v14  }
0x14c: {  	v15 =	vld [tilespmem:s19+$0xFFFFFFD0]  }
0x14d: {  	[tilespmem:v11+s8+$0x0] =	vst.idx.add.f32.msk $0xffff, v10  }
0x14e: {  	v10 =	vld.idx.msk [tilespmem:v11+s9+$0x0], $0xffff;
	_ =	sdelay $0x2  }
0x14f: {  	v15 =	vmul.f32 v15, v18;
	_ =	sdelay $0x1  }
0x150: {  	v10 =	vmax.f32 v10, v15  }
0x151: {  	[tilespmem:v11+s9+$0x0] =	vst.idx.msk $0xffff, v10  }
0x152: {  	v10 =	vld [tilespmem:s19+$0xFFFFFFA0];
	_ =	sdelay $0x1  }
0x153: {  	v11 =	vor.u32 v8, v12;
	_ =	sdelay $0x2  }
0x154: {  	v10 =	vmul.f32 v10, v14  }
0x155: {  	v15 =	vld [tilespmem:s19+$0xFFFFFFE0]  }
0x156: {  	[tilespmem:v11+s8+$0x0] =	vst.idx.add.f32.msk $0xffff, v10  }
0x157: {  	v10 =	vld.idx.msk [tilespmem:v11+s9+$0x0], $0xffff;
	_ =	sdelay $0x2  }
0x158: {  	v15 =	vmul.f32 v15, v18;
	_ =	sdelay $0x1  }
0x159: {  	v10 =	vmax.f32 v10, v15  }
0x15a: {  	[tilespmem:v11+s9+$0x0] =	vst.idx.msk $0xffff, v10  }
0x15b: {  	v10 =	vld [tilespmem:s19+$0xFFFFFFB0];
	_ =	sdelay $0x1  }
0x15c: {  	v15 =	vor.u32 v9, v12;
	_ =	sdelay $0x2  }
0x15d: {  	v10 =	vmul.f32 v10, v14  }
0x15e: {  	v16 =	vld [tilespmem:s19+$0xFFFFFFF0]  }
0x15f: {  	[tilespmem:v15+s8+$0x0] =	vst.idx.add.f32.msk $0xffff, v10  }
0x160: {  	v12 =	vsel vm0, $0x288, v4;
	v11 =	vsel vm0, $0x3F800000, v2;
	v10 =	vsel vm2, $0x3F800000, v2;
	v19 =	vld.idx.msk [tilespmem:v15+s9+$0x0], $0xffff  }
0x161: {  	v12 =	vsel vm1, $0x510, v12;
	v17 =	vmul.f32 v11, v17;
	v14 =	vmul.f32 v10, v14  }
0x162: {  	s23 =	simm.s32 $0x1;
	v20 =	vadd.s32 v12, v13  }
0x163: {  	v16 =	vmul.f32 v16, v18;
	v14 =	vadd.f32 v17, v14;
	v17 =	vmov s23  }
0x164: {  	v13 =	vsel vm1, $0x3F800000, v2  }
0x165: {  	v14 =	vadd.f32 v13, v14;
	v16 =	vmax.f32 v19, v16  }
0x166: {  	[tilespmem:v15+s9+$0x0] =	vst.idx.msk $0xffff, v16  }
0x167: {  	[tilespmem:v20+s10+$0x0] =	vst.idx.add.f32.msk $0x7, v14  }
0x168: {  	v15 =	vld.idx.msk [tilespmem:v17+s7+$0x0], $0xffff;
	_ =	sdelay $0x2  }
0x169: {  	v14 =	vld.idx.msk [tilespmem:v17+s0+$0x0], $0xffff  }
0x16a: {  	v16 =	vld [tilespmem:s19+$0x0]  }
0x16b: {  	v18 =	vshll.u32 v15, $0x6  }
0x16c: {  	v19 =	vor.u32 v6, v18;
	_ =	sdelay $0x1  }
0x16d: {  	v20 =	vld [tilespmem:s19+$0x40]  }
0x16e: {  	v21 =	vld.idx.msk [tilespmem:v17+s6+$0x0], $0xffff;
	v16 =	vmul.f32 v16, v14  }
0x16f: {  	v17 =	vld.idx.msk [tilespmem:v17+s2+$0x0], $0xffff  }
0x170: {  	[tilespmem:v19+s8+$0x0] =	vst.idx.add.f32.msk $0xffff, v16  }
0x171: {  	v16 =	vld.idx.msk [tilespmem:v19+s9+$0x0], $0xffff;
	_ =	sdelay $0x2  }
0x172: {  	v20 =	vmul.f32 v20, v17;
	_ =	sdelay $0x1  }
0x173: {  	v16 =	vmax.f32 v16, v20  }
0x174: {  	[tilespmem:v19+s9+$0x0] =	vst.idx.msk $0xffff, v16  }
0x175: {  	v16 =	vld [tilespmem:s19+$0x10];
	_ =	sdelay $0x1  }
0x176: {  	v19 =	vor.u32 v7, v18;
	_ =	sdelay $0x2  }
0x177: {  	v16 =	vmul.f32 v16, v14  }
0x178: {  	v61 =	vld [tilespmem:s19+$0x50]  }
0x179: {  	[tilespmem:v19+s8+$0x0] =	vst.idx.add.f32.msk $0xffff, v16  }
0x17a: {  	v16 =	vld.idx.msk [tilespmem:v19+s9+$0x0], $0xffff;
	_ =	sdelay $0x2  }
0x17b: {  	v20 =	vmul.f32 v61, v17;
	_ =	sdelay $0x1  }
0x17c: {  	v16 =	vmax.f32 v16, v20  }
0x17d: {  	[tilespmem:v19+s9+$0x0] =	vst.idx.msk $0xffff, v16  }
0x17e: {  	v16 =	vld [tilespmem:s19+$0x20];
	_ =	sdelay $0x1  }
0x17f: {  	v19 =	vor.u32 v8, v18;
	_ =	sdelay $0x2  }
0x180: {  	v16 =	vmul.f32 v16, v14  }
0x181: {  	v62 =	vld [tilespmem:s19+$0x60]  }
0x182: {  	[tilespmem:v19+s8+$0x0] =	vst.idx.add.f32.msk $0xffff, v16  }
0x183: {  	v16 =	vld.idx.msk [tilespmem:v19+s9+$0x0], $0xffff;
	_ =	sdelay $0x2  }
0x184: {  	v20 =	vmul.f32 v62, v17;
	_ =	sdelay $0x1  }
0x185: {  	v16 =	vmax.f32 v16, v20  }
0x186: {  	[tilespmem:v19+s9+$0x0] =	vst.idx.msk $0xffff, v16  }
0x187: {  	v16 =	vld [tilespmem:s19+$0x30];
	_ =	sdelay $0x1  }
0x188: {  	v18 =	vor.u32 v9, v18;
	_ =	sdelay $0x1  }
0x189: {  	v19 =	vld [tilespmem:s19+$0x70]  }
0x18a: {  	v16 =	vmul.f32 v16, v14;
	_ =	sdelay $0x1  }
0x18b: {  	v63 =	vmul.f32 v11, v21;
	v14 =	vmul.f32 v10, v14;
	[tilespmem:v18+s8+$0x0] =	vst.idx.add.f32.msk $0xffff, v16  }
0x18c: {  	s11 =	simm.s32 $0x2;
	v16 =	vld.idx.msk [tilespmem:v18+s9+$0x0], $0xffff  }
0x18d: {  	v17 =	vmul.f32 v19, v17;
	v19 =	vadd.f32 v63, v14;
	v14 =	vmov s11  }
0x18e: {  	v14 =	vand.u32 $0xFFFFFFFE, v14  }
0x18f: {  	v15 =	vadd.s32 v12, v15;
	v14 =	vbroadcast v14, $0x0;
	_ =	sdelay $0x1  }
0x190: {  	v17 =	vmax.f32 v16, v17  }
0x191: {  	s16 =	smov.u32 s14;
	s15 =	sshrl.u32 s13, $0x4;
	s14 =	simm.s32 $0x4;
	v16 =	vadd.f32 v13, v19;
	[tilespmem:v18+s9+$0x0] =	vst.idx.msk $0xffff, v17  }
.LBB2_14:
0x192: {  	p1 =	slt.u32 s14, $0x7E  }
0x193: {  	[tilespmem:v15+s10+$0x0] =	vst.idx.add.f32.msk $0x7, v16;
	s19 =	sadd.s32 $0x100, s19;
	s22 =	smov.u32 s14;
	s14 =	sadd.s32 $0x2, s14  }
0x194: {  	v15 =	vld.idx.msk [tilespmem:v14+s7+$0x0], $0xffff;
	_ =	sdelay $0x3  }
0x195: {  	v16 =	vld.idx.msk [tilespmem:v14+s0+$0x0], $0xffff  }
0x196: {  	v17 =	vld [tilespmem:s19+$0xFFFFFF80]  }
0x197: {  	v18 =	vshll.u32 v15, $0x6  }
0x198: {  	v19 =	vor.u32 v6, v18;
	_ =	sdelay $0x1  }
0x199: {  	v20 =	vld [tilespmem:s19+$0xFFFFFFC0]  }
0x19a: {  	v21 =	vld.idx.msk [tilespmem:v14+s6+$0x0], $0xffff;
	v17 =	vmul.f32 v17, v16  }
0x19b: {  	v14 =	vld.idx.msk [tilespmem:v14+s2+$0x0], $0xffff  }
0x19c: {  	[tilespmem:v19+s8+$0x0] =	vst.idx.add.f32.msk $0xffff, v17  }
0x19d: {  	v17 =	vld.idx.msk [tilespmem:v19+s9+$0x0], $0xffff;
	_ =	sdelay $0x3  }
0x19e: {  	v20 =	vmul.f32 v20, v14;
	_ =	sdelay $0x1  }
0x19f: {  	v17 =	vmax.f32 v17, v20  }
0x1a0: {  	[tilespmem:v19+s9+$0x0] =	vst.idx.msk $0xffff, v17  }
0x1a1: {  	v17 =	vld [tilespmem:s19+$0xFFFFFF90];
	_ =	sdelay $0x1  }
0x1a2: {  	v19 =	vor.u32 v7, v18;
	_ =	sdelay $0x2  }
0x1a3: {  	v17 =	vmul.f32 v17, v16  }
0x1a4: {  	v20 =	vld [tilespmem:s19+$0xFFFFFFD0]  }
0x1a5: {  	[tilespmem:v19+s8+$0x0] =	vst.idx.add.f32.msk $0xffff, v17  }
0x1a6: {  	v17 =	vld.idx.msk [tilespmem:v19+s9+$0x0], $0xffff;
	_ =	sdelay $0x3  }
0x1a7: {  	v20 =	vmul.f32 v20, v14;
	_ =	sdelay $0x1  }
0x1a8: {  	v17 =	vmax.f32 v17, v20  }
0x1a9: {  	[tilespmem:v19+s9+$0x0] =	vst.idx.msk $0xffff, v17  }
0x1aa: {  	v17 =	vld [tilespmem:s19+$0xFFFFFFA0];
	_ =	sdelay $0x1  }
0x1ab: {  	v19 =	vor.u32 v8, v18;
	_ =	sdelay $0x2  }
0x1ac: {  	v17 =	vmul.f32 v17, v16  }
0x1ad: {  	v20 =	vld [tilespmem:s19+$0xFFFFFFE0]  }
0x1ae: {  	[tilespmem:v19+s8+$0x0] =	vst.idx.add.f32.msk $0xffff, v17  }
0x1af: {  	v17 =	vld.idx.msk [tilespmem:v19+s9+$0x0], $0xffff;
	_ =	sdelay $0x3  }
0x1b0: {  	v20 =	vmul.f32 v20, v14;
	_ =	sdelay $0x1  }
0x1b1: {  	v17 =	vmax.f32 v17, v20  }
0x1b2: {  	[tilespmem:v19+s9+$0x0] =	vst.idx.msk $0xffff, v17  }
0x1b3: {  	v17 =	vld [tilespmem:s19+$0xFFFFFFB0];
	_ =	sdelay $0x1  }
0x1b4: {  	v18 =	vor.u32 v9, v18;
	_ =	sdelay $0x2  }
0x1b5: {  	v17 =	vmul.f32 v17, v16  }
0x1b6: {  	v19 =	vld [tilespmem:s19+$0xFFFFFFF0]  }
0x1b7: {  	[tilespmem:v18+s8+$0x0] =	vst.idx.add.f32.msk $0xffff, v17  }
0x1b8: {  	v17 =	vld.idx.msk [tilespmem:v18+s9+$0x0], $0xffff;
	_ =	sdelay $0x1  }
0x1b9: {  	v20 =	vmul.f32 v11, v21;
	v16 =	vmul.f32 v10, v16  }
0x1ba: {  	s3 =	sadd.s32 $0x1, s11;
	s11 =	smov.u32 s22;
	v15 =	vadd.s32 v12, v15  }
0x1bb: {  	v16 =	vadd.f32 v20, v16;
	v14 =	vmul.f32 v19, v14;
	v19 =	vmov s3;
	_ =	sdelay $0x1  }
0x1bc: {  	v16 =	vadd.f32 v13, v16;
	v14 =	vmax.f32 v17, v14  }
0x1bd: {  	[tilespmem:v18+s9+$0x0] =	vst.idx.msk $0xffff, v14  }
0x1be: {  	[tilespmem:v15+s10+$0x0] =	vst.idx.add.f32.msk $0x7, v16  }
0x1bf: {  	v15 =	vld.idx.msk [tilespmem:v19+s7+$0x0], $0xffff;
	_ =	sdelay $0x3  }
0x1c0: {  	v14 =	vld.idx.msk [tilespmem:v19+s0+$0x0], $0xffff  }
0x1c1: {  	v16 =	vld [tilespmem:s19+$0x0]  }
0x1c2: {  	v17 =	vshll.u32 v15, $0x6  }
0x1c3: {  	v18 =	vor.u32 v6, v17;
	_ =	sdelay $0x1  }
0x1c4: {  	v20 =	vld [tilespmem:s19+$0x40]  }
0x1c5: {  	v21 =	vld.idx.msk [tilespmem:v19+s6+$0x0], $0xffff;
	v16 =	vmul.f32 v16, v14  }
0x1c6: {  	v19 =	vld.idx.msk [tilespmem:v19+s2+$0x0], $0xffff  }
0x1c7: {  	[tilespmem:v18+s8+$0x0] =	vst.idx.add.f32.msk $0xffff, v16  }
0x1c8: {  	v16 =	vld.idx.msk [tilespmem:v18+s9+$0x0], $0xffff;
	_ =	sdelay $0x2  }
0x1c9: {  	v22 =	vmul.f32 v10, v14;
	v21 =	vmul.f32 v11, v21  }
0x1ca: {  	v20 =	vmul.f32 v20, v19  }
0x1cb: {  	v21 =	vadd.f32 v21, v22  }
0x1cc: {  	v16 =	vmax.f32 v16, v20  }
0x1cd: {  	[tilespmem:v18+s9+$0x0] =	vst.idx.msk $0xffff, v16  }
0x1ce: {  	v16 =	vld [tilespmem:s19+$0x10]  }
0x1cf: {  	v18 =	vld [tilespmem:s19+$0x50]  }
0x1d0: {  	v20 =	vor.u32 v7, v17;
	_ =	sdelay $0x2  }
0x1d1: {  	v16 =	vmul.f32 v16, v14;
	_ =	sdelay $0x1  }
0x1d2: {  	[tilespmem:v20+s8+$0x0] =	vst.idx.add.f32.msk $0xffff, v16  }
0x1d3: {  	v16 =	vld.idx.msk [tilespmem:v20+s9+$0x0], $0xffff;
	_ =	sdelay $0x3  }
0x1d4: {  	v18 =	vmul.f32 v18, v19;
	_ =	sdelay $0x1  }
0x1d5: {  	v16 =	vmax.f32 v16, v18  }
0x1d6: {  	[tilespmem:v20+s9+$0x0] =	vst.idx.msk $0xffff, v16  }
0x1d7: {  	v16 =	vld [tilespmem:s19+$0x20]  }
0x1d8: {  	v18 =	vld [tilespmem:s19+$0x60]  }
0x1d9: {  	v20 =	vor.u32 v8, v17;
	_ =	sdelay $0x2  }
0x1da: {  	v16 =	vmul.f32 v16, v14;
	_ =	sdelay $0x1  }
0x1db: {  	[tilespmem:v20+s8+$0x0] =	vst.idx.add.f32.msk $0xffff, v16  }
0x1dc: {  	v16 =	vld.idx.msk [tilespmem:v20+s9+$0x0], $0xffff;
	_ =	sdelay $0x3  }
0x1dd: {  	v18 =	vmul.f32 v18, v19;
	_ =	sdelay $0x1  }
0x1de: {  	v16 =	vmax.f32 v16, v18  }
0x1df: {  	[tilespmem:v20+s9+$0x0] =	vst.idx.msk $0xffff, v16  }
0x1e0: {  	v16 =	vld [tilespmem:s19+$0x30]  }
0x1e1: {  	v18 =	vld [tilespmem:s19+$0x70]  }
0x1e2: {  	v17 =	vor.u32 v9, v17;
	_ =	sdelay $0x2  }
0x1e3: {  	v14 =	vmul.f32 v16, v14;
	_ =	sdelay $0x1  }
0x1e4: {  	[tilespmem:v17+s8+$0x0] =	vst.idx.add.f32.msk $0xffff, v14  }
0x1e5: {  	v16 =	vld.idx.msk [tilespmem:v17+s9+$0x0], $0xffff  }
0x1e6: {  	v14 =	vmov s11  }
0x1e7: {  	v14 =	vand.u32 $0xFFFFFFFE, v14  }
.Ltmp9:
0x1e8: {  	v15 =	vadd.s32 v12, v15;
	v14 =	vbroadcast v14, $0x0;
	(pc) =	sbr.rel @p1 .LBB2_14-.Ltmp9, $3  }
0x1e9: {  	v18 =	vmul.f32 v18, v19;
	_ =	sdelay $0x1  }
0x1ea: {  	v18 =	vmax.f32 v16, v18;
	v16 =	vadd.f32 v13, v21  }
0x1eb: {  	[tilespmem:v17+s9+$0x0] =	vst.idx.msk $0xffff, v18  }
0x1ec: {  	_ =	sdelay $0x3  }
0x1ed: {  	[tilespmem:v15+s10+$0x0] =	vst.idx.add.f32.msk $0x7, v16  }
0x1ee: {  	v15 =	vld.idx.msk [tilespmem:v14+s7+$0x0], $0xffff;
	_ =	sdelay $0x2  }
0x1ef: {  	s14 =	sadd.s32 $0x100, s19;
	v16 =	vld.idx.msk [tilespmem:v14+s0+$0x0], $0xffff  }
0x1f0: {  	v17 =	vld [tilespmem:s14+$0xFFFFFF80]  }
0x1f1: {  	v18 =	vshll.u32 v15, $0x6  }
0x1f2: {  	v19 =	vor.u32 v6, v18;
	_ =	sdelay $0x1  }
0x1f3: {  	v20 =	vld [tilespmem:s14+$0xFFFFFFC0]  }
0x1f4: {  	v21 =	vld.idx.msk [tilespmem:v14+s6+$0x0], $0xffff;
	v17 =	vmul.f32 v17, v16  }
0x1f5: {  	v48 =	vld.idx.msk [tilespmem:v14+s2+$0x0], $0xffff  }
0x1f6: {  	[tilespmem:v19+s8+$0x0] =	vst.idx.add.f32.msk $0xffff, v17  }
0x1f7: {  	v17 =	vld.idx.msk [tilespmem:v19+s9+$0x0], $0xffff;
	_ =	sdelay $0x2  }
0x1f8: {  	v20 =	vmul.f32 v20, v48;
	_ =	sdelay $0x1  }
0x1f9: {  	v17 =	vmax.f32 v17, v20  }
0x1fa: {  	[tilespmem:v19+s9+$0x0] =	vst.idx.msk $0xffff, v17  }
0x1fb: {  	v17 =	vld [tilespmem:s14+$0xFFFFFF90];
	_ =	sdelay $0x1  }
0x1fc: {  	v49 =	vor.u32 v7, v18;
	_ =	sdelay $0x2  }
0x1fd: {  	v17 =	vmul.f32 v17, v16  }
0x1fe: {  	v50 =	vld [tilespmem:s14+$0xFFFFFFD0]  }
0x1ff: {  	[tilespmem:v49+s8+$0x0] =	vst.idx.add.f32.msk $0xffff, v17  }
0x200: {  	v17 =	vld.idx.msk [tilespmem:v49+s9+$0x0], $0xffff;
	_ =	sdelay $0x2  }
0x201: {  	v20 =	vmul.f32 v50, v48;
	_ =	sdelay $0x1  }
0x202: {  	v17 =	vmax.f32 v17, v20  }
0x203: {  	[tilespmem:v49+s9+$0x0] =	vst.idx.msk $0xffff, v17  }
0x204: {  	v17 =	vld [tilespmem:s14+$0xFFFFFFA0];
	_ =	sdelay $0x1  }
0x205: {  	v51 =	vor.u32 v8, v18;
	_ =	sdelay $0x2  }
0x206: {  	v17 =	vmul.f32 v17, v16  }
0x207: {  	v52 =	vld [tilespmem:s14+$0xFFFFFFE0]  }
0x208: {  	[tilespmem:v51+s8+$0x0] =	vst.idx.add.f32.msk $0xffff, v17  }
0x209: {  	v17 =	vld.idx.msk [tilespmem:v51+s9+$0x0], $0xffff;
	_ =	sdelay $0x2  }
0x20a: {  	v20 =	vmul.f32 v52, v48;
	_ =	sdelay $0x1  }
0x20b: {  	v17 =	vmax.f32 v17, v20  }
0x20c: {  	[tilespmem:v51+s9+$0x0] =	vst.idx.msk $0xffff, v17  }
0x20d: {  	v17 =	vld [tilespmem:s14+$0xFFFFFFB0];
	_ =	sdelay $0x1  }
0x20e: {  	v18 =	vor.u32 v9, v18;
	_ =	sdelay $0x2  }
0x20f: {  	v17 =	vmul.f32 v17, v16  }
0x210: {  	v19 =	vld [tilespmem:s14+$0xFFFFFFF0]  }
0x211: {  	[tilespmem:v18+s8+$0x0] =	vst.idx.add.f32.msk $0xffff, v17  }
0x212: {  	v17 =	vld.idx.msk [tilespmem:v18+s9+$0x0], $0xffff  }
0x213: {  	v53 =	vmul.f32 v11, v21;
	v16 =	vmul.f32 v10, v16  }
0x214: {  	s3 =	sadd.s32 $0x1, s11;
	v15 =	vadd.s32 v12, v15  }
0x215: {  	v54 =	vmov s3;
	v14 =	vmul.f32 v19, v48;
	v16 =	vadd.f32 v53, v16;
	_ =	sdelay $0x1  }
0x216: {  	v16 =	vadd.f32 v13, v16;
	v14 =	vmax.f32 v17, v14  }
0x217: {  	[tilespmem:v18+s9+$0x0] =	vst.idx.msk $0xffff, v14  }
0x218: {  	[tilespmem:v15+s10+$0x0] =	vst.idx.add.f32.msk $0x7, v16  }
0x219: {  	v14 =	vld.idx.msk [tilespmem:v54+s7+$0x0], $0xffff;
	_ =	sdelay $0x2  }
0x21a: {  	v15 =	vld.idx.msk [tilespmem:v54+s0+$0x0], $0xffff  }
0x21b: {  	v16 =	vld [tilespmem:s14+$0x0]  }
0x21c: {  	v55 =	vshll.u32 v14, $0x6  }
0x21d: {  	v56 =	vor.u32 v6, v55;
	_ =	sdelay $0x1  }
0x21e: {  	v57 =	vld [tilespmem:s14+$0x40]  }
0x21f: {  	v58 =	vld.idx.msk [tilespmem:v54+s6+$0x0], $0xffff;
	v16 =	vmul.f32 v16, v15  }
0x220: {  	v19 =	vld.idx.msk [tilespmem:v54+s2+$0x0], $0xffff  }
0x221: {  	[tilespmem:v56+s8+$0x0] =	vst.idx.add.f32.msk $0xffff, v16  }
0x222: {  	v16 =	vld.idx.msk [tilespmem:v56+s9+$0x0], $0xffff;
	_ =	sdelay $0x2  }
0x223: {  	v20 =	vmul.f32 v57, v19;
	_ =	sdelay $0x1  }
0x224: {  	v16 =	vmax.f32 v16, v20  }
0x225: {  	[tilespmem:v56+s9+$0x0] =	vst.idx.msk $0xffff, v16  }
0x226: {  	v16 =	vld [tilespmem:s14+$0x10];
	_ =	sdelay $0x1  }
0x227: {  	v59 =	vor.u32 v7, v55;
	_ =	sdelay $0x2  }
0x228: {  	v16 =	vmul.f32 v16, v15  }
0x229: {  	v60 =	vld [tilespmem:s14+$0x50]  }
0x22a: {  	[tilespmem:v59+s8+$0x0] =	vst.idx.add.f32.msk $0xffff, v16  }
0x22b: {  	v16 =	vld.idx.msk [tilespmem:v59+s9+$0x0], $0xffff;
	_ =	sdelay $0x2  }
0x22c: {  	v20 =	vmul.f32 v60, v19;
	_ =	sdelay $0x1  }
0x22d: {  	v16 =	vmax.f32 v16, v20  }
0x22e: {  	[tilespmem:v59+s9+$0x0] =	vst.idx.msk $0xffff, v16  }
0x22f: {  	v16 =	vld [tilespmem:s14+$0x20];
	_ =	sdelay $0x1  }
0x230: {  	v61 =	vor.u32 v8, v55;
	_ =	sdelay $0x2  }
0x231: {  	v16 =	vmul.f32 v16, v15  }
0x232: {  	v62 =	vld [tilespmem:s14+$0x60]  }
0x233: {  	[tilespmem:v61+s8+$0x0] =	vst.idx.add.f32.msk $0xffff, v16  }
0x234: {  	v16 =	vld.idx.msk [tilespmem:v61+s9+$0x0], $0xffff;
	_ =	sdelay $0x2  }
0x235: {  	v20 =	vmul.f32 v62, v19;
	_ =	sdelay $0x1  }
0x236: {  	v16 =	vmax.f32 v16, v20  }
0x237: {  	[tilespmem:v61+s9+$0x0] =	vst.idx.msk $0xffff, v16  }
0x238: {  	v16 =	vld [tilespmem:s14+$0x30];
	_ =	sdelay $0x1  }
0x239: {  	v17 =	vor.u32 v9, v55;
	_ =	sdelay $0x2  }
0x23a: {  	v16 =	vmul.f32 v16, v15  }
0x23b: {  	v18 =	vld [tilespmem:s14+$0x70]  }
0x23c: {  	[tilespmem:v17+s8+$0x0] =	vst.idx.add.f32.msk $0xffff, v16  }
0x23d: {  	v16 =	vld.idx.msk [tilespmem:v17+s9+$0x0], $0xffff  }
0x23e: {  	v10 =	vmul.f32 v10, v15;
	v11 =	vmul.f32 v11, v58  }
0x23f: {  	p1 =	slt.s32 s16, $0x81;
	v63 =	vadd.s32 v12, v14  }
.Ltmp10:
0x240: {  	v10 =	vadd.f32 v11, v10;
	v11 =	vmul.f32 v18, v19;
	(pc) =	sbr.rel @p1 .LBB2_23-.Ltmp10, $4  }
0x241: {  	_ = 	snop  }
0x242: {  	v10 =	vadd.f32 v13, v10;
	v11 =	vmax.f32 v16, v11  }
0x243: {  	[tilespmem:v17+s9+$0x0] =	vst.idx.msk $0xffff, v11  }
0x244: {  	s14 =	sadd.s32 $0xFFFFFF80, s16;
	[tilespmem:v63+s10+$0x0] =	vst.idx.add.f32.msk $0x7, v10  }
0x245: {  	p2 =	seq.s32 s15, $0x1  }
.Ltmp11:
0x246: {  	_ = 	snop;
	(pc) =	sbr.rel @p2 .LBB2_17-.Ltmp11, $3  }
0x247: {  	_ =	sdelay $0x1  }
0x248: {  	s19 =	simm.s32 $0xF00;
	s11 =	simm.s32 $0x1480;
	s4 =	simm.s32 $0x1A00  }
0x249: {  	s23 =	simm.s32 $0x0;
	s3 =	sadd.s32 $0xFFFFFFFF, s15;
	p1 =	por $0x0, $0x0  }
0x24a: {  	s5 =	sand.u32 $0xFFFFFFF0, s23  }
0x24b: {  	v11 =	vld [tilespmem:s5+$0xF80]  }
0x24c: {  	p2 =	seq.s32 s3, $0x1;
	v12 =	vld [tilespmem:s5+$0x1500]  }
.Ltmp12:
0x24d: {  	v10 =	vld [tilespmem:s5+$0x1A80];
	(pc) =	sbr.rel @p2 .LBB2_19-.Ltmp12, $3  }
0x24e: {  	_ =	sdelay $0x1  }
0x24f: {  	s22 =	simm.s32 $0x1A10;
	s23 =	simm.s32 $0x10;
	p1 =	por $0x1, $0x1;
	[tilespmem:s19+$0x0] =	vst v11  }
0x250: {  	s15 =	simm.s32 $0xF00;
	s5 =	sadd.s32 $0xFFFFFFFF, s3;
	s3 =	simm.s32 $0x1480;
	[tilespmem:s11+$0x0] =	vst v12  }
.LBB2_20:
0x251: {  	s1 =	sand.u32 $0xFFFFFFF0, s23;
	[tilespmem:s4+$0x0] =	vst v10;
	s15 =	sadd.s32 $0x10, s15;
	s3 =	sadd.s32 $0x10, s3  }
0x252: {  	p2 =	seq.s32 s5, $0x1;
	s5 =	sadd.s32 $0xFFFFFFFF, s5;
	s4 =	smov.u32 s22;
	v11 =	vld [tilespmem:s1+$0xF80]  }
0x253: {  	v12 =	vld [tilespmem:s1+$0x1500]  }
.Ltmp13:
0x254: {  	v10 =	vld [tilespmem:s1+$0x1A80];
	(pc) =	sbr.rel @!p2 .LBB2_20-.Ltmp13, $3  }
0x255: {  	_ =	sdelay $0x1  }
0x256: {  	[tilespmem:s15+$0x0] =	vst v11  }
0x257: {  	s22 =	sadd.s32 $0x10, s22;
	s23 =	sadd.s32 $0x10, s23;
	[tilespmem:s3+$0x0] =	vst v12  }
0x258: {  	s5 =	smov.u32 s4;
	s4 =	smov.u32 s22  }
.LBB2_22:
0x259: {  	s1 =	sand.u32 $0xFFFFFFF0, s23;
	[tilespmem:s5+$0x0] =	vst @p1 v10  }
0x25a: {  	v10 =	vld [tilespmem:s1+$0xF80]  }
0x25b: {  	v11 =	vld [tilespmem:s1+$0x1500]  }
0x25c: {  	v12 =	vld [tilespmem:s1+$0x1A80]  }
0x25d: {  	s1 =	sadd.s32 @p1 $0x10, s15  }
0x25e: {  	s3 =	sadd.s32 @p1 $0x10, s3;
	s19 =	smov.u32 @p1 s1  }
0x25f: {  	s11 =	smov.u32 @p1 s3;
	[tilespmem:s19+$0x0] =	vst v10  }
0x260: {  	[tilespmem:s11+$0x0] =	vst v11  }
0x261: {  	[tilespmem:s4+$0x0] =	vst v12  }
0x262: {  	p1 =	slt.u32 s16, $0x100  }
.Ltmp14:
0x263: {  	_ = 	snop;
	(pc) =	sbr.rel @!p1 .LBB2_13-.Ltmp14, $4  }
.Ltmp15:
0x264: {  	_ = 	snop;
	(pc) =	sbr.rel @p1 .LBB2_23-.Ltmp15, $4  }
0x265: {  	_ = 	snop  }
0x266: {  	_ = 	snop  }
0x267: {  	s13 =	sadd.s32 $0xFFFFFF80, s13  }
0x268: {  	_ = 	snop  }
.LBB2_17:
.Ltmp16:
0x269: {  	(pc) =	sbr.rel .LBB2_22-.Ltmp16, $2  }
0x26a: {  	_ =	sdelay $0x2  }
0x26b: {  	s15 =	simm.s32 $0xF00;
	s3 =	simm.s32 $0x1480  }
.LBB2_19:
.Ltmp17:
0x26c: {  	(pc) =	sbr.rel .LBB2_22-.Ltmp17, $3  }
0x26d: {  	_ =	sdelay $0x1  }
0x26e: {  	s5 =	simm.s32 $0x1A00  }
0x26f: {  	s15 =	simm.s32 $0xF00;
	s3 =	simm.s32 $0x1480;
	s4 =	simm.s32 $0x1A10  }
.LBB2_24:
0x270: {  	v10 =	vxor.u32 $0x80000000, v10  }
0x271: {  	(xrf0) =	vmax.scan.msk.u32 $0xffff, v10;
	_ =	sdelay $0x5  }
0x272: {  	v10, _, _ =	vpop (xrf0)  }
0x273: {  	(v2sf) =	vpush v10, $0xF;
	_ =	sdelay $0xe  }
0x274: {  	s1 =	spop (v2sf)  }
0x275: {  	s3 =	sxor.u32 $0x80000000, s1  }
0x276: {  	p1 =	slt.s32 s3, $0x1  }
.Ltmp18:
0x277: {  	_ = 	snop;
	(pc) =	sbr.rel @p1 .LBB2_28-.Ltmp18, $2  }
0x278: {  	_ =	sdelay $0x2  }
0x279: {  	s11 =	rddreg [dreg:$0x11]  }
0x27a: {  	[tilespmem:s30], [sflag:$0x2] =	stream.indirect.gather [hbm4b:s17+s29], $0x80, s25, s29, $0xb8;
	[tilespmem:$0x1FD00] =	vst v63  }
0x27b: {  	v10 =	vld [tilespmem:$0xF00];
	_ =	sdelay $0x1  }
0x27c: {  	v11 =	vld [tilespmem:$0x1480];
	_ =	sdelay $0x4  }
0x27d: {  	v12 =	vld [tilespmem:$0x1A00]  }
0x27e: {  	v13 =	vld.idx.msk [tilespmem:v10+s18+$0x0], $0xffff;
	_ =	sdelay $0x1  }
0x27f: {  	v14 =	vld.idx.msk [tilespmem:v11+s21+$0x0], $0xffff;
	_ =	sdelay $0x2  }
0x280: {  	v13 =	vmul.f32 v13, v12;
	_ =	sdelay $0x1  }
0x281: {  	v13 =	vadd.f32 v14, v13;
	_ =	sdelay $0x1  }
0x282: {  	v14 =	vmul.f32 $9.999999770e-03, v13  }
0x283: {  	vm3 =	vge.f32 v13, $0.0e+00  }
0x284: {  	v13 =	vsel vm3, v13, v14  }
0x285: {  	v13 =	vmul.f32 $1.442695020e+00, v13;
	_ =	sdelay $0x1  }
0x286: {  	(erf) = vpow2.f32 v13;
	_ =	sdelay $0x1  }
0x287: {  	v13 =	vld.idx.msk [tilespmem:v10+s20+$0x0], $0xffff;
	_ =	sdelay $0x1  }
0x288: {  	v14 =	vld [tilespmem:$0xF10]  }
0x289: {  	v10 =	vmov s3  }
0x28a: {  	v16 =	vld [tilespmem:$0x1490];
	vm3 =	vgt.s32 v10, v6  }
0x28b: {  	v11 =	vnsel vm3, $0x280, v11;
	v13 =	vmul.f32 v13, v12  }
0x28c: {  	[tilespmem:$0x2100] =	vst v11;
	v12 =	vnsel vm3, $0x0, v12  }
0x28d: {  	[tilespmem:$0x2000] =	vst v12;
	v12 =	vnsel vm3, $0x0, v13;
	v15 =	vpop (erf)  }
0x28e: {  	[tilespmem:$0x2080] =	vst v12;
	v15 =	vnsel vm3, $0x0, v15  }
0x28f: {  	v11 =	vld [tilespmem:$0x1A10];
	[tilespmem:$0x1F80] =	vst v15  }
0x290: {  	v12 =	vld.idx.msk [tilespmem:v14+s18+$0x0], $0xffff;
	_ =	sdelay $0x1  }
0x291: {  	v13 =	vld.idx.msk [tilespmem:v16+s21+$0x0], $0xffff;
	_ =	sdelay $0x2  }
0x292: {  	v12 =	vmul.f32 v12, v11;
	_ =	sdelay $0x1  }
0x293: {  	v12 =	vadd.f32 v13, v12;
	_ =	sdelay $0x1  }
0x294: {  	v13 =	vmul.f32 $9.999999770e-03, v12  }
0x295: {  	vm3 =	vge.f32 v12, $0.0e+00  }
0x296: {  	v12 =	vsel vm3, v12, v13  }
0x297: {  	v12 =	vmul.f32 $1.442695020e+00, v12;
	_ =	sdelay $0x1  }
0x298: {  	(erf) = vpow2.f32 v12  }
0x299: {  	v12 =	vld.idx.msk [tilespmem:v14+s20+$0x0], $0xffff;
	_ =	sdelay $0x2  }
0x29a: {  	v13 =	vld [tilespmem:$0xF20];
	_ =	sdelay $0x1  }
0x29b: {  	v15 =	vld [tilespmem:$0x14A0];
	vm3 =	vgt.s32 v10, v7;
	v12 =	vmul.f32 v12, v11  }
0x29c: {  	v11 =	vnsel vm3, $0x0, v11  }
0x29d: {  	[tilespmem:$0x2010] =	vst v11;
	v11 =	vnsel vm3, $0x0, v12  }
0x29e: {  	[tilespmem:$0x2090] =	vst v11;
	v11 =	vnsel vm3, $0x280, v16;
	v14 =	vpop (erf)  }
0x29f: {  	[tilespmem:$0x2110] =	vst v11;
	v14 =	vnsel vm3, $0x0, v14  }
0x2a0: {  	v11 =	vld [tilespmem:$0x1A20];
	[tilespmem:$0x1F90] =	vst v14  }
0x2a1: {  	v12 =	vld.idx.msk [tilespmem:v13+s18+$0x0], $0xffff;
	_ =	sdelay $0x1  }
0x2a2: {  	v14 =	vld.idx.msk [tilespmem:v15+s21+$0x0], $0xffff;
	_ =	sdelay $0x2  }
0x2a3: {  	v12 =	vmul.f32 v12, v11;
	_ =	sdelay $0x1  }
0x2a4: {  	v12 =	vadd.f32 v14, v12;
	_ =	sdelay $0x1  }
0x2a5: {  	v14 =	vmul.f32 $9.999999770e-03, v12  }
0x2a6: {  	vm3 =	vge.f32 v12, $0.0e+00  }
0x2a7: {  	v12 =	vsel vm3, v12, v14  }
0x2a8: {  	v12 =	vmul.f32 $1.442695020e+00, v12;
	_ =	sdelay $0x1  }
0x2a9: {  	(erf) = vpow2.f32 v12  }
0x2aa: {  	v12 =	vld.idx.msk [tilespmem:v13+s20+$0x0], $0xffff;
	_ =	sdelay $0x2  }
0x2ab: {  	v13 =	vld [tilespmem:$0xF30];
	_ =	sdelay $0x1  }
0x2ac: {  	v16 =	vld [tilespmem:$0x14B0];
	vm3 =	vgt.s32 v10, v8;
	v12 =	vmul.f32 v12, v11  }
0x2ad: {  	v11 =	vnsel vm3, $0x0, v11  }
0x2ae: {  	[tilespmem:$0x2020] =	vst v11;
	v11 =	vnsel vm3, $0x0, v12  }
0x2af: {  	[tilespmem:$0x20A0] =	vst v11;
	v11 =	vnsel vm3, $0x280, v15;
	v14 =	vpop (erf)  }
0x2b0: {  	[tilespmem:$0x2120] =	vst v11;
	v14 =	vnsel vm3, $0x0, v14  }
0x2b1: {  	v11 =	vld [tilespmem:$0x1A30];
	[tilespmem:$0x1FA0] =	vst v14  }
0x2b2: {  	v12 =	vld.idx.msk [tilespmem:v13+s18+$0x0], $0xffff;
	_ =	sdelay $0x1  }
0x2b3: {  	v14 =	vld.idx.msk [tilespmem:v16+s21+$0x0], $0xffff;
	_ =	sdelay $0x2  }
0x2b4: {  	v12 =	vmul.f32 v12, v11;
	_ =	sdelay $0x1  }
0x2b5: {  	v12 =	vadd.f32 v14, v12;
	_ =	sdelay $0x1  }
0x2b6: {  	v14 =	vmul.f32 $9.999999770e-03, v12  }
0x2b7: {  	vm3 =	vge.f32 v12, $0.0e+00  }
0x2b8: {  	v12 =	vsel vm3, v12, v14  }
0x2b9: {  	v12 =	vmul.f32 $1.442695020e+00, v12;
	_ =	sdelay $0x1  }
0x2ba: {  	(erf) = vpow2.f32 v12  }
0x2bb: {  	v12 =	vld.idx.msk [tilespmem:v13+s20+$0x0], $0xffff;
	_ =	sdelay $0x2  }
0x2bc: {  	v13 =	vld [tilespmem:$0xF40];
	_ =	sdelay $0x1  }
0x2bd: {  	v15 =	vld [tilespmem:$0x14C0];
	vm3 =	vgt.s32 v10, v9;
	v12 =	vmul.f32 v12, v11  }
0x2be: {  	v11 =	vnsel vm3, $0x0, v11  }
0x2bf: {  	[tilespmem:$0x2030] =	vst v11;
	v11 =	vnsel vm3, $0x0, v12  }
0x2c0: {  	[tilespmem:$0x20B0] =	vst v11;
	v11 =	vnsel vm3, $0x280, v16;
	v14 =	vpop (erf)  }
0x2c1: {  	[tilespmem:$0x2130] =	vst v11;
	v14 =	vnsel vm3, $0x0, v14  }
0x2c2: {  	v11 =	vld [tilespmem:$0x1A40];
	[tilespmem:$0x1FB0] =	vst v14  }
0x2c3: {  	v12 =	vld.idx.msk [tilespmem:v13+s18+$0x0], $0xffff;
	_ =	sdelay $0x1  }
0x2c4: {  	v14 =	vld.idx.msk [tilespmem:v15+s21+$0x0], $0xffff;
	_ =	sdelay $0x2  }
0x2c5: {  	v12 =	vmul.f32 v12, v11;
	_ =	sdelay $0x1  }
0x2c6: {  	v12 =	vadd.f32 v14, v12;
	_ =	sdelay $0x1  }
0x2c7: {  	v14 =	vmul.f32 $9.999999770e-03, v12  }
0x2c8: {  	vm3 =	vge.f32 v12, $0.0e+00  }
0x2c9: {  	v12 =	vsel vm3, v12, v14  }
0x2ca: {  	v12 =	vmul.f32 $1.442695020e+00, v12;
	_ =	sdelay $0x1  }
0x2cb: {  	(erf) = vpow2.f32 v12  }
0x2cc: {  	v12 =	vld.idx.msk [tilespmem:v13+s20+$0x0], $0xffff;
	_ =	sdelay $0x2  }
0x2cd: {  	v13 =	vld [tilespmem:$0xF50]  }
0x2ce: {  	v14 =	vor.u32 $0x40, v6  }
0x2cf: {  	v16 =	vld [tilespmem:$0x14D0];
	vm3 =	vgt.s32 v10, v14;
	v12 =	vmul.f32 v12, v11  }
0x2d0: {  	v11 =	vnsel vm3, $0x0, v11  }
0x2d1: {  	[tilespmem:$0x2040] =	vst v11;
	v11 =	vnsel vm3, $0x0, v12  }
0x2d2: {  	[tilespmem:$0x20C0] =	vst v11;
	v11 =	vnsel vm3, $0x280, v15;
	v14 =	vpop (erf)  }
0x2d3: {  	[tilespmem:$0x2140] =	vst v11;
	v14 =	vnsel vm3, $0x0, v14  }
0x2d4: {  	v11 =	vld [tilespmem:$0x1A50];
	[tilespmem:$0x1FC0] =	vst v14  }
0x2d5: {  	v12 =	vld.idx.msk [tilespmem:v13+s18+$0x0], $0xffff;
	_ =	sdelay $0x1  }
0x2d6: {  	v14 =	vld.idx.msk [tilespmem:v16+s21+$0x0], $0xffff;
	_ =	sdelay $0x2  }
0x2d7: {  	v12 =	vmul.f32 v12, v11;
	_ =	sdelay $0x1  }
0x2d8: {  	v12 =	vadd.f32 v14, v12;
	_ =	sdelay $0x1  }
0x2d9: {  	v14 =	vmul.f32 $9.999999770e-03, v12  }
0x2da: {  	vm3 =	vge.f32 v12, $0.0e+00  }
0x2db: {  	v12 =	vsel vm3, v12, v14  }
0x2dc: {  	v12 =	vmul.f32 $1.442695020e+00, v12;
	_ =	sdelay $0x1  }
0x2dd: {  	(erf) = vpow2.f32 v12  }
0x2de: {  	v12 =	vld.idx.msk [tilespmem:v13+s20+$0x0], $0xffff;
	_ =	sdelay $0x2  }
0x2df: {  	v13 =	vld [tilespmem:$0xF60]  }
0x2e0: {  	v14 =	vor.u32 $0x50, v6  }
0x2e1: {  	v15 =	vld [tilespmem:$0x14E0];
	vm3 =	vgt.s32 v10, v14;
	v12 =	vmul.f32 v12, v11  }
0x2e2: {  	v11 =	vnsel vm3, $0x0, v11  }
0x2e3: {  	[tilespmem:$0x2050] =	vst v11;
	v11 =	vnsel vm3, $0x0, v12  }
0x2e4: {  	[tilespmem:$0x20D0] =	vst v11;
	v11 =	vnsel vm3, $0x280, v16;
	v14 =	vpop (erf)  }
0x2e5: {  	[tilespmem:$0x2150] =	vst v11;
	v14 =	vnsel vm3, $0x0, v14  }
0x2e6: {  	v11 =	vld [tilespmem:$0x1A60];
	[tilespmem:$0x1FD0] =	vst v14  }
0x2e7: {  	v12 =	vld.idx.msk [tilespmem:v13+s18+$0x0], $0xffff;
	_ =	sdelay $0x1  }
0x2e8: {  	v14 =	vld.idx.msk [tilespmem:v15+s21+$0x0], $0xffff;
	_ =	sdelay $0x2  }
0x2e9: {  	v12 =	vmul.f32 v12, v11;
	_ =	sdelay $0x1  }
0x2ea: {  	v12 =	vadd.f32 v14, v12;
	_ =	sdelay $0x1  }
0x2eb: {  	v14 =	vmul.f32 $9.999999770e-03, v12  }
0x2ec: {  	vm3 =	vge.f32 v12, $0.0e+00  }
0x2ed: {  	v12 =	vsel vm3, v12, v14  }
0x2ee: {  	v12 =	vmul.f32 $1.442695020e+00, v12;
	_ =	sdelay $0x1  }
0x2ef: {  	(erf) = vpow2.f32 v12  }
0x2f0: {  	v12 =	vld.idx.msk [tilespmem:v13+s20+$0x0], $0xffff;
	_ =	sdelay $0x2  }
0x2f1: {  	v13 =	vld [tilespmem:$0xF70]  }
0x2f2: {  	v14 =	vor.u32 $0x60, v6  }
0x2f3: {  	v16 =	vld [tilespmem:$0x14F0];
	vm3 =	vgt.s32 v10, v14;
	v12 =	vmul.f32 v12, v11  }
0x2f4: {  	v11 =	vnsel vm3, $0x0, v11  }
0x2f5: {  	[tilespmem:$0x2060] =	vst v11;
	v11 =	vnsel vm3, $0x0, v12  }
0x2f6: {  	[tilespmem:$0x20E0] =	vst v11;
	v11 =	vnsel vm3, $0x280, v15;
	v14 =	vpop (erf)  }
0x2f7: {  	[tilespmem:$0x2160] =	vst v11;
	v14 =	vnsel vm3, $0x0, v14  }
0x2f8: {  	v11 =	vld [tilespmem:$0x1A70];
	[tilespmem:$0x1FE0] =	vst v14  }
0x2f9: {  	v12 =	vld.idx.msk [tilespmem:v13+s18+$0x0], $0xffff;
	_ =	sdelay $0x1  }
0x2fa: {  	v14 =	vld.idx.msk [tilespmem:v16+s21+$0x0], $0xffff;
	_ =	sdelay $0x2  }
0x2fb: {  	v12 =	vmul.f32 v12, v11;
	_ =	sdelay $0x1  }
0x2fc: {  	v12 =	vadd.f32 v14, v12;
	_ =	sdelay $0x1  }
0x2fd: {  	v14 =	vmul.f32 $9.999999770e-03, v12  }
0x2fe: {  	vm3 =	vge.f32 v12, $0.0e+00  }
0x2ff: {  	v12 =	vsel vm3, v12, v14  }
0x300: {  	v12 =	vmul.f32 $1.442695020e+00, v12;
	_ =	sdelay $0x1  }
0x301: {  	(erf) = vpow2.f32 v12;
	_ =	sdelay $0x4  }
0x302: {  	v12 =	vld.idx.msk [tilespmem:v13+s20+$0x0], $0xffff;
	_ =	sdelay $0x2  }
0x303: {  	v13 =	vor.u32 $0x70, v6  }
0x304: {  	s1 =	simm.s32 $0x0;
	vm3 =	vgt.s32 v10, v13;
	v10 =	vpop (erf)  }
0x305: {  	v13 =	vmov s1;
	v12 =	vmul.f32 v12, v11;
	v10 =	vnsel vm3, $0x0, v10  }
0x306: {  	[tilespmem:$0x1FF0] =	vst v10;
	v10 =	vnsel vm3, $0x0, v11;
	v11 =	vand.u32 $0xFFFFFFFE, v13  }
0x307: {  	[tilespmem:$0x2070] =	vst v10;
	v10 =	vnsel vm3, $0x0, v12;
	v11 =	vbroadcast v11, $0x0  }
0x308: {  	[tilespmem:$0x20F0] =	vst v10;
	v10 =	vnsel vm3, $0x280, v16  }
0x309: {  	[tilespmem:$0x2170] =	vst v10  }
0x30a: {  	_ =	swait.ge [sflag:s31], $0x4000  }
0x30b: {  	[sflag:s31] =	ssyncset.done $0x0  }
0x30c: {  	[sflag:s31] =	ssyncadd.s32 $0xFFFFC000  }
0x30d: {  	v13 =	vld.idx.msk [tilespmem:v11+s7+$0x0], $0xffff;
	_ =	sdelay $0x2  }
0x30e: {  	s12 =	simm.s32 $0x2200;
	v14 =	vld.idx.msk [tilespmem:v11+s0+$0x0], $0xffff  }
0x30f: {  	v10 =	vld [tilespmem:s12+$0xFFFFFF80]  }
0x310: {  	v12 =	vshll.u32 v13, $0x6  }
0x311: {  	v15 =	vor.u32 v6, v12;
	_ =	sdelay $0x1  }
0x312: {  	v16 =	vld [tilespmem:s12+$0xFFFFFFC0]  }
0x313: {  	v17 =	vld.idx.msk [tilespmem:v11+s6+$0x0], $0xffff;
	v10 =	vmul.f32 v10, v14  }
0x314: {  	v18 =	vld.idx.msk [tilespmem:v11+s2+$0x0], $0xffff  }
0x315: {  	[tilespmem:v15+s8+$0x0] =	vst.idx.add.f32.msk $0xffff, v10  }
0x316: {  	v10 =	vld.idx.msk [tilespmem:v15+s9+$0x0], $0xffff;
	_ =	sdelay $0x2  }
0x317: {  	v11 =	vmul.f32 v16, v18;
	_ =	sdelay $0x1  }
0x318: {  	v10 =	vmax.f32 v10, v11  }
0x319: {  	[tilespmem:v15+s9+$0x0] =	vst.idx.msk $0xffff, v10  }
0x31a: {  	v10 =	vld [tilespmem:s12+$0xFFFFFF90];
	_ =	sdelay $0x1  }
0x31b: {  	v11 =	vor.u32 v7, v12;
	_ =	sdelay $0x2  }
0x31c: {  	v10 =	vmul.f32 v10, v14  }
0x31d: {  	v15 =	vld [tilespmem:s12+$0xFFFFFFD0]  }
0x31e: {  	[tilespmem:v11+s8+$0x0] =	vst.idx.add.f32.msk $0xffff, v10  }
0x31f: {  	v10 =	vld.idx.msk [tilespmem:v11+s9+$0x0], $0xffff;
	_ =	sdelay $0x2  }
0x320: {  	v15 =	vmul.f32 v15, v18;
	_ =	sdelay $0x1  }
0x321: {  	v10 =	vmax.f32 v10, v15  }
0x322: {  	[tilespmem:v11+s9+$0x0] =	vst.idx.msk $0xffff, v10  }
0x323: {  	v10 =	vld [tilespmem:s12+$0xFFFFFFA0];
	_ =	sdelay $0x1  }
0x324: {  	v11 =	vor.u32 v8, v12;
	_ =	sdelay $0x2  }
0x325: {  	v10 =	vmul.f32 v10, v14  }
0x326: {  	v15 =	vld [tilespmem:s12+$0xFFFFFFE0]  }
0x327: {  	[tilespmem:v11+s8+$0x0] =	vst.idx.add.f32.msk $0xffff, v10  }
0x328: {  	v10 =	vld.idx.msk [tilespmem:v11+s9+$0x0], $0xffff;
	_ =	sdelay $0x2  }
0x329: {  	v15 =	vmul.f32 v15, v18;
	_ =	sdelay $0x1  }
0x32a: {  	v10 =	vmax.f32 v10, v15  }
0x32b: {  	[tilespmem:v11+s9+$0x0] =	vst.idx.msk $0xffff, v10  }
0x32c: {  	v10 =	vld [tilespmem:s12+$0xFFFFFFB0];
	_ =	sdelay $0x1  }
0x32d: {  	v15 =	vor.u32 v9, v12;
	_ =	sdelay $0x2  }
0x32e: {  	v10 =	vmul.f32 v10, v14  }
0x32f: {  	v16 =	vld [tilespmem:s12+$0xFFFFFFF0]  }
0x330: {  	[tilespmem:v15+s8+$0x0] =	vst.idx.add.f32.msk $0xffff, v10  }
0x331: {  	v12 =	vsel vm0, $0x288, v4;
	v11 =	vsel vm0, $0x3F800000, v2;
	v10 =	vsel vm2, $0x3F800000, v2;
	v19 =	vld.idx.msk [tilespmem:v15+s9+$0x0], $0xffff  }
0x332: {  	v12 =	vsel vm1, $0x510, v12;
	v17 =	vmul.f32 v11, v17;
	v14 =	vmul.f32 v10, v14  }
0x333: {  	s23 =	simm.s32 $0x1;
	v20 =	vadd.s32 v12, v13  }
0x334: {  	v16 =	vmul.f32 v16, v18;
	v14 =	vadd.f32 v17, v14;
	v17 =	vmov s23  }
0x335: {  	v13 =	vsel vm1, $0x3F800000, v2  }
0x336: {  	v14 =	vadd.f32 v13, v14;
	v16 =	vmax.f32 v19, v16  }
0x337: {  	[tilespmem:v15+s9+$0x0] =	vst.idx.msk $0xffff, v16  }
0x338: {  	[tilespmem:v20+s10+$0x0] =	vst.idx.add.f32.msk $0x7, v14  }
0x339: {  	v15 =	vld.idx.msk [tilespmem:v17+s7+$0x0], $0xffff;
	_ =	sdelay $0x2  }
0x33a: {  	v14 =	vld.idx.msk [tilespmem:v17+s0+$0x0], $0xffff  }
0x33b: {  	v16 =	vld [tilespmem:s12+$0x0]  }
0x33c: {  	v18 =	vshll.u32 v15, $0x6  }
0x33d: {  	v19 =	vor.u32 v6, v18;
	_ =	sdelay $0x1  }
0x33e: {  	v20 =	vld [tilespmem:s12+$0x40]  }
0x33f: {  	v21 =	vld.idx.msk [tilespmem:v17+s6+$0x0], $0xffff;
	v16 =	vmul.f32 v16, v14  }
0x340: {  	v17 =	vld.idx.msk [tilespmem:v17+s2+$0x0], $0xffff  }
0x341: {  	[tilespmem:v19+s8+$0x0] =	vst.idx.add.f32.msk $0xffff, v16  }
0x342: {  	v16 =	vld.idx.msk [tilespmem:v19+s9+$0x0], $0xffff;
	_ =	sdelay $0x2  }
0x343: {  	v20 =	vmul.f32 v20, v17;
	_ =	sdelay $0x1  }
0x344: {  	v16 =	vmax.f32 v16, v20  }
0x345: {  	[tilespmem:v19+s9+$0x0] =	vst.idx.msk $0xffff, v16  }
0x346: {  	v16 =	vld [tilespmem:s12+$0x10];
	_ =	sdelay $0x1  }
0x347: {  	v19 =	vor.u32 v7, v18;
	_ =	sdelay $0x2  }
0x348: {  	v16 =	vmul.f32 v16, v14  }
0x349: {  	v61 =	vld [tilespmem:s12+$0x50]  }
0x34a: {  	[tilespmem:v19+s8+$0x0] =	vst.idx.add.f32.msk $0xffff, v16  }
0x34b: {  	v16 =	vld.idx.msk [tilespmem:v19+s9+$0x0], $0xffff;
	_ =	sdelay $0x2  }
0x34c: {  	v20 =	vmul.f32 v61, v17;
	_ =	sdelay $0x1  }
0x34d: {  	v16 =	vmax.f32 v16, v20  }
0x34e: {  	[tilespmem:v19+s9+$0x0] =	vst.idx.msk $0xffff, v16  }
0x34f: {  	v16 =	vld [tilespmem:s12+$0x20];
	_ =	sdelay $0x1  }
0x350: {  	v19 =	vor.u32 v8, v18;
	_ =	sdelay $0x2  }
0x351: {  	v16 =	vmul.f32 v16, v14  }
0x352: {  	v62 =	vld [tilespmem:s12+$0x60]  }
0x353: {  	[tilespmem:v19+s8+$0x0] =	vst.idx.add.f32.msk $0xffff, v16  }
0x354: {  	v16 =	vld.idx.msk [tilespmem:v19+s9+$0x0], $0xffff;
	_ =	sdelay $0x2  }
0x355: {  	v20 =	vmul.f32 v62, v17;
	_ =	sdelay $0x1  }
0x356: {  	v16 =	vmax.f32 v16, v20  }
0x357: {  	[tilespmem:v19+s9+$0x0] =	vst.idx.msk $0xffff, v16  }
0x358: {  	v16 =	vld [tilespmem:s12+$0x30];
	_ =	sdelay $0x1  }
0x359: {  	v18 =	vor.u32 v9, v18;
	_ =	sdelay $0x1  }
0x35a: {  	v19 =	vld [tilespmem:s12+$0x70]  }
0x35b: {  	v16 =	vmul.f32 v16, v14;
	_ =	sdelay $0x1  }
0x35c: {  	v63 =	vmul.f32 v11, v21;
	v14 =	vmul.f32 v10, v14;
	[tilespmem:v18+s8+$0x0] =	vst.idx.add.f32.msk $0xffff, v16  }
0x35d: {  	s11 =	simm.s32 $0x2;
	v16 =	vld.idx.msk [tilespmem:v18+s9+$0x0], $0xffff  }
0x35e: {  	v17 =	vmul.f32 v19, v17;
	v19 =	vadd.f32 v63, v14;
	v14 =	vmov s11  }
0x35f: {  	v14 =	vand.u32 $0xFFFFFFFE, v14  }
0x360: {  	v15 =	vadd.s32 v12, v15;
	v14 =	vbroadcast v14, $0x0;
	_ =	sdelay $0x1  }
0x361: {  	v17 =	vmax.f32 v16, v17  }
0x362: {  	s13 =	simm.s32 $0x4;
	v16 =	vadd.f32 v13, v19;
	[tilespmem:v18+s9+$0x0] =	vst.idx.msk $0xffff, v17  }
.LBB2_26:
0x363: {  	p1 =	slt.u32 s13, $0x7E  }
0x364: {  	[tilespmem:v15+s10+$0x0] =	vst.idx.add.f32.msk $0x7, v16;
	s12 =	sadd.s32 $0x100, s12;
	s14 =	smov.u32 s13;
	s13 =	sadd.s32 $0x2, s13  }
0x365: {  	v15 =	vld.idx.msk [tilespmem:v14+s7+$0x0], $0xffff;
	_ =	sdelay $0x3  }
0x366: {  	v16 =	vld.idx.msk [tilespmem:v14+s0+$0x0], $0xffff  }
0x367: {  	v17 =	vld [tilespmem:s12+$0xFFFFFF80]  }
0x368: {  	v18 =	vshll.u32 v15, $0x6  }
0x369: {  	v19 =	vor.u32 v6, v18;
	_ =	sdelay $0x1  }
0x36a: {  	v20 =	vld [tilespmem:s12+$0xFFFFFFC0]  }
0x36b: {  	v21 =	vld.idx.msk [tilespmem:v14+s6+$0x0], $0xffff;
	v17 =	vmul.f32 v17, v16  }
0x36c: {  	v14 =	vld.idx.msk [tilespmem:v14+s2+$0x0], $0xffff  }
0x36d: {  	[tilespmem:v19+s8+$0x0] =	vst.idx.add.f32.msk $0xffff, v17  }
0x36e: {  	v17 =	vld.idx.msk [tilespmem:v19+s9+$0x0], $0xffff;
	_ =	sdelay $0x3  }
0x36f: {  	v20 =	vmul.f32 v20, v14;
	_ =	sdelay $0x1  }
0x370: {  	v17 =	vmax.f32 v17, v20  }
0x371: {  	[tilespmem:v19+s9+$0x0] =	vst.idx.msk $0xffff, v17  }
0x372: {  	v17 =	vld [tilespmem:s12+$0xFFFFFF90];
	_ =	sdelay $0x1  }
0x373: {  	v19 =	vor.u32 v7, v18;
	_ =	sdelay $0x2  }
0x374: {  	v17 =	vmul.f32 v17, v16  }
0x375: {  	v20 =	vld [tilespmem:s12+$0xFFFFFFD0]  }
0x376: {  	[tilespmem:v19+s8+$0x0] =	vst.idx.add.f32.msk $0xffff, v17  }
0x377: {  	v17 =	vld.idx.msk [tilespmem:v19+s9+$0x0], $0xffff;
	_ =	sdelay $0x3  }
0x378: {  	v20 =	vmul.f32 v20, v14;
	_ =	sdelay $0x1  }
0x379: {  	v17 =	vmax.f32 v17, v20  }
0x37a: {  	[tilespmem:v19+s9+$0x0] =	vst.idx.msk $0xffff, v17  }
0x37b: {  	v17 =	vld [tilespmem:s12+$0xFFFFFFA0];
	_ =	sdelay $0x1  }
0x37c: {  	v19 =	vor.u32 v8, v18;
	_ =	sdelay $0x2  }
0x37d: {  	v17 =	vmul.f32 v17, v16  }
0x37e: {  	v20 =	vld [tilespmem:s12+$0xFFFFFFE0]  }
0x37f: {  	[tilespmem:v19+s8+$0x0] =	vst.idx.add.f32.msk $0xffff, v17  }
0x380: {  	v17 =	vld.idx.msk [tilespmem:v19+s9+$0x0], $0xffff;
	_ =	sdelay $0x3  }
0x381: {  	v20 =	vmul.f32 v20, v14;
	_ =	sdelay $0x1  }
0x382: {  	v17 =	vmax.f32 v17, v20  }
0x383: {  	[tilespmem:v19+s9+$0x0] =	vst.idx.msk $0xffff, v17  }
0x384: {  	v17 =	vld [tilespmem:s12+$0xFFFFFFB0];
	_ =	sdelay $0x1  }
0x385: {  	v18 =	vor.u32 v9, v18;
	_ =	sdelay $0x2  }
0x386: {  	v17 =	vmul.f32 v17, v16  }
0x387: {  	v19 =	vld [tilespmem:s12+$0xFFFFFFF0]  }
0x388: {  	[tilespmem:v18+s8+$0x0] =	vst.idx.add.f32.msk $0xffff, v17  }
0x389: {  	v17 =	vld.idx.msk [tilespmem:v18+s9+$0x0], $0xffff;
	_ =	sdelay $0x1  }
0x38a: {  	v20 =	vmul.f32 v11, v21;
	v16 =	vmul.f32 v10, v16  }
0x38b: {  	s1 =	sadd.s32 $0x1, s11;
	s11 =	smov.u32 s14;
	v15 =	vadd.s32 v12, v15  }
0x38c: {  	v16 =	vadd.f32 v20, v16;
	v14 =	vmul.f32 v19, v14;
	v19 =	vmov s1;
	_ =	sdelay $0x1  }
0x38d: {  	v16 =	vadd.f32 v13, v16;
	v14 =	vmax.f32 v17, v14  }
0x38e: {  	[tilespmem:v18+s9+$0x0] =	vst.idx.msk $0xffff, v14  }
0x38f: {  	[tilespmem:v15+s10+$0x0] =	vst.idx.add.f32.msk $0x7, v16  }
0x390: {  	v15 =	vld.idx.msk [tilespmem:v19+s7+$0x0], $0xffff;
	_ =	sdelay $0x3  }
0x391: {  	v14 =	vld.idx.msk [tilespmem:v19+s0+$0x0], $0xffff  }
0x392: {  	v16 =	vld [tilespmem:s12+$0x0]  }
0x393: {  	v17 =	vshll.u32 v15, $0x6  }
0x394: {  	v18 =	vor.u32 v6, v17;
	_ =	sdelay $0x1  }
0x395: {  	v20 =	vld [tilespmem:s12+$0x40]  }
0x396: {  	v21 =	vld.idx.msk [tilespmem:v19+s6+$0x0], $0xffff;
	v16 =	vmul.f32 v16, v14  }
0x397: {  	v19 =	vld.idx.msk [tilespmem:v19+s2+$0x0], $0xffff  }
0x398: {  	[tilespmem:v18+s8+$0x0] =	vst.idx.add.f32.msk $0xffff, v16  }
0x399: {  	v16 =	vld.idx.msk [tilespmem:v18+s9+$0x0], $0xffff;
	_ =	sdelay $0x2  }
0x39a: {  	v22 =	vmul.f32 v10, v14;
	v21 =	vmul.f32 v11, v21  }
0x39b: {  	v20 =	vmul.f32 v20, v19  }
0x39c: {  	v21 =	vadd.f32 v21, v22  }
0x39d: {  	v16 =	vmax.f32 v16, v20  }
0x39e: {  	[tilespmem:v18+s9+$0x0] =	vst.idx.msk $0xffff, v16  }
0x39f: {  	v16 =	vld [tilespmem:s12+$0x10]  }
0x3a0: {  	v18 =	vld [tilespmem:s12+$0x50]  }
0x3a1: {  	v20 =	vor.u32 v7, v17;
	_ =	sdelay $0x2  }
0x3a2: {  	v16 =	vmul.f32 v16, v14;
	_ =	sdelay $0x1  }
0x3a3: {  	[tilespmem:v20+s8+$0x0] =	vst.idx.add.f32.msk $0xffff, v16  }
0x3a4: {  	v16 =	vld.idx.msk [tilespmem:v20+s9+$0x0], $0xffff;
	_ =	sdelay $0x3  }
0x3a5: {  	v18 =	vmul.f32 v18, v19;
	_ =	sdelay $0x1  }
0x3a6: {  	v16 =	vmax.f32 v16, v18  }
0x3a7: {  	[tilespmem:v20+s9+$0x0] =	vst.idx.msk $0xffff, v16  }
0x3a8: {  	v16 =	vld [tilespmem:s12+$0x20]  }
0x3a9: {  	v18 =	vld [tilespmem:s12+$0x60]  }
0x3aa: {  	v20 =	vor.u32 v8, v17;
	_ =	sdelay $0x2  }
0x3ab: {  	v16 =	vmul.f32 v16, v14;
	_ =	sdelay $0x1  }
0x3ac: {  	[tilespmem:v20+s8+$0x0] =	vst.idx.add.f32.msk $0xffff, v16  }
0x3ad: {  	v16 =	vld.idx.msk [tilespmem:v20+s9+$0x0], $0xffff;
	_ =	sdelay $0x3  }
0x3ae: {  	v18 =	vmul.f32 v18, v19;
	_ =	sdelay $0x1  }
0x3af: {  	v16 =	vmax.f32 v16, v18  }
0x3b0: {  	[tilespmem:v20+s9+$0x0] =	vst.idx.msk $0xffff, v16  }
0x3b1: {  	v16 =	vld [tilespmem:s12+$0x30]  }
0x3b2: {  	v18 =	vld [tilespmem:s12+$0x70]  }
0x3b3: {  	v17 =	vor.u32 v9, v17;
	_ =	sdelay $0x2  }
0x3b4: {  	v14 =	vmul.f32 v16, v14;
	_ =	sdelay $0x1  }
0x3b5: {  	[tilespmem:v17+s8+$0x0] =	vst.idx.add.f32.msk $0xffff, v14  }
0x3b6: {  	v16 =	vld.idx.msk [tilespmem:v17+s9+$0x0], $0xffff  }
0x3b7: {  	v14 =	vmov s11  }
0x3b8: {  	v14 =	vand.u32 $0xFFFFFFFE, v14  }
.Ltmp19:
0x3b9: {  	v15 =	vadd.s32 v12, v15;
	v14 =	vbroadcast v14, $0x0;
	(pc) =	sbr.rel @p1 .LBB2_26-.Ltmp19, $3  }
0x3ba: {  	v18 =	vmul.f32 v18, v19;
	_ =	sdelay $0x1  }
0x3bb: {  	v18 =	vmax.f32 v16, v18;
	v16 =	vadd.f32 v13, v21  }
0x3bc: {  	[tilespmem:v17+s9+$0x0] =	vst.idx.msk $0xffff, v18  }
0x3bd: {  	_ =	sdelay $0x3  }
0x3be: {  	[tilespmem:v15+s10+$0x0] =	vst.idx.add.f32.msk $0x7, v16  }
0x3bf: {  	v15 =	vld.idx.msk [tilespmem:v14+s7+$0x0], $0xffff;
	_ =	sdelay $0x2  }
0x3c0: {  	s12 =	sadd.s32 $0x100, s12;
	v16 =	vld.idx.msk [tilespmem:v14+s0+$0x0], $0xffff  }
0x3c1: {  	v17 =	vld [tilespmem:s12+$0xFFFFFF80]  }
0x3c2: {  	v18 =	vshll.u32 v15, $0x6  }
0x3c3: {  	v19 =	vor.u32 v6, v18;
	_ =	sdelay $0x1  }
0x3c4: {  	v20 =	vld [tilespmem:s12+$0xFFFFFFC0]  }
0x3c5: {  	v21 =	vld.idx.msk [tilespmem:v14+s6+$0x0], $0xffff;
	v17 =	vmul.f32 v17, v16  }
0x3c6: {  	v48 =	vld.idx.msk [tilespmem:v14+s2+$0x0], $0xffff  }
0x3c7: {  	[tilespmem:v19+s8+$0x0] =	vst.idx.add.f32.msk $0xffff, v17  }
0x3c8: {  	v17 =	vld.idx.msk [tilespmem:v19+s9+$0x0], $0xffff;
	_ =	sdelay $0x2  }
0x3c9: {  	v20 =	vmul.f32 v20, v48;
	_ =	sdelay $0x1  }
0x3ca: {  	v17 =	vmax.f32 v17, v20  }
0x3cb: {  	[tilespmem:v19+s9+$0x0] =	vst.idx.msk $0xffff, v17  }
0x3cc: {  	v17 =	vld [tilespmem:s12+$0xFFFFFF90];
	_ =	sdelay $0x1  }
0x3cd: {  	v49 =	vor.u32 v7, v18;
	_ =	sdelay $0x2  }
0x3ce: {  	v17 =	vmul.f32 v17, v16  }
0x3cf: {  	v50 =	vld [tilespmem:s12+$0xFFFFFFD0]  }
0x3d0: {  	[tilespmem:v49+s8+$0x0] =	vst.idx.add.f32.msk $0xffff, v17  }
0x3d1: {  	v17 =	vld.idx.msk [tilespmem:v49+s9+$0x0], $0xffff;
	_ =	sdelay $0x2  }
0x3d2: {  	v20 =	vmul.f32 v50, v48;
	_ =	sdelay $0x1  }
0x3d3: {  	v17 =	vmax.f32 v17, v20  }
0x3d4: {  	[tilespmem:v49+s9+$0x0] =	vst.idx.msk $0xffff, v17  }
0x3d5: {  	v17 =	vld [tilespmem:s12+$0xFFFFFFA0];
	_ =	sdelay $0x1  }
0x3d6: {  	v51 =	vor.u32 v8, v18;
	_ =	sdelay $0x2  }
0x3d7: {  	v17 =	vmul.f32 v17, v16  }
0x3d8: {  	v52 =	vld [tilespmem:s12+$0xFFFFFFE0]  }
0x3d9: {  	[tilespmem:v51+s8+$0x0] =	vst.idx.add.f32.msk $0xffff, v17  }
0x3da: {  	v17 =	vld.idx.msk [tilespmem:v51+s9+$0x0], $0xffff;
	_ =	sdelay $0x2  }
0x3db: {  	v20 =	vmul.f32 v52, v48;
	_ =	sdelay $0x1  }
0x3dc: {  	v17 =	vmax.f32 v17, v20  }
0x3dd: {  	[tilespmem:v51+s9+$0x0] =	vst.idx.msk $0xffff, v17  }
0x3de: {  	v17 =	vld [tilespmem:s12+$0xFFFFFFB0];
	_ =	sdelay $0x1  }
0x3df: {  	v18 =	vor.u32 v9, v18;
	_ =	sdelay $0x2  }
0x3e0: {  	v17 =	vmul.f32 v17, v16  }
0x3e1: {  	v19 =	vld [tilespmem:s12+$0xFFFFFFF0]  }
0x3e2: {  	[tilespmem:v18+s8+$0x0] =	vst.idx.add.f32.msk $0xffff, v17  }
0x3e3: {  	v17 =	vld.idx.msk [tilespmem:v18+s9+$0x0], $0xffff  }
0x3e4: {  	v53 =	vmul.f32 v11, v21;
	v16 =	vmul.f32 v10, v16  }
0x3e5: {  	s1 =	sadd.s32 $0x1, s11;
	v15 =	vadd.s32 v12, v15  }
0x3e6: {  	v54 =	vmov s1;
	v14 =	vmul.f32 v19, v48;
	v16 =	vadd.f32 v53, v16;
	_ =	sdelay $0x1  }
0x3e7: {  	v16 =	vadd.f32 v13, v16;
	v14 =	vmax.f32 v17, v14  }
0x3e8: {  	[tilespmem:v18+s9+$0x0] =	vst.idx.msk $0xffff, v14  }
0x3e9: {  	[tilespmem:v15+s10+$0x0] =	vst.idx.add.f32.msk $0x7, v16  }
0x3ea: {  	v14 =	vld.idx.msk [tilespmem:v54+s7+$0x0], $0xffff;
	_ =	sdelay $0x2  }
0x3eb: {  	v15 =	vld.idx.msk [tilespmem:v54+s0+$0x0], $0xffff  }
0x3ec: {  	v16 =	vld [tilespmem:s12+$0x0]  }
0x3ed: {  	v55 =	vshll.u32 v14, $0x6  }
0x3ee: {  	v56 =	vor.u32 v6, v55;
	_ =	sdelay $0x1  }
0x3ef: {  	v57 =	vld [tilespmem:s12+$0x40]  }
0x3f0: {  	v58 =	vld.idx.msk [tilespmem:v54+s6+$0x0], $0xffff;
	v16 =	vmul.f32 v16, v15  }
0x3f1: {  	v19 =	vld.idx.msk [tilespmem:v54+s2+$0x0], $0xffff  }
0x3f2: {  	[tilespmem:v56+s8+$0x0] =	vst.idx.add.f32.msk $0xffff, v16  }
0x3f3: {  	v16 =	vld.idx.msk [tilespmem:v56+s9+$0x0], $0xffff;
	_ =	sdelay $0x2  }
0x3f4: {  	v20 =	vmul.f32 v57, v19;
	_ =	sdelay $0x1  }
0x3f5: {  	v16 =	vmax.f32 v16, v20  }
0x3f6: {  	[tilespmem:v56+s9+$0x0] =	vst.idx.msk $0xffff, v16  }
0x3f7: {  	v16 =	vld [tilespmem:s12+$0x10];
	_ =	sdelay $0x1  }
0x3f8: {  	v59 =	vor.u32 v7, v55;
	_ =	sdelay $0x2  }
0x3f9: {  	v16 =	vmul.f32 v16, v15  }
0x3fa: {  	v60 =	vld [tilespmem:s12+$0x50]  }
0x3fb: {  	[tilespmem:v59+s8+$0x0] =	vst.idx.add.f32.msk $0xffff, v16  }
0x3fc: {  	v16 =	vld.idx.msk [tilespmem:v59+s9+$0x0], $0xffff;
	_ =	sdelay $0x2  }
0x3fd: {  	v20 =	vmul.f32 v60, v19;
	_ =	sdelay $0x1  }
0x3fe: {  	v16 =	vmax.f32 v16, v20  }
0x3ff: {  	[tilespmem:v59+s9+$0x0] =	vst.idx.msk $0xffff, v16  }
0x400: {  	v16 =	vld [tilespmem:s12+$0x20];
	_ =	sdelay $0x1  }
0x401: {  	v61 =	vor.u32 v8, v55;
	_ =	sdelay $0x2  }
0x402: {  	v16 =	vmul.f32 v16, v15  }
0x403: {  	v62 =	vld [tilespmem:s12+$0x60]  }
0x404: {  	[tilespmem:v61+s8+$0x0] =	vst.idx.add.f32.msk $0xffff, v16  }
0x405: {  	v16 =	vld.idx.msk [tilespmem:v61+s9+$0x0], $0xffff;
	_ =	sdelay $0x2  }
0x406: {  	v20 =	vmul.f32 v62, v19;
	_ =	sdelay $0x1  }
0x407: {  	v16 =	vmax.f32 v16, v20  }
0x408: {  	[tilespmem:v61+s9+$0x0] =	vst.idx.msk $0xffff, v16  }
0x409: {  	v16 =	vld [tilespmem:s12+$0x30];
	_ =	sdelay $0x1  }
0x40a: {  	v17 =	vor.u32 v9, v55;
	_ =	sdelay $0x2  }
0x40b: {  	v16 =	vmul.f32 v16, v15  }
0x40c: {  	v18 =	vld [tilespmem:s12+$0x70]  }
0x40d: {  	[tilespmem:v17+s8+$0x0] =	vst.idx.add.f32.msk $0xffff, v16  }
0x40e: {  	v16 =	vld.idx.msk [tilespmem:v17+s9+$0x0], $0xffff  }
0x40f: {  	v10 =	vmul.f32 v10, v15;
	v11 =	vmul.f32 v11, v58  }
0x410: {  	v63 =	vadd.s32 v12, v14  }
.Ltmp20:
0x411: {  	v10 =	vadd.f32 v11, v10;
	v11 =	vmul.f32 v18, v19;
	(pc) =	sbr.rel .LBB2_28-.Ltmp20, $4  }
0x412: {  	_ = 	snop  }
0x413: {  	v10 =	vadd.f32 v13, v10;
	v11 =	vmax.f32 v16, v11  }
0x414: {  	[tilespmem:v17+s9+$0x0] =	vst.idx.msk $0xffff, v11  }
0x415: {  	s11 =	rddreg [dreg:$0x11];
	[tilespmem:v63+s10+$0x0] =	vst.idx.add.f32.msk $0x7, v10  }
.LBB2_29:
0x416: {  	_ =	sfence.sel $0x180000  }
0x417: {  	[bflag:$0x0] =	sbarrier.arrive $0xFFFF  }
0x418: {  	_ =	strace $0x90000047  }
0x419: {  	s0 =	stileid.u32;
	[bflag:$0x2] =	sbarrier.arrive $0xFFFF  }
0x41a: {  	p0 =	sne.s32 s0, $0x0;
	s0 =	rddreg [dreg:$0x2]  }
0x41b: {  	s0 =	sadd.s32 @!p0 $0x100000, s0  }
0x41c: {  	[sflag:s0] =	ssyncadd.tile.s32 @!p0 $0x1;
	_ =	shalt  }
.Lfunc_end2:
_tile_overlayer_lowered:
.L_overlay_start_2:
0x41d: {  	(tag) =	ssettag $0x2  }
0x41e: {  	s0 =	rddreg [dreg:$0x0];
	s2 =	stileid.u32  }
0x41f: {  	s1 =	rddreg [dreg:$0x1];
	p0 =	sne.s32 s2, $0x0  }
0x420: {  	s3 =	rddreg [dreg:$0x2];
	[bflag:$0x3] =	sbarrier.arrive $0xFFFF;
	s2 =	simm.s32 @!p0 $0x1C03  }
0x421: {  	[timem:s3], [sflag:s2] =	dma.local @!p0 [hbm:s0], s1  }
0x422: {  	s0 =	simm.s32 @!p0 $0x3  }
0x423: {  	_ =	swait.ge @!p0 [sflag:s0], s1  }
0x424: {  	s1 =	ssub.s32 @!p0 $0x0, s1;
	[sflag:s0] =	ssyncset.done @!p0 $0x0  }
0x425: {  	[sflag:s0] =	ssyncadd.s32 @!p0 s1  }
0x426: {  	[bflag:$0x3] =	sbarrier.arrive $0xFFFF  }
0x427: {  	_ =	shalt  }

</sc_bundles>
